<compile_context>
chip_gen: v7x
topology: tpu7x:2x2x1
jax: 0.10.2.dev20260603
libtpu: 0.0.44.dev20260713+nightly
codegen_flags: <defaults>
</compile_context>

<pallas_src>
import functools

import jax
import jax.numpy as jnp
from jax import lax
from jax.experimental import pallas as pl
from jax.experimental.pallas import tpu as pltpu
from jax.experimental.pallas import tpu_sc as plsc

_VOXEL_X = 0.005
_VOXEL_Y = 0.005
_PC_X = 0.0
_PC_Y = 0.0

_B = 4
_NK = 4096
_C = 256
_H = 200
_W = 200
_HW = _H * _W
_L = 16
_NWORK = 32
_NPPW = (_B * _NK) // _NWORK
_WPB = _NK // _NPPW
_PCH = 32
_NCHUNK = _NPPW // _PCH
_RING = 2
_CCH = _C // _L


def _sc_body(tab_hbm, kpx_hbm, kpy_hbm, stride_hbm, out_hbm,
             kx_v, ky_v, sv_v,
             ia_v, ib_v, ic_v, id_v,
             wa_v, wb_v, wc_v, wd_v,
             rows_v, ob_v, sem, osem):
    wid = lax.axis_index("s") * 2 + lax.axis_index("c")
    b = wid // _WPB
    q0 = (wid % _WPB) * _NPPW

    pltpu.sync_copy(kpx_hbm.at[b, pl.ds(q0, _NPPW)], kx_v)
    pltpu.sync_copy(kpy_hbm.at[b, pl.ds(q0, _NPPW)], ky_v)
    pltpu.sync_copy(stride_hbm, sv_v)
    stride = sv_v[...]
    rbase = b * _HW

    def prep(i):
        sl = pl.ds(i * _L, _L)
        x = ((kx_v[sl] - _PC_X) / _VOXEL_X) / stride
        y = ((ky_v[sl] - _PC_Y) / _VOXEL_Y) / stride
        xt = x.astype(jnp.int32)
        x0 = jnp.where(x < xt.astype(jnp.float32), xt - 1, xt)
        yt = y.astype(jnp.int32)
        y0 = jnp.where(y < yt.astype(jnp.float32), yt - 1, yt)
        x0c = jnp.clip(x0, 0, _W - 1)
        x1c = jnp.clip(x0 + 1, 0, _W - 1)
        y0c = jnp.clip(y0, 0, _H - 1)
        y1c = jnp.clip(y0 + 1, 0, _H - 1)
        x0f = x0c.astype(jnp.float32)
        x1f = x1c.astype(jnp.float32)
        y0f = y0c.astype(jnp.float32)
        y1f = y1c.astype(jnp.float32)
        ia_v[sl] = y0c * _W + x0c + rbase
        ib_v[sl] = y1c * _W + x0c + rbase
        ic_v[sl] = y0c * _W + x1c + rbase
        id_v[sl] = y1c * _W + x1c + rbase
        wa_v[sl] = (x1f - x) * (y1f - y)
        wb_v[sl] = (x1f - x) * (y - y0f)
        wc_v[sl] = (x - x0f) * (y1f - y)
        wd_v[sl] = (x - x0f) * (y - y0f)

    def start_gathers(c, k):
        sl = pl.ds(c * _PCH, _PCH)
        pltpu.async_copy(tab_hbm.at[ia_v.at[sl]], rows_v.at[k, pl.ds(0, _PCH)], sem)
        pltpu.async_copy(tab_hbm.at[ic_v.at[sl]], rows_v.at[k, pl.ds(_PCH, _PCH)], sem)
        pltpu.async_copy(tab_hbm.at[ib_v.at[sl]], rows_v.at[k, pl.ds(2 * _PCH, _PCH)], sem)
        pltpu.async_copy(tab_hbm.at[id_v.at[sl]], rows_v.at[k, pl.ds(3 * _PCH, _PCH)], sem)

    def wait_gathers(c, k):
        del c
        pltpu.make_async_copy(tab_hbm.at[pl.ds(0, 4 * _PCH)], rows_v.at[k], sem).wait()

    def out_slice(c):
        return out_hbm.at[b, pl.ds(q0 + c * _PCH, _PCH)]

    def prep_loop(i, carry):
        prep(i)
        return carry

    lax.fori_loop(0, _NPPW // _L, prep_loop, 0)
    start_gathers(0, 0)

    def chunk(g, carry):
        for k in (0, 1):
            c = g * 2 + k
            cn = jnp.minimum(c + 1, _NCHUNK - 1)
            start_gathers(cn, (k + 1) % 2)
            wait_gathers(c, k)

            @pl.when(g >= 1)
            def _():
                pltpu.make_async_copy(ob_v.at[k], out_slice(c - 2), osem).wait()

            def point(p, inner):
                q = c * _PCH + p
                wa = wa_v[pl.ds(q, _L)][0]
                wb = wb_v[pl.ds(q, _L)][0]
                wc = wc_v[pl.ds(q, _L)][0]
                wd = wd_v[pl.ds(q, _L)][0]
                for j in range(_CCH):
                    sl = pl.ds(j * _L, _L)
                    ob_v[k, p, sl] = (rows_v[k, p, sl] * wa
                                      + rows_v[k, _PCH + p, sl] * wc
                                      + rows_v[k, 2 * _PCH + p, sl] * wb
                                      + rows_v[k, 3 * _PCH + p, sl] * wd)
                return inner

            lax.fori_loop(0, _PCH, point, 0)
            pltpu.async_copy(ob_v.at[k], out_slice(c), osem)
        return carry

    lax.fori_loop(0, _NCHUNK // 2, chunk, 0)
    wait_gathers(_NCHUNK - 1, 0)
    pltpu.make_async_copy(ob_v.at[0], out_slice(_NCHUNK - 2), osem).wait()
    pltpu.make_async_copy(ob_v.at[1], out_slice(_NCHUNK - 1), osem).wait()


_sc_interp = functools.partial(
    pl.kernel,
    mesh=plsc.VectorSubcoreMesh(core_axis_name="c", subcore_axis_name="s"),
    compiler_params=pltpu.CompilerParams(needs_layout_passes=False),
    out_type=jax.ShapeDtypeStruct((_B, _NK, _C), jnp.float32),
    scratch_types=[
        pltpu.VMEM((_NPPW,), jnp.float32),
        pltpu.VMEM((_NPPW,), jnp.float32),
        pltpu.VMEM((_L,), jnp.float32),
        pltpu.VMEM((_NPPW,), jnp.int32),
        pltpu.VMEM((_NPPW,), jnp.int32),
        pltpu.VMEM((_NPPW,), jnp.int32),
        pltpu.VMEM((_NPPW,), jnp.int32),
        pltpu.VMEM((_NPPW + _L,), jnp.float32),
        pltpu.VMEM((_NPPW + _L,), jnp.float32),
        pltpu.VMEM((_NPPW + _L,), jnp.float32),
        pltpu.VMEM((_NPPW + _L,), jnp.float32),
        pltpu.VMEM((2, 4 * _PCH, _C), jnp.float32),
        pltpu.VMEM((2, _PCH, _C), jnp.float32),
        pltpu.SemaphoreType.DMA,
        pltpu.SemaphoreType.DMA,
    ],
)(_sc_body)


def kernel(keypoints, bev_features, bev_stride):
    kpx = keypoints[:, :, 0]
    kpy = keypoints[:, :, 1]
    tab = jnp.transpose(bev_features, (0, 2, 3, 1)).reshape(_B * _HW, _C)
    stride_vec = jnp.full((_L,), bev_stride, jnp.float32)
    return _sc_interp(tab, kpx, kpy, stride_vec)

# --- scband reference (transcript-rebuilt; emitter-appended) ---
"""Pipeline reference for scband-feature-extractor-23244363006089 (READ-ONLY COPY).

The authoritative reference and input builder live on the scoring server;
editing this copy changes nothing except your own understanding.
"""

import jax, jax.numpy as jnp
import numpy as np

VOXEL_SIZE = (0.005, 0.005, 0.1)
PC_RANGE = (0.0, 0.0, -3.0, 1.0, 1.0, 1.0)


def setup_inputs(seed: int = 0) -> dict:
    key = jax.random.key(seed)
    k1, k2 = jax.random.split(key)
    keypoints = jax.random.uniform(k1, (4, 4096, 3), dtype=jnp.float32)
    bev_features = jax.random.normal(k2, (4, 256, 200, 200), dtype=jnp.float32)
    return {"keypoints": keypoints, "bev_features": bev_features, "bev_stride": 1}


def _bilinear_interpolate(im, x, y):
    # im: (H, W, C); x, y: (N,)  -- faithful port of bilinear_interpolate_torch
    H, W, C = im.shape
    x0 = jnp.floor(x).astype(jnp.int32)
    x1 = x0 + 1
    y0 = jnp.floor(y).astype(jnp.int32)
    y1 = y0 + 1
    x0 = jnp.clip(x0, 0, W - 1)
    x1 = jnp.clip(x1, 0, W - 1)
    y0 = jnp.clip(y0, 0, H - 1)
    y1 = jnp.clip(y1, 0, H - 1)
    Ia = im[y0, x0]
    Ib = im[y1, x0]
    Ic = im[y0, x1]
    Id = im[y1, x1]
    wa = (x1.astype(x.dtype) - x) * (y1.astype(y.dtype) - y)
    wb = (x1.astype(x.dtype) - x) * (y - y0.astype(y.dtype))
    wc = (x - x0.astype(x.dtype)) * (y1.astype(y.dtype) - y)
    wd = (x - x0.astype(x.dtype)) * (y - y0.astype(y.dtype))
    return Ia * wa[:, None] + Ib * wb[:, None] + Ic * wc[:, None] + Id * wd[:, None]


def reference(keypoints, bev_features, bev_stride):
    # keypoints: (B, NK, 3); bev_features: (B, C, H, W)
    x_idxs = (keypoints[:, :, 0] - PC_RANGE[0]) / VOXEL_SIZE[0]
    y_idxs = (keypoints[:, :, 1] - PC_RANGE[1]) / VOXEL_SIZE[1]
    x_idxs = x_idxs / bev_stride
    y_idxs = y_idxs / bev_stride

    def per_batch(im_chw, xs, ys):
        im = jnp.transpose(im_chw, (1, 2, 0))  # (H, W, C)
        return _bilinear_interpolate(im, xs, ys)

    point_bev_features = jax.vmap(per_batch)(bev_features, x_idxs, y_idxs)
    return point_bev_features  # (B, NK, C)

if __name__ == "__main__":
    import jax
    _d = setup_inputs()
    print(jax.jit(kernel)(*tuple(_d.values())))

</pallas_src>

<mosaic_0001>
#map = affine_map<(d0, d1) -> (0, 0)>
#map1 = affine_map<(d0, d1) -> (0)>
#map2 = affine_map<(d0, d1) -> (0, 0, 0)>
module attributes {stable_mosaic.version = 14 : i64} {
  func.func @_sc_body(%arg0: i32, %arg1: i32, %arg2: memref<160000x256xf32, #tpu.memory_space<hbm>>, %arg3: memref<4x4096xf32, #tpu.memory_space<hbm>>, %arg4: memref<4x4096xf32, #tpu.memory_space<hbm>>, %arg5: memref<16xf32, #tpu.memory_space<hbm>>, %arg6: memref<4x4096x256xf32, #tpu.memory_space<hbm>>, %arg7: memref<512xf32, #tpu.memory_space<vmem>>, %arg8: memref<512xf32, #tpu.memory_space<vmem>>, %arg9: memref<16xf32, #tpu.memory_space<vmem>>, %arg10: memref<512xi32, #tpu.memory_space<vmem>>, %arg11: memref<512xi32, #tpu.memory_space<vmem>>, %arg12: memref<512xi32, #tpu.memory_space<vmem>>, %arg13: memref<512xi32, #tpu.memory_space<vmem>>, %arg14: memref<528xf32, #tpu.memory_space<vmem>>, %arg15: memref<528xf32, #tpu.memory_space<vmem>>, %arg16: memref<528xf32, #tpu.memory_space<vmem>>, %arg17: memref<528xf32, #tpu.memory_space<vmem>>, %arg18: memref<2x128x256xf32, #tpu.memory_space<vmem>>, %arg19: memref<2x32x256xf32, #tpu.memory_space<vmem>>, %arg20: memref<!tpu.dma_semaphore, #tpu.memory_space<semaphore_mem>>, %arg21: memref<!tpu.dma_semaphore, #tpu.memory_space<semaphore_mem>>) attributes {dimension_semantics = [#tpu.dimension_semantics<core_parallel>, #tpu.dimension_semantics<subcore_parallel>], iteration_bounds = array<i64: 2, 16>, scalar_prefetch = 0 : i64, scratch_operands = 15 : i64, tpu.core_type = #tpu.core_type<sc_vector_subcore>, window_params = [{transform_indices = #map}, {transform_indices = #map}, {transform_indices = #map}, {transform_indices = #map1}, {transform_indices = #map2}]} {
    %mul3A = arith.constant 2 : i32
    %mul3A_0 = arith.muli %arg1, %mul3A : i32
    %add3A = arith.addi %mul3A_0, %arg0 : i32
    %jit3A = arith.constant 8 : i32
    %div3A = arith.divsi %add3A, %jit3A : i32
    %sign3A = arith.constant 0 : i32
    %sign3A_1 = arith.cmpi sgt, %add3A, %sign3A : i32
    %sign3A_2 = arith.extui %sign3A_1 : i1 to i32
    %sign3A_3 = arith.constant 0 : i32
    %sign3A_4 = arith.cmpi slt, %add3A, %sign3A_3 : i32
    %sign3A_5 = arith.extui %sign3A_4 : i1 to i32
    %sign3A_6 = arith.subi %sign3A_2, %sign3A_5 : i32
    %sign3A_7 = arith.constant 0 : i32
    %sign3A_8 = arith.cmpi sgt, %jit3A, %sign3A_7 : i32
    %sign3A_9 = arith.extui %sign3A_8 : i1 to i32
    %sign3A_10 = arith.constant 0 : i32
    %sign3A_11 = arith.cmpi slt, %jit3A, %sign3A_10 : i32
    %sign3A_12 = arith.extui %sign3A_11 : i1 to i32
    %sign3A_13 = arith.subi %sign3A_9, %sign3A_12 : i32
    %ne3A = arith.cmpi ne, %sign3A_6, %sign3A_13 : i32
    %rem3A = arith.remsi %add3A, %jit3A : i32
    %ne3A_14 = arith.constant 0 : i32
    %ne3A_15 = arith.cmpi ne, %rem3A, %ne3A_14 : i32
    %and3A = arith.andi %ne3A, %ne3A_15 : i1
    %sub3A = arith.constant 1 : i32
    %sub3A_16 = arith.subi %div3A, %sub3A : i32
    %select_n3A = arith.select %and3A, %sub3A_16, %div3A : i32
    %jit3A_17 = arith.constant 8 : i32
    %eq3A = arith.constant 0 : i32
    %eq3A_18 = arith.cmpi eq, %jit3A_17, %eq3A : i32
    %jit3A_19 = arith.constant 1 : i32
    %select_n3A_20 = arith.select %eq3A_18, %jit3A_19, %jit3A_17 : i32
    %rem3A_21 = arith.remsi %add3A, %select_n3A_20 : i32
    %ne3A_22 = arith.constant 0 : i32
    %ne3A_23 = arith.cmpi ne, %rem3A_21, %ne3A_22 : i32
    %lt3A = arith.constant 0 : i32
    %lt3A_24 = arith.cmpi slt, %rem3A_21, %lt3A : i32
    %lt3A_25 = arith.constant 0 : i32
    %lt3A_26 = arith.cmpi slt, %select_n3A_20, %lt3A_25 : i32
    %ne3A_27 = arith.xori %lt3A_24, %lt3A_26 : i1
    %and3A_28 = arith.andi %ne3A_27, %ne3A_23 : i1
    %add3A_29 = arith.addi %rem3A_21, %select_n3A_20 : i32
    %select_n3A_30 = arith.select %and3A_28, %add3A_29, %rem3A_21 : i32
    %mul3A_31 = arith.constant 512 : i32
    %mul3A_32 = arith.muli %select_n3A_30, %mul3A_31 : i32
    "tpu.region"() ({
      %run_scoped3A = tpu.sem_alloc : memref<!tpu.dma_semaphore, #tpu.memory_space<semaphore_mem>>
      %dma_start3A_134 = tpu.memref_slice %arg3[%select_n3A, %mul3A_32] : memref<4x4096xf32, #tpu.memory_space<hbm>> -> memref<1x512xf32, #tpu.memory_space<hbm>>
      %dma_start3A_135 = tpu.memref_squeeze %dma_start3A_134 : memref<1x512xf32, #tpu.memory_space<hbm>> -> memref<512xf32, #tpu.memory_space<hbm>>
      %dma_start3A_136 = tpu.memref_slice %arg3[%select_n3A, %mul3A_32] : memref<4x4096xf32, #tpu.memory_space<hbm>> -> memref<1x512xf32, #tpu.memory_space<hbm>>
      %dma_start3A_137 = tpu.memref_squeeze %dma_start3A_136 : memref<1x512xf32, #tpu.memory_space<hbm>> -> memref<512xf32, #tpu.memory_space<hbm>>
      tpu.enqueue_dma source(%dma_start3A_137 : memref<512xf32, #tpu.memory_space<hbm>>) target(%arg7 : memref<512xf32, #tpu.memory_space<vmem>>) target_semaphore(%run_scoped3A : memref<!tpu.dma_semaphore, #tpu.memory_space<semaphore_mem>>)
      %dma_wait3A_138 = tpu.memref_slice %arg3[%select_n3A, %mul3A_32] : memref<4x4096xf32, #tpu.memory_space<hbm>> -> memref<1x512xf32, #tpu.memory_space<hbm>>
      %dma_wait3A_139 = tpu.memref_squeeze %dma_wait3A_138 : memref<1x512xf32, #tpu.memory_space<hbm>> -> memref<512xf32, #tpu.memory_space<hbm>>
      %dma_wait3A_140 = tpu.memref_slice %arg3[%select_n3A, %mul3A_32] : memref<4x4096xf32, #tpu.memory_space<hbm>> -> memref<1x512xf32, #tpu.memory_space<hbm>>
      %dma_wait3A_141 = tpu.memref_squeeze %dma_wait3A_140 : memref<1x512xf32, #tpu.memory_space<hbm>> -> memref<512xf32, #tpu.memory_space<hbm>>
      tpu.wait_dma2 semaphore(%run_scoped3A : memref<!tpu.dma_semaphore, #tpu.memory_space<semaphore_mem>>) src(%dma_wait3A_141 : memref<512xf32, #tpu.memory_space<hbm>>) dst(%arg7 : memref<512xf32, #tpu.memory_space<vmem>>)
      tpu.yield
    }) : () -> ()
    "tpu.region"() ({
      %run_scoped3A = tpu.sem_alloc : memref<!tpu.dma_semaphore, #tpu.memory_space<semaphore_mem>>
      %dma_start3A_134 = tpu.memref_slice %arg4[%select_n3A, %mul3A_32] : memref<4x4096xf32, #tpu.memory_space<hbm>> -> memref<1x512xf32, #tpu.memory_space<hbm>>
      %dma_start3A_135 = tpu.memref_squeeze %dma_start3A_134 : memref<1x512xf32, #tpu.memory_space<hbm>> -> memref<512xf32, #tpu.memory_space<hbm>>
      %dma_start3A_136 = tpu.memref_slice %arg4[%select_n3A, %mul3A_32] : memref<4x4096xf32, #tpu.memory_space<hbm>> -> memref<1x512xf32, #tpu.memory_space<hbm>>
      %dma_start3A_137 = tpu.memref_squeeze %dma_start3A_136 : memref<1x512xf32, #tpu.memory_space<hbm>> -> memref<512xf32, #tpu.memory_space<hbm>>
      tpu.enqueue_dma source(%dma_start3A_137 : memref<512xf32, #tpu.memory_space<hbm>>) target(%arg8 : memref<512xf32, #tpu.memory_space<vmem>>) target_semaphore(%run_scoped3A : memref<!tpu.dma_semaphore, #tpu.memory_space<semaphore_mem>>)
      %dma_wait3A_138 = tpu.memref_slice %arg4[%select_n3A, %mul3A_32] : memref<4x4096xf32, #tpu.memory_space<hbm>> -> memref<1x512xf32, #tpu.memory_space<hbm>>
      %dma_wait3A_139 = tpu.memref_squeeze %dma_wait3A_138 : memref<1x512xf32, #tpu.memory_space<hbm>> -> memref<512xf32, #tpu.memory_space<hbm>>
      %dma_wait3A_140 = tpu.memref_slice %arg4[%select_n3A, %mul3A_32] : memref<4x4096xf32, #tpu.memory_space<hbm>> -> memref<1x512xf32, #tpu.memory_space<hbm>>
      %dma_wait3A_141 = tpu.memref_squeeze %dma_wait3A_140 : memref<1x512xf32, #tpu.memory_space<hbm>> -> memref<512xf32, #tpu.memory_space<hbm>>
      tpu.wait_dma2 semaphore(%run_scoped3A : memref<!tpu.dma_semaphore, #tpu.memory_space<semaphore_mem>>) src(%dma_wait3A_141 : memref<512xf32, #tpu.memory_space<hbm>>) dst(%arg8 : memref<512xf32, #tpu.memory_space<vmem>>)
      tpu.yield
    }) : () -> ()
    "tpu.region"() ({
      %run_scoped3A = tpu.sem_alloc : memref<!tpu.dma_semaphore, #tpu.memory_space<semaphore_mem>>
      tpu.enqueue_dma source(%arg5 : memref<16xf32, #tpu.memory_space<hbm>>) target(%arg9 : memref<16xf32, #tpu.memory_space<vmem>>) target_semaphore(%run_scoped3A : memref<!tpu.dma_semaphore, #tpu.memory_space<semaphore_mem>>)
      tpu.wait_dma2 semaphore(%run_scoped3A : memref<!tpu.dma_semaphore, #tpu.memory_space<semaphore_mem>>) src(%arg5 : memref<16xf32, #tpu.memory_space<hbm>>) dst(%arg9 : memref<16xf32, #tpu.memory_space<vmem>>)
      tpu.yield
    }) : () -> ()
    %get3A = arith.constant 0 : index
    %get3A_33 = tpu.vector_load %arg9[%get3A] {strides = array<i32>} : memref<16xf32, #tpu.memory_space<vmem>>, vector<16xf32>,
    %mul3A_34 = arith.constant 40000 : i32
    %mul3A_35 = arith.muli %select_n3A, %mul3A_34 : i32
    %scan3A = arith.constant 0 : i32
    %scan3A_36 = arith.constant 0 : i32
    %scan3A_37 = arith.constant 32 : i32
    %scan3A_38 = arith.addi %scan3A_36, %scan3A_37 : i32
    %scan3A_39 = arith.constant 1 : i32
    scf.for %scan3A_134 = %scan3A_36 to %scan3A_38 step %scan3A_39  : i32 {
      %mul3A_135 = arith.constant 16 : i32
      %mul3A_136 = arith.muli %scan3A_134, %mul3A_135 : i32
      %get3A_137 = arith.index_cast %mul3A_136 : i32 to index
      %get3A_138 = tpu.vector_load %arg7[%get3A_137] {strides = array<i32>} : memref<512xf32, #tpu.memory_space<vmem>>, vector<16xf32>,
      %sub3A_139 = arith.constant 0.000000e+00 : f32
      %sub3A_140 = vector.broadcast %sub3A_139 : f32 to vector<16xf32>
      %sub3A_141 = arith.subf %get3A_138, %sub3A_140 : vector<16xf32>
      %div3A_142 = arith.constant 5.000000e-03 : f32
      %div3A_143 = vector.broadcast %div3A_142 : f32 to vector<16xf32>
      %div3A_144 = arith.divf %sub3A_141, %div3A_143 : vector<16xf32>
      %div3A_145 = arith.divf %div3A_144, %get3A_33 : vector<16xf32>
      %get3A_146 = arith.index_cast %mul3A_136 : i32 to index
      %get3A_147 = tpu.vector_load %arg8[%get3A_146] {strides = array<i32>} : memref<512xf32, #tpu.memory_space<vmem>>, vector<16xf32>,
      %sub3A_148 = arith.constant 0.000000e+00 : f32
      %sub3A_149 = vector.broadcast %sub3A_148 : f32 to vector<16xf32>
      %sub3A_150 = arith.subf %get3A_147, %sub3A_149 : vector<16xf32>
      %div3A_151 = arith.constant 5.000000e-03 : f32
      %div3A_152 = vector.broadcast %div3A_151 : f32 to vector<16xf32>
      %div3A_153 = arith.divf %sub3A_150, %div3A_152 : vector<16xf32>
      %div3A_154 = arith.divf %div3A_153, %get3A_33 : vector<16xf32>
      %convert_element_type3A = arith.fptosi %div3A_145 : vector<16xf32> to vector<16xi32>
      %convert_element_type3A_155 = arith.sitofp %convert_element_type3A : vector<16xi32> to vector<16xf32>
      %lt3A_156 = arith.cmpf olt, %div3A_145, %convert_element_type3A_155 : vector<16xf32>
      %sub3A_157 = arith.constant 1 : i32
      %sub3A_158 = vector.broadcast %sub3A_157 : i32 to vector<16xi32>
      %sub3A_159 = arith.subi %convert_element_type3A, %sub3A_158 : vector<16xi32>
      %select_n3A_160 = arith.select %lt3A_156, %sub3A_159, %convert_element_type3A : vector<16xi1>, vector<16xi32>
      %convert_element_type3A_161 = arith.fptosi %div3A_154 : vector<16xf32> to vector<16xi32>
      %convert_element_type3A_162 = arith.sitofp %convert_element_type3A_161 : vector<16xi32> to vector<16xf32>
      %lt3A_163 = arith.cmpf olt, %div3A_154, %convert_element_type3A_162 : vector<16xf32>
      %sub3A_164 = arith.constant 1 : i32
      %sub3A_165 = vector.broadcast %sub3A_164 : i32 to vector<16xi32>
      %sub3A_166 = arith.subi %convert_element_type3A_161, %sub3A_165 : vector<16xi32>
      %select_n3A_167 = arith.select %lt3A_163, %sub3A_166, %convert_element_type3A_161 : vector<16xi1>, vector<16xi32>
      %jit3A_168 = arith.constant 0 : i32
      %jit3A_169 = arith.constant 199 : i32
      %max3A = vector.broadcast %jit3A_168 : i32 to vector<16xi32>
      %max3A_170 = arith.maxsi %max3A, %select_n3A_160 : vector<16xi32>
      %min3A = vector.broadcast %jit3A_169 : i32 to vector<16xi32>
      %min3A_171 = arith.minsi %min3A, %max3A_170 : vector<16xi32>
      %add3A_172 = arith.constant 1 : i32
      %add3A_173 = vector.broadcast %add3A_172 : i32 to vector<16xi32>
      %add3A_174 = arith.addi %select_n3A_160, %add3A_173 : vector<16xi32>
      %jit3A_175 = arith.constant 0 : i32
      %jit3A_176 = arith.constant 199 : i32
      %max3A_177 = vector.broadcast %jit3A_175 : i32 to vector<16xi32>
      %max3A_178 = arith.maxsi %max3A_177, %add3A_174 : vector<16xi32>
      %min3A_179 = vector.broadcast %jit3A_176 : i32 to vector<16xi32>
      %min3A_180 = arith.minsi %min3A_179, %max3A_178 : vector<16xi32>
      %jit3A_181 = arith.constant 0 : i32
      %jit3A_182 = arith.constant 199 : i32
      %max3A_183 = vector.broadcast %jit3A_181 : i32 to vector<16xi32>
      %max3A_184 = arith.maxsi %max3A_183, %select_n3A_167 : vector<16xi32>
      %min3A_185 = vector.broadcast %jit3A_182 : i32 to vector<16xi32>
      %min3A_186 = arith.minsi %min3A_185, %max3A_184 : vector<16xi32>
      %add3A_187 = arith.constant 1 : i32
      %add3A_188 = vector.broadcast %add3A_187 : i32 to vector<16xi32>
      %add3A_189 = arith.addi %select_n3A_167, %add3A_188 : vector<16xi32>
      %jit3A_190 = arith.constant 0 : i32
      %jit3A_191 = arith.constant 199 : i32
      %max3A_192 = vector.broadcast %jit3A_190 : i32 to vector<16xi32>
      %max3A_193 = arith.maxsi %max3A_192, %add3A_189 : vector<16xi32>
      %min3A_194 = vector.broadcast %jit3A_191 : i32 to vector<16xi32>
      %min3A_195 = arith.minsi %min3A_194, %max3A_193 : vector<16xi32>
      %convert_element_type3A_196 = arith.sitofp %min3A_171 : vector<16xi32> to vector<16xf32>
      %convert_element_type3A_197 = arith.sitofp %min3A_180 : vector<16xi32> to vector<16xf32>
      %convert_element_type3A_198 = arith.sitofp %min3A_186 : vector<16xi32> to vector<16xf32>
      %convert_element_type3A_199 = arith.sitofp %min3A_195 : vector<16xi32> to vector<16xf32>
      %mul3A_200 = arith.constant 200 : i32
      %mul3A_201 = vector.broadcast %mul3A_200 : i32 to vector<16xi32>
      %mul3A_202 = arith.muli %min3A_186, %mul3A_201 : vector<16xi32>
      %add3A_203 = arith.addi %mul3A_202, %min3A_171 : vector<16xi32>
      %add3A_204 = vector.broadcast %mul3A_35 : i32 to vector<16xi32>
      %add3A_205 = arith.addi %add3A_203, %add3A_204 : vector<16xi32>
      %swap3A = arith.index_cast %mul3A_136 : i32 to index
      %swap3A_206 = tpu.vector_load %arg10[%swap3A] {strides = array<i32>} : memref<512xi32, #tpu.memory_space<vmem>>, vector<16xi32>,
      tpu.vector_store %arg10[%swap3A], %add3A_205 {strides = array<i32>} : memref<512xi32, #tpu.memory_space<vmem>>, vector<16xi32>,
      %mul3A_207 = arith.constant 200 : i32
      %mul3A_208 = vector.broadcast %mul3A_207 : i32 to vector<16xi32>
      %mul3A_209 = arith.muli %min3A_195, %mul3A_208 : vector<16xi32>
      %add3A_210 = arith.addi %mul3A_209, %min3A_171 : vector<16xi32>
      %add3A_211 = vector.broadcast %mul3A_35 : i32 to vector<16xi32>
      %add3A_212 = arith.addi %add3A_210, %add3A_211 : vector<16xi32>
      %swap3A_213 = arith.index_cast %mul3A_136 : i32 to index
      %swap3A_214 = tpu.vector_load %arg11[%swap3A_213] {strides = array<i32>} : memref<512xi32, #tpu.memory_space<vmem>>, vector<16xi32>,
      tpu.vector_store %arg11[%swap3A_213], %add3A_212 {strides = array<i32>} : memref<512xi32, #tpu.memory_space<vmem>>, vector<16xi32>,
      %mul3A_215 = arith.constant 200 : i32
      %mul3A_216 = vector.broadcast %mul3A_215 : i32 to vector<16xi32>
      %mul3A_217 = arith.muli %min3A_186, %mul3A_216 : vector<16xi32>
      %add3A_218 = arith.addi %mul3A_217, %min3A_180 : vector<16xi32>
      %add3A_219 = vector.broadcast %mul3A_35 : i32 to vector<16xi32>
      %add3A_220 = arith.addi %add3A_218, %add3A_219 : vector<16xi32>
      %swap3A_221 = arith.index_cast %mul3A_136 : i32 to index
      %swap3A_222 = tpu.vector_load %arg12[%swap3A_221] {strides = array<i32>} : memref<512xi32, #tpu.memory_space<vmem>>, vector<16xi32>,
      tpu.vector_store %arg12[%swap3A_221], %add3A_220 {strides = array<i32>} : memref<512xi32, #tpu.memory_space<vmem>>, vector<16xi32>,
      %mul3A_223 = arith.constant 200 : i32
      %mul3A_224 = vector.broadcast %mul3A_223 : i32 to vector<16xi32>
      %mul3A_225 = arith.muli %min3A_195, %mul3A_224 : vector<16xi32>
      %add3A_226 = arith.addi %mul3A_225, %min3A_180 : vector<16xi32>
      %add3A_227 = vector.broadcast %mul3A_35 : i32 to vector<16xi32>
      %add3A_228 = arith.addi %add3A_226, %add3A_227 : vector<16xi32>
      %swap3A_229 = arith.index_cast %mul3A_136 : i32 to index
      %swap3A_230 = tpu.vector_load %arg13[%swap3A_229] {strides = array<i32>} : memref<512xi32, #tpu.memory_space<vmem>>, vector<16xi32>,
      tpu.vector_store %arg13[%swap3A_229], %add3A_228 {strides = array<i32>} : memref<512xi32, #tpu.memory_space<vmem>>, vector<16xi32>,
      %sub3A_231 = arith.subf %convert_element_type3A_197, %div3A_145 : vector<16xf32>
      %sub3A_232 = arith.subf %convert_element_type3A_199, %div3A_154 : vector<16xf32>
      %mul3A_233 = arith.mulf %sub3A_231, %sub3A_232 : vector<16xf32>
      %swap3A_234 = arith.index_cast %mul3A_136 : i32 to index
      %swap3A_235 = tpu.vector_load %arg14[%swap3A_234] {strides = array<i32>} : memref<528xf32, #tpu.memory_space<vmem>>, vector<16xf32>,
      tpu.vector_store %arg14[%swap3A_234], %mul3A_233 {strides = array<i32>} : memref<528xf32, #tpu.memory_space<vmem>>, vector<16xf32>,
      %sub3A_236 = arith.subf %convert_element_type3A_197, %div3A_145 : vector<16xf32>
      %sub3A_237 = arith.subf %div3A_154, %convert_element_type3A_198 : vector<16xf32>
      %mul3A_238 = arith.mulf %sub3A_236, %sub3A_237 : vector<16xf32>
      %swap3A_239 = arith.index_cast %mul3A_136 : i32 to index
      %swap3A_240 = tpu.vector_load %arg15[%swap3A_239] {strides = array<i32>} : memref<528xf32, #tpu.memory_space<vmem>>, vector<16xf32>,
      tpu.vector_store %arg15[%swap3A_239], %mul3A_238 {strides = array<i32>} : memref<528xf32, #tpu.memory_space<vmem>>, vector<16xf32>,
      %sub3A_241 = arith.subf %div3A_145, %convert_element_type3A_196 : vector<16xf32>
      %sub3A_242 = arith.subf %convert_element_type3A_199, %div3A_154 : vector<16xf32>
      %mul3A_243 = arith.mulf %sub3A_241, %sub3A_242 : vector<16xf32>
      %swap3A_244 = arith.index_cast %mul3A_136 : i32 to index
      %swap3A_245 = tpu.vector_load %arg16[%swap3A_244] {strides = array<i32>} : memref<528xf32, #tpu.memory_space<vmem>>, vector<16xf32>,
      tpu.vector_store %arg16[%swap3A_244], %mul3A_243 {strides = array<i32>} : memref<528xf32, #tpu.memory_space<vmem>>, vector<16xf32>,
      %sub3A_246 = arith.subf %div3A_145, %convert_element_type3A_196 : vector<16xf32>
      %sub3A_247 = arith.subf %div3A_154, %convert_element_type3A_198 : vector<16xf32>
      %mul3A_248 = arith.mulf %sub3A_246, %sub3A_247 : vector<16xf32>
      %swap3A_249 = arith.index_cast %mul3A_136 : i32 to index
      %swap3A_250 = tpu.vector_load %arg17[%swap3A_249] {strides = array<i32>} : memref<528xf32, #tpu.memory_space<vmem>>, vector<16xf32>,
      tpu.vector_store %arg17[%swap3A_249], %mul3A_248 {strides = array<i32>} : memref<528xf32, #tpu.memory_space<vmem>>, vector<16xf32>,
    }
    %scan3A_40 = arith.constant 32 : i32
    %dma_start3A = arith.constant 0 : i32
    %dma_start3A_41 = arith.constant 0 : i32
    %dma_start3A_42 = arith.constant 0 : i32
    %dma_start3A_43 = tpu.memref_slice %arg18[%dma_start3A, %dma_start3A_41, %dma_start3A_42] : memref<2x128x256xf32, #tpu.memory_space<vmem>> -> memref<1x32x256xf32, #tpu.memory_space<vmem>>
    %dma_start3A_44 = tpu.memref_squeeze %dma_start3A_43 : memref<1x32x256xf32, #tpu.memory_space<vmem>> -> memref<32x256xf32, #tpu.memory_space<vmem>>
    %dma_start3A_45 = arith.constant 0 : i32
    %dma_start3A_46 = tpu.memref_slice %arg10[%dma_start3A_45] : memref<512xi32, #tpu.memory_space<vmem>> -> memref<32xi32, #tpu.memory_space<vmem>>
    %dma_start3A_47 = arith.constant 0 : i32
    %dma_start3A_48 = arith.constant 0 : i32
    %dma_start3A_49 = tpu.memref_slice %arg2[%dma_start3A_47, %dma_start3A_48] : memref<160000x256xf32, #tpu.memory_space<hbm>> -> memref<160000x256xf32, #tpu.memory_space<hbm>>
    tpu.enqueue_indirect_dma source(%dma_start3A_49 : memref<160000x256xf32, #tpu.memory_space<hbm>>) target(%dma_start3A_44 : memref<32x256xf32, #tpu.memory_space<vmem>>) offsets(%dma_start3A_46 : memref<32xi32, #tpu.memory_space<vmem>>) semaphore(%arg20 : memref<!tpu.dma_semaphore, #tpu.memory_space<semaphore_mem>>)
    %dma_start3A_50 = arith.constant 0 : i32
    %dma_start3A_51 = arith.constant 32 : i32
    %dma_start3A_52 = arith.constant 0 : i32
    %dma_start3A_53 = tpu.memref_slice %arg18[%dma_start3A_50, %dma_start3A_51, %dma_start3A_52] : memref<2x128x256xf32, #tpu.memory_space<vmem>> -> memref<1x32x256xf32, #tpu.memory_space<vmem>>
    %dma_start3A_54 = tpu.memref_squeeze %dma_start3A_53 : memref<1x32x256xf32, #tpu.memory_space<vmem>> -> memref<32x256xf32, #tpu.memory_space<vmem>>
    %dma_start3A_55 = arith.constant 0 : i32
    %dma_start3A_56 = tpu.memref_slice %arg12[%dma_start3A_55] : memref<512xi32, #tpu.memory_space<vmem>> -> memref<32xi32, #tpu.memory_space<vmem>>
    %dma_start3A_57 = arith.constant 0 : i32
    %dma_start3A_58 = arith.constant 0 : i32
    %dma_start3A_59 = tpu.memref_slice %arg2[%dma_start3A_57, %dma_start3A_58] : memref<160000x256xf32, #tpu.memory_space<hbm>> -> memref<160000x256xf32, #tpu.memory_space<hbm>>
    tpu.enqueue_indirect_dma source(%dma_start3A_59 : memref<160000x256xf32, #tpu.memory_space<hbm>>) target(%dma_start3A_54 : memref<32x256xf32, #tpu.memory_space<vmem>>) offsets(%dma_start3A_56 : memref<32xi32, #tpu.memory_space<vmem>>) semaphore(%arg20 : memref<!tpu.dma_semaphore, #tpu.memory_space<semaphore_mem>>)
    %dma_start3A_60 = arith.constant 0 : i32
    %dma_start3A_61 = arith.constant 64 : i32
    %dma_start3A_62 = arith.constant 0 : i32
    %dma_start3A_63 = tpu.memref_slice %arg18[%dma_start3A_60, %dma_start3A_61, %dma_start3A_62] : memref<2x128x256xf32, #tpu.memory_space<vmem>> -> memref<1x32x256xf32, #tpu.memory_space<vmem>>
    %dma_start3A_64 = tpu.memref_squeeze %dma_start3A_63 : memref<1x32x256xf32, #tpu.memory_space<vmem>> -> memref<32x256xf32, #tpu.memory_space<vmem>>
    %dma_start3A_65 = arith.constant 0 : i32
    %dma_start3A_66 = tpu.memref_slice %arg11[%dma_start3A_65] : memref<512xi32, #tpu.memory_space<vmem>> -> memref<32xi32, #tpu.memory_space<vmem>>
    %dma_start3A_67 = arith.constant 0 : i32
    %dma_start3A_68 = arith.constant 0 : i32
    %dma_start3A_69 = tpu.memref_slice %arg2[%dma_start3A_67, %dma_start3A_68] : memref<160000x256xf32, #tpu.memory_space<hbm>> -> memref<160000x256xf32, #tpu.memory_space<hbm>>
    tpu.enqueue_indirect_dma source(%dma_start3A_69 : memref<160000x256xf32, #tpu.memory_space<hbm>>) target(%dma_start3A_64 : memref<32x256xf32, #tpu.memory_space<vmem>>) offsets(%dma_start3A_66 : memref<32xi32, #tpu.memory_space<vmem>>) semaphore(%arg20 : memref<!tpu.dma_semaphore, #tpu.memory_space<semaphore_mem>>)
    %dma_start3A_70 = arith.constant 0 : i32
    %dma_start3A_71 = arith.constant 96 : i32
    %dma_start3A_72 = arith.constant 0 : i32
    %dma_start3A_73 = tpu.memref_slice %arg18[%dma_start3A_70, %dma_start3A_71, %dma_start3A_72] : memref<2x128x256xf32, #tpu.memory_space<vmem>> -> memref<1x32x256xf32, #tpu.memory_space<vmem>>
    %dma_start3A_74 = tpu.memref_squeeze %dma_start3A_73 : memref<1x32x256xf32, #tpu.memory_space<vmem>> -> memref<32x256xf32, #tpu.memory_space<vmem>>
    %dma_start3A_75 = arith.constant 0 : i32
    %dma_start3A_76 = tpu.memref_slice %arg13[%dma_start3A_75] : memref<512xi32, #tpu.memory_space<vmem>> -> memref<32xi32, #tpu.memory_space<vmem>>
    %dma_start3A_77 = arith.constant 0 : i32
    %dma_start3A_78 = arith.constant 0 : i32
    %dma_start3A_79 = tpu.memref_slice %arg2[%dma_start3A_77, %dma_start3A_78] : memref<160000x256xf32, #tpu.memory_space<hbm>> -> memref<160000x256xf32, #tpu.memory_space<hbm>>
    tpu.enqueue_indirect_dma source(%dma_start3A_79 : memref<160000x256xf32, #tpu.memory_space<hbm>>) target(%dma_start3A_74 : memref<32x256xf32, #tpu.memory_space<vmem>>) offsets(%dma_start3A_76 : memref<32xi32, #tpu.memory_space<vmem>>) semaphore(%arg20 : memref<!tpu.dma_semaphore, #tpu.memory_space<semaphore_mem>>)
    %scan3A_80 = arith.constant 0 : i32
    %scan3A_81 = arith.constant 0 : i32
    %scan3A_82 = arith.constant 8 : i32
    %scan3A_83 = arith.addi %scan3A_81, %scan3A_82 : i32
    %scan3A_84 = arith.constant 1 : i32
    scf.for %scan3A_134 = %scan3A_81 to %scan3A_83 step %scan3A_84  : i32 {
      %mul3A_135 = arith.constant 2 : i32
      %mul3A_136 = arith.muli %scan3A_134, %mul3A_135 : i32
      %add3A_137 = arith.constant 0 : i32
      %add3A_138 = arith.addi %mul3A_136, %add3A_137 : i32
      %add3A_139 = arith.constant 1 : i32
      %add3A_140 = arith.addi %add3A_138, %add3A_139 : i32
      %min3A = arith.constant 15 : i32
      %min3A_141 = arith.minsi %add3A_140, %min3A : i32
      %mul3A_142 = arith.constant 32 : i32
      %mul3A_143 = arith.muli %min3A_141, %mul3A_142 : i32
      %dma_start3A_144 = arith.constant 1 : i32
      %dma_start3A_145 = arith.constant 0 : i32
      %dma_start3A_146 = arith.constant 0 : i32
      %dma_start3A_147 = tpu.memref_slice %arg18[%dma_start3A_144, %dma_start3A_145, %dma_start3A_146] : memref<2x128x256xf32, #tpu.memory_space<vmem>> -> memref<1x32x256xf32, #tpu.memory_space<vmem>>
      %dma_start3A_148 = tpu.memref_squeeze %dma_start3A_147 : memref<1x32x256xf32, #tpu.memory_space<vmem>> -> memref<32x256xf32, #tpu.memory_space<vmem>>
      %dma_start3A_149 = tpu.memref_slice %arg10[%mul3A_143] : memref<512xi32, #tpu.memory_space<vmem>> -> memref<32xi32, #tpu.memory_space<vmem>>
      %dma_start3A_150 = arith.constant 0 : i32
      %dma_start3A_151 = arith.constant 0 : i32
      %dma_start3A_152 = tpu.memref_slice %arg2[%dma_start3A_150, %dma_start3A_151] : memref<160000x256xf32, #tpu.memory_space<hbm>> -> memref<160000x256xf32, #tpu.memory_space<hbm>>
      tpu.enqueue_indirect_dma source(%dma_start3A_152 : memref<160000x256xf32, #tpu.memory_space<hbm>>) target(%dma_start3A_148 : memref<32x256xf32, #tpu.memory_space<vmem>>) offsets(%dma_start3A_149 : memref<32xi32, #tpu.memory_space<vmem>>) semaphore(%arg20 : memref<!tpu.dma_semaphore, #tpu.memory_space<semaphore_mem>>)
      %dma_start3A_153 = arith.constant 1 : i32
      %dma_start3A_154 = arith.constant 32 : i32
      %dma_start3A_155 = arith.constant 0 : i32
      %dma_start3A_156 = tpu.memref_slice %arg18[%dma_start3A_153, %dma_start3A_154, %dma_start3A_155] : memref<2x128x256xf32, #tpu.memory_space<vmem>> -> memref<1x32x256xf32, #tpu.memory_space<vmem>>
      %dma_start3A_157 = tpu.memref_squeeze %dma_start3A_156 : memref<1x32x256xf32, #tpu.memory_space<vmem>> -> memref<32x256xf32, #tpu.memory_space<vmem>>
      %dma_start3A_158 = tpu.memref_slice %arg12[%mul3A_143] : memref<512xi32, #tpu.memory_space<vmem>> -> memref<32xi32, #tpu.memory_space<vmem>>
      %dma_start3A_159 = arith.constant 0 : i32
      %dma_start3A_160 = arith.constant 0 : i32
      %dma_start3A_161 = tpu.memref_slice %arg2[%dma_start3A_159, %dma_start3A_160] : memref<160000x256xf32, #tpu.memory_space<hbm>> -> memref<160000x256xf32, #tpu.memory_space<hbm>>
      tpu.enqueue_indirect_dma source(%dma_start3A_161 : memref<160000x256xf32, #tpu.memory_space<hbm>>) target(%dma_start3A_157 : memref<32x256xf32, #tpu.memory_space<vmem>>) offsets(%dma_start3A_158 : memref<32xi32, #tpu.memory_space<vmem>>) semaphore(%arg20 : memref<!tpu.dma_semaphore, #tpu.memory_space<semaphore_mem>>)
      %dma_start3A_162 = arith.constant 1 : i32
      %dma_start3A_163 = arith.constant 64 : i32
      %dma_start3A_164 = arith.constant 0 : i32
      %dma_start3A_165 = tpu.memref_slice %arg18[%dma_start3A_162, %dma_start3A_163, %dma_start3A_164] : memref<2x128x256xf32, #tpu.memory_space<vmem>> -> memref<1x32x256xf32, #tpu.memory_space<vmem>>
      %dma_start3A_166 = tpu.memref_squeeze %dma_start3A_165 : memref<1x32x256xf32, #tpu.memory_space<vmem>> -> memref<32x256xf32, #tpu.memory_space<vmem>>
      %dma_start3A_167 = tpu.memref_slice %arg11[%mul3A_143] : memref<512xi32, #tpu.memory_space<vmem>> -> memref<32xi32, #tpu.memory_space<vmem>>
      %dma_start3A_168 = arith.constant 0 : i32
      %dma_start3A_169 = arith.constant 0 : i32
      %dma_start3A_170 = tpu.memref_slice %arg2[%dma_start3A_168, %dma_start3A_169] : memref<160000x256xf32, #tpu.memory_space<hbm>> -> memref<160000x256xf32, #tpu.memory_space<hbm>>
      tpu.enqueue_indirect_dma source(%dma_start3A_170 : memref<160000x256xf32, #tpu.memory_space<hbm>>) target(%dma_start3A_166 : memref<32x256xf32, #tpu.memory_space<vmem>>) offsets(%dma_start3A_167 : memref<32xi32, #tpu.memory_space<vmem>>) semaphore(%arg20 : memref<!tpu.dma_semaphore, #tpu.memory_space<semaphore_mem>>)
      %dma_start3A_171 = arith.constant 1 : i32
      %dma_start3A_172 = arith.constant 96 : i32
      %dma_start3A_173 = arith.constant 0 : i32
      %dma_start3A_174 = tpu.memref_slice %arg18[%dma_start3A_171, %dma_start3A_172, %dma_start3A_173] : memref<2x128x256xf32, #tpu.memory_space<vmem>> -> memref<1x32x256xf32, #tpu.memory_space<vmem>>
      %dma_start3A_175 = tpu.memref_squeeze %dma_start3A_174 : memref<1x32x256xf32, #tpu.memory_space<vmem>> -> memref<32x256xf32, #tpu.memory_space<vmem>>
      %dma_start3A_176 = tpu.memref_slice %arg13[%mul3A_143] : memref<512xi32, #tpu.memory_space<vmem>> -> memref<32xi32, #tpu.memory_space<vmem>>
      %dma_start3A_177 = arith.constant 0 : i32
      %dma_start3A_178 = arith.constant 0 : i32
      %dma_start3A_179 = tpu.memref_slice %arg2[%dma_start3A_177, %dma_start3A_178] : memref<160000x256xf32, #tpu.memory_space<hbm>> -> memref<160000x256xf32, #tpu.memory_space<hbm>>
      tpu.enqueue_indirect_dma source(%dma_start3A_179 : memref<160000x256xf32, #tpu.memory_space<hbm>>) target(%dma_start3A_175 : memref<32x256xf32, #tpu.memory_space<vmem>>) offsets(%dma_start3A_176 : memref<32xi32, #tpu.memory_space<vmem>>) semaphore(%arg20 : memref<!tpu.dma_semaphore, #tpu.memory_space<semaphore_mem>>)
      %dma_wait3A_180 = arith.constant 0 : i32
      %dma_wait3A_181 = arith.constant 0 : i32
      %dma_wait3A_182 = arith.constant 0 : i32
      %dma_wait3A_183 = tpu.memref_slice %arg18[%dma_wait3A_180, %dma_wait3A_181, %dma_wait3A_182] : memref<2x128x256xf32, #tpu.memory_space<vmem>> -> memref<1x128x256xf32, #tpu.memory_space<vmem>>
      %dma_wait3A_184 = tpu.memref_squeeze %dma_wait3A_183 : memref<1x128x256xf32, #tpu.memory_space<vmem>> -> memref<128x256xf32, #tpu.memory_space<vmem>>
      %dma_wait3A_185 = arith.constant 0 : i32
      %dma_wait3A_186 = arith.constant 0 : i32
      %dma_wait3A_187 = tpu.memref_slice %arg2[%dma_wait3A_185, %dma_wait3A_186] : memref<160000x256xf32, #tpu.memory_space<hbm>> -> memref<128x256xf32, #tpu.memory_space<hbm>>
      %dma_wait3A_188 = arith.constant 0 : i32
      %dma_wait3A_189 = arith.constant 0 : i32
      %dma_wait3A_190 = tpu.memref_slice %arg18[%dma_wait3A_180, %dma_wait3A_188, %dma_wait3A_189] : memref<2x128x256xf32, #tpu.memory_space<vmem>> -> memref<1x128x256xf32, #tpu.memory_space<vmem>>
      %dma_wait3A_191 = tpu.memref_squeeze %dma_wait3A_190 : memref<1x128x256xf32, #tpu.memory_space<vmem>> -> memref<128x256xf32, #tpu.memory_space<vmem>>
      %dma_wait3A_192 = arith.constant 0 : i32
      %dma_wait3A_193 = arith.constant 0 : i32
      %dma_wait3A_194 = tpu.memref_slice %arg2[%dma_wait3A_192, %dma_wait3A_193] : memref<160000x256xf32, #tpu.memory_space<hbm>> -> memref<128x256xf32, #tpu.memory_space<hbm>>
      tpu.wait_dma2 semaphore(%arg20 : memref<!tpu.dma_semaphore, #tpu.memory_space<semaphore_mem>>) src(%dma_wait3A_194 : memref<128x256xf32, #tpu.memory_space<hbm>>) dst(%dma_wait3A_191 : memref<128x256xf32, #tpu.memory_space<vmem>>)
      %ge3A = arith.constant 1 : i32
      %ge3A_195 = arith.cmpi sge, %scan3A_134, %ge3A : i32
      %convert_element_type3A = arith.extui %ge3A_195 : i1 to i32
      %cond3A = arith.constant 0 : i32
      %cond3A_196 = arith.cmpi ne, %convert_element_type3A, %cond3A : i32
      scf.if %cond3A_196 {
        %sub3A_311 = arith.constant 2 : i32
        %sub3A_312 = arith.subi %add3A_138, %sub3A_311 : i32
        %mul3A_313 = arith.constant 32 : i32
        %mul3A_314 = arith.muli %sub3A_312, %mul3A_313 : i32
        %add3A_315 = arith.addi %mul3A_32, %mul3A_314 : i32
        %dma_wait3A_316 = arith.constant 0 : i32
        %dma_wait3A_317 = arith.constant 0 : i32
        %dma_wait3A_318 = arith.constant 0 : i32
        %dma_wait3A_319 = tpu.memref_slice %arg19[%dma_wait3A_316, %dma_wait3A_317, %dma_wait3A_318] : memref<2x32x256xf32, #tpu.memory_space<vmem>> -> memref<1x32x256xf32, #tpu.memory_space<vmem>>
        %dma_wait3A_320 = tpu.memref_squeeze %dma_wait3A_319 : memref<1x32x256xf32, #tpu.memory_space<vmem>> -> memref<32x256xf32, #tpu.memory_space<vmem>>
        %dma_wait3A_321 = arith.constant 0 : i32
        %dma_wait3A_322 = tpu.memref_slice %arg6[%select_n3A, %add3A_315, %dma_wait3A_321] : memref<4x4096x256xf32, #tpu.memory_space<hbm>> -> memref<1x32x256xf32, #tpu.memory_space<hbm>>
        %dma_wait3A_323 = tpu.memref_squeeze %dma_wait3A_322 : memref<1x32x256xf32, #tpu.memory_space<hbm>> -> memref<32x256xf32, #tpu.memory_space<hbm>>
        %dma_wait3A_324 = arith.constant 0 : i32
        %dma_wait3A_325 = tpu.memref_slice %arg6[%select_n3A, %add3A_315, %dma_wait3A_324] : memref<4x4096x256xf32, #tpu.memory_space<hbm>> -> memref<1x32x256xf32, #tpu.memory_space<hbm>>
        %dma_wait3A_326 = tpu.memref_squeeze %dma_wait3A_325 : memref<1x32x256xf32, #tpu.memory_space<hbm>> -> memref<32x256xf32, #tpu.memory_space<hbm>>
        %dma_wait3A_327 = arith.constant 0 : i32
        %dma_wait3A_328 = arith.constant 0 : i32
        %dma_wait3A_329 = tpu.memref_slice %arg19[%dma_wait3A_316, %dma_wait3A_327, %dma_wait3A_328] : memref<2x32x256xf32, #tpu.memory_space<vmem>> -> memref<1x32x256xf32, #tpu.memory_space<vmem>>
        %dma_wait3A_330 = tpu.memref_squeeze %dma_wait3A_329 : memref<1x32x256xf32, #tpu.memory_space<vmem>> -> memref<32x256xf32, #tpu.memory_space<vmem>>
        tpu.wait_dma2 semaphore(%arg21 : memref<!tpu.dma_semaphore, #tpu.memory_space<semaphore_mem>>) src(%dma_wait3A_330 : memref<32x256xf32, #tpu.memory_space<vmem>>) dst(%dma_wait3A_326 : memref<32x256xf32, #tpu.memory_space<hbm>>)
      } else {
      }
      %scan3A_197 = arith.constant 0 : i32
      %scan3A_198 = arith.constant 0 : i32
      %scan3A_199 = arith.constant 32 : i32
      %scan3A_200 = arith.addi %scan3A_198, %scan3A_199 : i32
      %scan3A_201 = arith.constant 1 : i32
      scf.for %scan3A_311 = %scan3A_198 to %scan3A_200 step %scan3A_201  : i32 {
        %mul3A_312 = arith.constant 32 : i32
        %mul3A_313 = arith.muli %add3A_138, %mul3A_312 : i32
        %add3A_314 = arith.addi %mul3A_313, %scan3A_311 : i32
        %get3A_315 = arith.index_cast %add3A_314 : i32 to index
        %get3A_316 = tpu.vector_load %arg14[%get3A_315] {strides = array<i32>} : memref<528xf32, #tpu.memory_space<vmem>>, vector<16xf32>,
        %slice3A = vector.extract_strided_slice %get3A_316 {offsets = [0], sizes = [1], strides = [1]} : vector<16xf32> to vector<1xf32>
        %squeeze3A = vector.extract %slice3A[0] : f32 from vector<1xf32>
        %get3A_317 = arith.index_cast %add3A_314 : i32 to index
        %get3A_318 = tpu.vector_load %arg15[%get3A_317] {strides = array<i32>} : memref<528xf32, #tpu.memory_space<vmem>>, vector<16xf32>,
        %slice3A_319 = vector.extract_strided_slice %get3A_318 {offsets = [0], sizes = [1], strides = [1]} : vector<16xf32> to vector<1xf32>
        %squeeze3A_320 = vector.extract %slice3A_319[0] : f32 from vector<1xf32>
        %get3A_321 = arith.index_cast %add3A_314 : i32 to index
        %get3A_322 = tpu.vector_load %arg16[%get3A_321] {strides = array<i32>} : memref<528xf32, #tpu.memory_space<vmem>>, vector<16xf32>,
        %slice3A_323 = vector.extract_strided_slice %get3A_322 {offsets = [0], sizes = [1], strides = [1]} : vector<16xf32> to vector<1xf32>
        %squeeze3A_324 = vector.extract %slice3A_323[0] : f32 from vector<1xf32>
        %get3A_325 = arith.index_cast %add3A_314 : i32 to index
        %get3A_326 = tpu.vector_load %arg17[%get3A_325] {strides = array<i32>} : memref<528xf32, #tpu.memory_space<vmem>>, vector<16xf32>,
        %slice3A_327 = vector.extract_strided_slice %get3A_326 {offsets = [0], sizes = [1], strides = [1]} : vector<16xf32> to vector<1xf32>
        %squeeze3A_328 = vector.extract %slice3A_327[0] : f32 from vector<1xf32>
        %get3A_329 = arith.constant 0 : i32
        %get3A_330 = arith.index_cast %get3A_329 : i32 to index
        %get3A_331 = arith.index_cast %scan3A_311 : i32 to index
        %get3A_332 = arith.constant 0 : index
        %get3A_333 = tpu.vector_load %arg18[%get3A_330, %get3A_331, %get3A_332] {strides = array<i32>} : memref<2x128x256xf32, #tpu.memory_space<vmem>>, vector<16xf32>,
        %mul3A_334 = vector.broadcast %squeeze3A : f32 to vector<16xf32>
        %mul3A_335 = arith.mulf %get3A_333, %mul3A_334 : vector<16xf32>
        %add3A_336 = arith.constant 32 : i32
        %add3A_337 = arith.addi %add3A_336, %scan3A_311 : i32
        %get3A_338 = arith.constant 0 : i32
        %get3A_339 = arith.index_cast %get3A_338 : i32 to index
        %get3A_340 = arith.index_cast %add3A_337 : i32 to index
        %get3A_341 = arith.constant 0 : index
        %get3A_342 = tpu.vector_load %arg18[%get3A_339, %get3A_340, %get3A_341] {strides = array<i32>} : memref<2x128x256xf32, #tpu.memory_space<vmem>>, vector<16xf32>,
        %mul3A_343 = vector.broadcast %squeeze3A_324 : f32 to vector<16xf32>
        %mul3A_344 = arith.mulf %get3A_342, %mul3A_343 : vector<16xf32>
        %add3A_345 = arith.addf %mul3A_335, %mul3A_344 : vector<16xf32>
        %add3A_346 = arith.constant 64 : i32
        %add3A_347 = arith.addi %add3A_346, %scan3A_311 : i32
        %get3A_348 = arith.constant 0 : i32
        %get3A_349 = arith.index_cast %get3A_348 : i32 to index
        %get3A_350 = arith.index_cast %add3A_347 : i32 to index
        %get3A_351 = arith.constant 0 : index
        %get3A_352 = tpu.vector_load %arg18[%get3A_349, %get3A_350, %get3A_351] {strides = array<i32>} : memref<2x128x256xf32, #tpu.memory_space<vmem>>, vector<16xf32>,
        %mul3A_353 = vector.broadcast %squeeze3A_320 : f32 to vector<16xf32>
        %mul3A_354 = arith.mulf %get3A_352, %mul3A_353 : vector<16xf32>
        %add3A_355 = arith.addf %add3A_345, %mul3A_354 : vector<16xf32>
        %add3A_356 = arith.constant 96 : i32
        %add3A_357 = arith.addi %add3A_356, %scan3A_311 : i32
        %get3A_358 = arith.constant 0 : i32
        %get3A_359 = arith.index_cast %get3A_358 : i32 to index
        %get3A_360 = arith.index_cast %add3A_357 : i32 to index
        %get3A_361 = arith.constant 0 : index
        %get3A_362 = tpu.vector_load %arg18[%get3A_359, %get3A_360, %get3A_361] {strides = array<i32>} : memref<2x128x256xf32, #tpu.memory_space<vmem>>, vector<16xf32>,
        %mul3A_363 = vector.broadcast %squeeze3A_328 : f32 to vector<16xf32>
        %mul3A_364 = arith.mulf %get3A_362, %mul3A_363 : vector<16xf32>
        %add3A_365 = arith.addf %add3A_355, %mul3A_364 : vector<16xf32>
        %swap3A = arith.constant 0 : i32
        %swap3A_366 = arith.index_cast %swap3A : i32 to index
        %swap3A_367 = arith.index_cast %scan3A_311 : i32 to index
        %swap3A_368 = arith.constant 0 : index
        %swap3A_369 = tpu.vector_load %arg19[%swap3A_366, %swap3A_367, %swap3A_368] {strides = array<i32>} : memref<2x32x256xf32, #tpu.memory_space<vmem>>, vector<16xf32>,
        tpu.vector_store %arg19[%swap3A_366, %swap3A_367, %swap3A_368], %add3A_365 {strides = array<i32>} : memref<2x32x256xf32, #tpu.memory_space<vmem>>, vector<16xf32>,
        %get3A_370 = arith.constant 0 : i32
        %get3A_371 = arith.index_cast %get3A_370 : i32 to index
        %get3A_372 = arith.index_cast %scan3A_311 : i32 to index
        %get3A_373 = arith.constant 16 : index
        %get3A_374 = tpu.vector_load %arg18[%get3A_371, %get3A_372, %get3A_373] {strides = array<i32>} : memref<2x128x256xf32, #tpu.memory_space<vmem>>, vector<16xf32>,
        %mul3A_375 = vector.broadcast %squeeze3A : f32 to vector<16xf32>
        %mul3A_376 = arith.mulf %get3A_374, %mul3A_375 : vector<16xf32>
        %add3A_377 = arith.constant 32 : i32
        %add3A_378 = arith.addi %add3A_377, %scan3A_311 : i32
        %get3A_379 = arith.constant 0 : i32
        %get3A_380 = arith.index_cast %get3A_379 : i32 to index
        %get3A_381 = arith.index_cast %add3A_378 : i32 to index
        %get3A_382 = arith.constant 16 : index
        %get3A_383 = tpu.vector_load %arg18[%get3A_380, %get3A_381, %get3A_382] {strides = array<i32>} : memref<2x128x256xf32, #tpu.memory_space<vmem>>, vector<16xf32>,
        %mul3A_384 = vector.broadcast %squeeze3A_324 : f32 to vector<16xf32>
        %mul3A_385 = arith.mulf %get3A_383, %mul3A_384 : vector<16xf32>
        %add3A_386 = arith.addf %mul3A_376, %mul3A_385 : vector<16xf32>
        %add3A_387 = arith.constant 64 : i32
        %add3A_388 = arith.addi %add3A_387, %scan3A_311 : i32
        %get3A_389 = arith.constant 0 : i32
        %get3A_390 = arith.index_cast %get3A_389 : i32 to index
        %get3A_391 = arith.index_cast %add3A_388 : i32 to index
        %get3A_392 = arith.constant 16 : index
        %get3A_393 = tpu.vector_load %arg18[%get3A_390, %get3A_391, %get3A_392] {strides = array<i32>} : memref<2x128x256xf32, #tpu.memory_space<vmem>>, vector<16xf32>,
        %mul3A_394 = vector.broadcast %squeeze3A_320 : f32 to vector<16xf32>
        %mul3A_395 = arith.mulf %get3A_393, %mul3A_394 : vector<16xf32>
        %add3A_396 = arith.addf %add3A_386, %mul3A_395 : vector<16xf32>
        %add3A_397 = arith.constant 96 : i32
        %add3A_398 = arith.addi %add3A_397, %scan3A_311 : i32
        %get3A_399 = arith.constant 0 : i32
        %get3A_400 = arith.index_cast %get3A_399 : i32 to index
        %get3A_401 = arith.index_cast %add3A_398 : i32 to index
        %get3A_402 = arith.constant 16 : index
        %get3A_403 = tpu.vector_load %arg18[%get3A_400, %get3A_401, %get3A_402] {strides = array<i32>} : memref<2x128x256xf32, #tpu.memory_space<vmem>>, vector<16xf32>,
        %mul3A_404 = vector.broadcast %squeeze3A_328 : f32 to vector<16xf32>
        %mul3A_405 = arith.mulf %get3A_403, %mul3A_404 : vector<16xf32>
        %add3A_406 = arith.addf %add3A_396, %mul3A_405 : vector<16xf32>
        %swap3A_407 = arith.constant 0 : i32
        %swap3A_408 = arith.index_cast %swap3A_407 : i32 to index
        %swap3A_409 = arith.index_cast %scan3A_311 : i32 to index
        %swap3A_410 = arith.constant 16 : index
        %swap3A_411 = tpu.vector_load %arg19[%swap3A_408, %swap3A_409, %swap3A_410] {strides = array<i32>} : memref<2x32x256xf32, #tpu.memory_space<vmem>>, vector<16xf32>,
        tpu.vector_store %arg19[%swap3A_408, %swap3A_409, %swap3A_410], %add3A_406 {strides = array<i32>} : memref<2x32x256xf32, #tpu.memory_space<vmem>>, vector<16xf32>,
        %get3A_412 = arith.constant 0 : i32
        %get3A_413 = arith.index_cast %get3A_412 : i32 to index
        %get3A_414 = arith.index_cast %scan3A_311 : i32 to index
        %get3A_415 = arith.constant 32 : index
        %get3A_416 = tpu.vector_load %arg18[%get3A_413, %get3A_414, %get3A_415] {strides = array<i32>} : memref<2x128x256xf32, #tpu.memory_space<vmem>>, vector<16xf32>,
        %mul3A_417 = vector.broadcast %squeeze3A : f32 to vector<16xf32>
        %mul3A_418 = arith.mulf %get3A_416, %mul3A_417 : vector<16xf32>
        %add3A_419 = arith.constant 32 : i32
        %add3A_420 = arith.addi %add3A_419, %scan3A_311 : i32
        %get3A_421 = arith.constant 0 : i32
        %get3A_422 = arith.index_cast %get3A_421 : i32 to index
        %get3A_423 = arith.index_cast %add3A_420 : i32 to index
        %get3A_424 = arith.constant 32 : index
        %get3A_425 = tpu.vector_load %arg18[%get3A_422, %get3A_423, %get3A_424] {strides = array<i32>} : memref<2x128x256xf32, #tpu.memory_space<vmem>>, vector<16xf32>,
        %mul3A_426 = vector.broadcast %squeeze3A_324 : f32 to vector<16xf32>
        %mul3A_427 = arith.mulf %get3A_425, %mul3A_426 : vector<16xf32>
        %add3A_428 = arith.addf %mul3A_418, %mul3A_427 : vector<16xf32>
        %add3A_429 = arith.constant 64 : i32
        %add3A_430 = arith.addi %add3A_429, %scan3A_311 : i32
        %get3A_431 = arith.constant 0 : i32
        %get3A_432 = arith.index_cast %get3A_431 : i32 to index
        %get3A_433 = arith.index_cast %add3A_430 : i32 to index
        %get3A_434 = arith.constant 32 : index
        %get3A_435 = tpu.vector_load %arg18[%get3A_432, %get3A_433, %get3A_434] {strides = array<i32>} : memref<2x128x256xf32, #tpu.memory_space<vmem>>, vector<16xf32>,
        %mul3A_436 = vector.broadcast %squeeze3A_320 : f32 to vector<16xf32>
        %mul3A_437 = arith.mulf %get3A_435, %mul3A_436 : vector<16xf32>
        %add3A_438 = arith.addf %add3A_428, %mul3A_437 : vector<16xf32>
        %add3A_439 = arith.constant 96 : i32
        %add3A_440 = arith.addi %add3A_439, %scan3A_311 : i32
        %get3A_441 = arith.constant 0 : i32
        %get3A_442 = arith.index_cast %get3A_441 : i32 to index
        %get3A_443 = arith.index_cast %add3A_440 : i32 to index
        %get3A_444 = arith.constant 32 : index
        %get3A_445 = tpu.vector_load %arg18[%get3A_442, %get3A_443, %get3A_444] {strides = array<i32>} : memref<2x128x256xf32, #tpu.memory_space<vmem>>, vector<16xf32>,
        %mul3A_446 = vector.broadcast %squeeze3A_328 : f32 to vector<16xf32>
        %mul3A_447 = arith.mulf %get3A_445, %mul3A_446 : vector<16xf32>
        %add3A_448 = arith.addf %add3A_438, %mul3A_447 : vector<16xf32>
        %swap3A_449 = arith.constant 0 : i32
        %swap3A_450 = arith.index_cast %swap3A_449 : i32 to index
        %swap3A_451 = arith.index_cast %scan3A_311 : i32 to index
        %swap3A_452 = arith.constant 32 : index
        %swap3A_453 = tpu.vector_load %arg19[%swap3A_450, %swap3A_451, %swap3A_452] {strides = array<i32>} : memref<2x32x256xf32, #tpu.memory_space<vmem>>, vector<16xf32>,
        tpu.vector_store %arg19[%swap3A_450, %swap3A_451, %swap3A_452], %add3A_448 {strides = array<i32>} : memref<2x32x256xf32, #tpu.memory_space<vmem>>, vector<16xf32>,
        %get3A_454 = arith.constant 0 : i32
        %get3A_455 = arith.index_cast %get3A_454 : i32 to index
        %get3A_456 = arith.index_cast %scan3A_311 : i32 to index
        %get3A_457 = arith.constant 48 : index
        %get3A_458 = tpu.vector_load %arg18[%get3A_455, %get3A_456, %get3A_457] {strides = array<i32>} : memref<2x128x256xf32, #tpu.memory_space<vmem>>, vector<16xf32>,
        %mul3A_459 = vector.broadcast %squeeze3A : f32 to vector<16xf32>
        %mul3A_460 = arith.mulf %get3A_458, %mul3A_459 : vector<16xf32>
        %add3A_461 = arith.constant 32 : i32
        %add3A_462 = arith.addi %add3A_461, %scan3A_311 : i32
        %get3A_463 = arith.constant 0 : i32
        %get3A_464 = arith.index_cast %get3A_463 : i32 to index
        %get3A_465 = arith.index_cast %add3A_462 : i32 to index
        %get3A_466 = arith.constant 48 : index
        %get3A_467 = tpu.vector_load %arg18[%get3A_464, %get3A_465, %get3A_466] {strides = array<i32>} : memref<2x128x256xf32, #tpu.memory_space<vmem>>, vector<16xf32>,
        %mul3A_468 = vector.broadcast %squeeze3A_324 : f32 to vector<16xf32>
        %mul3A_469 = arith.mulf %get3A_467, %mul3A_468 : vector<16xf32>
        %add3A_470 = arith.addf %mul3A_460, %mul3A_469 : vector<16xf32>
        %add3A_471 = arith.constant 64 : i32
        %add3A_472 = arith.addi %add3A_471, %scan3A_311 : i32
        %get3A_473 = arith.constant 0 : i32
        %get3A_474 = arith.index_cast %get3A_473 : i32 to index
        %get3A_475 = arith.index_cast %add3A_472 : i32 to index
        %get3A_476 = arith.constant 48 : index
        %get3A_477 = tpu.vector_load %arg18[%get3A_474, %get3A_475, %get3A_476] {strides = array<i32>} : memref<2x128x256xf32, #tpu.memory_space<vmem>>, vector<16xf32>,
        %mul3A_478 = vector.broadcast %squeeze3A_320 : f32 to vector<16xf32>
        %mul3A_479 = arith.mulf %get3A_477, %mul3A_478 : vector<16xf32>
        %add3A_480 = arith.addf %add3A_470, %mul3A_479 : vector<16xf32>
        %add3A_481 = arith.constant 96 : i32
        %add3A_482 = arith.addi %add3A_481, %scan3A_311 : i32
        %get3A_483 = arith.constant 0 : i32
        %get3A_484 = arith.index_cast %get3A_483 : i32 to index
        %get3A_485 = arith.index_cast %add3A_482 : i32 to index
        %get3A_486 = arith.constant 48 : index
        %get3A_487 = tpu.vector_load %arg18[%get3A_484, %get3A_485, %get3A_486] {strides = array<i32>} : memref<2x128x256xf32, #tpu.memory_space<vmem>>, vector<16xf32>,
        %mul3A_488 = vector.broadcast %squeeze3A_328 : f32 to vector<16xf32>
        %mul3A_489 = arith.mulf %get3A_487, %mul3A_488 : vector<16xf32>
        %add3A_490 = arith.addf %add3A_480, %mul3A_489 : vector<16xf32>
        %swap3A_491 = arith.constant 0 : i32
        %swap3A_492 = arith.index_cast %swap3A_491 : i32 to index
        %swap3A_493 = arith.index_cast %scan3A_311 : i32 to index
        %swap3A_494 = arith.constant 48 : index
        %swap3A_495 = tpu.vector_load %arg19[%swap3A_492, %swap3A_493, %swap3A_494] {strides = array<i32>} : memref<2x32x256xf32, #tpu.memory_space<vmem>>, vector<16xf32>,
        tpu.vector_store %arg19[%swap3A_492, %swap3A_493, %swap3A_494], %add3A_490 {strides = array<i32>} : memref<2x32x256xf32, #tpu.memory_space<vmem>>, vector<16xf32>,
        %get3A_496 = arith.constant 0 : i32
        %get3A_497 = arith.index_cast %get3A_496 : i32 to index
        %get3A_498 = arith.index_cast %scan3A_311 : i32 to index
        %get3A_499 = arith.constant 64 : index
        %get3A_500 = tpu.vector_load %arg18[%get3A_497, %get3A_498, %get3A_499] {strides = array<i32>} : memref<2x128x256xf32, #tpu.memory_space<vmem>>, vector<16xf32>,
        %mul3A_501 = vector.broadcast %squeeze3A : f32 to vector<16xf32>
        %mul3A_502 = arith.mulf %get3A_500, %mul3A_501 : vector<16xf32>
        %add3A_503 = arith.constant 32 : i32
        %add3A_504 = arith.addi %add3A_503, %scan3A_311 : i32
        %get3A_505 = arith.constant 0 : i32
        %get3A_506 = arith.index_cast %get3A_505 : i32 to index
        %get3A_507 = arith.index_cast %add3A_504 : i32 to index
        %get3A_508 = arith.constant 64 : index
        %get3A_509 = tpu.vector_load %arg18[%get3A_506, %get3A_507, %get3A_508] {strides = array<i32>} : memref<2x128x256xf32, #tpu.memory_space<vmem>>, vector<16xf32>,
        %mul3A_510 = vector.broadcast %squeeze3A_324 : f32 to vector<16xf32>
        %mul3A_511 = arith.mulf %get3A_509, %mul3A_510 : vector<16xf32>
        %add3A_512 = arith.addf %mul3A_502, %mul3A_511 : vector<16xf32>
        %add3A_513 = arith.constant 64 : i32
        %add3A_514 = arith.addi %add3A_513, %scan3A_311 : i32
        %get3A_515 = arith.constant 0 : i32
        %get3A_516 = arith.index_cast %get3A_515 : i32 to index
        %get3A_517 = arith.index_cast %add3A_514 : i32 to index
        %get3A_518 = arith.constant 64 : index
        %get3A_519 = tpu.vector_load %arg18[%get3A_516, %get3A_517, %get3A_518] {strides = array<i32>} : memref<2x128x256xf32, #tpu.memory_space<vmem>>, vector<16xf32>,
        %mul3A_520 = vector.broadcast %squeeze3A_320 : f32 to vector<16xf32>
        %mul3A_521 = arith.mulf %get3A_519, %mul3A_520 : vector<16xf32>
        %add3A_522 = arith.addf %add3A_512, %mul3A_521 : vector<16xf32>
        %add3A_523 = arith.constant 96 : i32
        %add3A_524 = arith.addi %add3A_523, %scan3A_311 : i32
        %get3A_525 = arith.constant 0 : i32
        %get3A_526 = arith.index_cast %get3A_525 : i32 to index
        %get3A_527 = arith.index_cast %add3A_524 : i32 to index
        %get3A_528 = arith.constant 64 : index
        %get3A_529 = tpu.vector_load %arg18[%get3A_526, %get3A_527, %get3A_528] {strides = array<i32>} : memref<2x128x256xf32, #tpu.memory_space<vmem>>, vector<16xf32>,
        %mul3A_530 = vector.broadcast %squeeze3A_328 : f32 to vector<16xf32>
        %mul3A_531 = arith.mulf %get3A_529, %mul3A_530 : vector<16xf32>
        %add3A_532 = arith.addf %add3A_522, %mul3A_531 : vector<16xf32>
        %swap3A_533 = arith.constant 0 : i32
        %swap3A_534 = arith.index_cast %swap3A_533 : i32 to index
        %swap3A_535 = arith.index_cast %scan3A_311 : i32 to index
        %swap3A_536 = arith.constant 64 : index
        %swap3A_537 = tpu.vector_load %arg19[%swap3A_534, %swap3A_535, %swap3A_536] {strides = array<i32>} : memref<2x32x256xf32, #tpu.memory_space<vmem>>, vector<16xf32>,
        tpu.vector_store %arg19[%swap3A_534, %swap3A_535, %swap3A_536], %add3A_532 {strides = array<i32>} : memref<2x32x256xf32, #tpu.memory_space<vmem>>, vector<16xf32>,
        %get3A_538 = arith.constant 0 : i32
        %get3A_539 = arith.index_cast %get3A_538 : i32 to index
        %get3A_540 = arith.index_cast %scan3A_311 : i32 to index
        %get3A_541 = arith.constant 80 : index
        %get3A_542 = tpu.vector_load %arg18[%get3A_539, %get3A_540, %get3A_541] {strides = array<i32>} : memref<2x128x256xf32, #tpu.memory_space<vmem>>, vector<16xf32>,
        %mul3A_543 = vector.broadcast %squeeze3A : f32 to vector<16xf32>
        %mul3A_544 = arith.mulf %get3A_542, %mul3A_543 : vector<16xf32>
        %add3A_545 = arith.constant 32 : i32
        %add3A_546 = arith.addi %add3A_545, %scan3A_311 : i32
        %get3A_547 = arith.constant 0 : i32
        %get3A_548 = arith.index_cast %get3A_547 : i32 to index
        %get3A_549 = arith.index_cast %add3A_546 : i32 to index
        %get3A_550 = arith.constant 80 : index
        %get3A_551 = tpu.vector_load %arg18[%get3A_548, %get3A_549, %get3A_550] {strides = array<i32>} : memref<2x128x256xf32, #tpu.memory_space<vmem>>, vector<16xf32>,
        %mul3A_552 = vector.broadcast %squeeze3A_324 : f32 to vector<16xf32>
        %mul3A_553 = arith.mulf %get3A_551, %mul3A_552 : vector<16xf32>
        %add3A_554 = arith.addf %mul3A_544, %mul3A_553 : vector<16xf32>
        %add3A_555 = arith.constant 64 : i32
        %add3A_556 = arith.addi %add3A_555, %scan3A_311 : i32
        %get3A_557 = arith.constant 0 : i32
        %get3A_558 = arith.index_cast %get3A_557 : i32 to index
        %get3A_559 = arith.index_cast %add3A_556 : i32 to index
        %get3A_560 = arith.constant 80 : index
        %get3A_561 = tpu.vector_load %arg18[%get3A_558, %get3A_559, %get3A_560] {strides = array<i32>} : memref<2x128x256xf32, #tpu.memory_space<vmem>>, vector<16xf32>,
        %mul3A_562 = vector.broadcast %squeeze3A_320 : f32 to vector<16xf32>
        %mul3A_563 = arith.mulf %get3A_561, %mul3A_562 : vector<16xf32>
        %add3A_564 = arith.addf %add3A_554, %mul3A_563 : vector<16xf32>
        %add3A_565 = arith.constant 96 : i32
        %add3A_566 = arith.addi %add3A_565, %scan3A_311 : i32
        %get3A_567 = arith.constant 0 : i32
        %get3A_568 = arith.index_cast %get3A_567 : i32 to index
        %get3A_569 = arith.index_cast %add3A_566 : i32 to index
        %get3A_570 = arith.constant 80 : index
        %get3A_571 = tpu.vector_load %arg18[%get3A_568, %get3A_569, %get3A_570] {strides = array<i32>} : memref<2x128x256xf32, #tpu.memory_space<vmem>>, vector<16xf32>,
        %mul3A_572 = vector.broadcast %squeeze3A_328 : f32 to vector<16xf32>
        %mul3A_573 = arith.mulf %get3A_571, %mul3A_572 : vector<16xf32>
        %add3A_574 = arith.addf %add3A_564, %mul3A_573 : vector<16xf32>
        %swap3A_575 = arith.constant 0 : i32
        %swap3A_576 = arith.index_cast %swap3A_575 : i32 to index
        %swap3A_577 = arith.index_cast %scan3A_311 : i32 to index
        %swap3A_578 = arith.constant 80 : index
        %swap3A_579 = tpu.vector_load %arg19[%swap3A_576, %swap3A_577, %swap3A_578] {strides = array<i32>} : memref<2x32x256xf32, #tpu.memory_space<vmem>>, vector<16xf32>,
        tpu.vector_store %arg19[%swap3A_576, %swap3A_577, %swap3A_578], %add3A_574 {strides = array<i32>} : memref<2x32x256xf32, #tpu.memory_space<vmem>>, vector<16xf32>,
        %get3A_580 = arith.constant 0 : i32
        %get3A_581 = arith.index_cast %get3A_580 : i32 to index
        %get3A_582 = arith.index_cast %scan3A_311 : i32 to index
        %get3A_583 = arith.constant 96 : index
        %get3A_584 = tpu.vector_load %arg18[%get3A_581, %get3A_582, %get3A_583] {strides = array<i32>} : memref<2x128x256xf32, #tpu.memory_space<vmem>>, vector<16xf32>,
        %mul3A_585 = vector.broadcast %squeeze3A : f32 to vector<16xf32>
        %mul3A_586 = arith.mulf %get3A_584, %mul3A_585 : vector<16xf32>
        %add3A_587 = arith.constant 32 : i32
        %add3A_588 = arith.addi %add3A_587, %scan3A_311 : i32
        %get3A_589 = arith.constant 0 : i32
        %get3A_590 = arith.index_cast %get3A_589 : i32 to index
        %get3A_591 = arith.index_cast %add3A_588 : i32 to index
        %get3A_592 = arith.constant 96 : index
        %get3A_593 = tpu.vector_load %arg18[%get3A_590, %get3A_591, %get3A_592] {strides = array<i32>} : memref<2x128x256xf32, #tpu.memory_space<vmem>>, vector<16xf32>,
        %mul3A_594 = vector.broadcast %squeeze3A_324 : f32 to vector<16xf32>
        %mul3A_595 = arith.mulf %get3A_593, %mul3A_594 : vector<16xf32>
        %add3A_596 = arith.addf %mul3A_586, %mul3A_595 : vector<16xf32>
        %add3A_597 = arith.constant 64 : i32
        %add3A_598 = arith.addi %add3A_597, %scan3A_311 : i32
        %get3A_599 = arith.constant 0 : i32
        %get3A_600 = arith.index_cast %get3A_599 : i32 to index
        %get3A_601 = arith.index_cast %add3A_598 : i32 to index
        %get3A_602 = arith.constant 96 : index
        %get3A_603 = tpu.vector_load %arg18[%get3A_600, %get3A_601, %get3A_602] {strides = array<i32>} : memref<2x128x256xf32, #tpu.memory_space<vmem>>, vector<16xf32>,
        %mul3A_604 = vector.broadcast %squeeze3A_320 : f32 to vector<16xf32>
        %mul3A_605 = arith.mulf %get3A_603, %mul3A_604 : vector<16xf32>
        %add3A_606 = arith.addf %add3A_596, %mul3A_605 : vector<16xf32>
        %add3A_607 = arith.constant 96 : i32
        %add3A_608 = arith.addi %add3A_607, %scan3A_311 : i32
        %get3A_609 = arith.constant 0 : i32
        %get3A_610 = arith.index_cast %get3A_609 : i32 to index
        %get3A_611 = arith.index_cast %add3A_608 : i32 to index
        %get3A_612 = arith.constant 96 : index
        %get3A_613 = tpu.vector_load %arg18[%get3A_610, %get3A_611, %get3A_612] {strides = array<i32>} : memref<2x128x256xf32, #tpu.memory_space<vmem>>, vector<16xf32>,
        %mul3A_614 = vector.broadcast %squeeze3A_328 : f32 to vector<16xf32>
        %mul3A_615 = arith.mulf %get3A_613, %mul3A_614 : vector<16xf32>
        %add3A_616 = arith.addf %add3A_606, %mul3A_615 : vector<16xf32>
        %swap3A_617 = arith.constant 0 : i32
        %swap3A_618 = arith.index_cast %swap3A_617 : i32 to index
        %swap3A_619 = arith.index_cast %scan3A_311 : i32 to index
        %swap3A_620 = arith.constant 96 : index
        %swap3A_621 = tpu.vector_load %arg19[%swap3A_618, %swap3A_619, %swap3A_620] {strides = array<i32>} : memref<2x32x256xf32, #tpu.memory_space<vmem>>, vector<16xf32>,
        tpu.vector_store %arg19[%swap3A_618, %swap3A_619, %swap3A_620], %add3A_616 {strides = array<i32>} : memref<2x32x256xf32, #tpu.memory_space<vmem>>, vector<16xf32>,
        %get3A_622 = arith.constant 0 : i32
        %get3A_623 = arith.index_cast %get3A_622 : i32 to index
        %get3A_624 = arith.index_cast %scan3A_311 : i32 to index
        %get3A_625 = arith.constant 112 : index
        %get3A_626 = tpu.vector_load %arg18[%get3A_623, %get3A_624, %get3A_625] {strides = array<i32>} : memref<2x128x256xf32, #tpu.memory_space<vmem>>, vector<16xf32>,
        %mul3A_627 = vector.broadcast %squeeze3A : f32 to vector<16xf32>
        %mul3A_628 = arith.mulf %get3A_626, %mul3A_627 : vector<16xf32>
        %add3A_629 = arith.constant 32 : i32
        %add3A_630 = arith.addi %add3A_629, %scan3A_311 : i32
        %get3A_631 = arith.constant 0 : i32
        %get3A_632 = arith.index_cast %get3A_631 : i32 to index
        %get3A_633 = arith.index_cast %add3A_630 : i32 to index
        %get3A_634 = arith.constant 112 : index
        %get3A_635 = tpu.vector_load %arg18[%get3A_632, %get3A_633, %get3A_634] {strides = array<i32>} : memref<2x128x256xf32, #tpu.memory_space<vmem>>, vector<16xf32>,
        %mul3A_636 = vector.broadcast %squeeze3A_324 : f32 to vector<16xf32>
        %mul3A_637 = arith.mulf %get3A_635, %mul3A_636 : vector<16xf32>
        %add3A_638 = arith.addf %mul3A_628, %mul3A_637 : vector<16xf32>
        %add3A_639 = arith.constant 64 : i32
        %add3A_640 = arith.addi %add3A_639, %scan3A_311 : i32
        %get3A_641 = arith.constant 0 : i32
        %get3A_642 = arith.index_cast %get3A_641 : i32 to index
        %get3A_643 = arith.index_cast %add3A_640 : i32 to index
        %get3A_644 = arith.constant 112 : index
        %get3A_645 = tpu.vector_load %arg18[%get3A_642, %get3A_643, %get3A_644] {strides = array<i32>} : memref<2x128x256xf32, #tpu.memory_space<vmem>>, vector<16xf32>,
        %mul3A_646 = vector.broadcast %squeeze3A_320 : f32 to vector<16xf32>
        %mul3A_647 = arith.mulf %get3A_645, %mul3A_646 : vector<16xf32>
        %add3A_648 = arith.addf %add3A_638, %mul3A_647 : vector<16xf32>
        %add3A_649 = arith.constant 96 : i32
        %add3A_650 = arith.addi %add3A_649, %scan3A_311 : i32
        %get3A_651 = arith.constant 0 : i32
        %get3A_652 = arith.index_cast %get3A_651 : i32 to index
        %get3A_653 = arith.index_cast %add3A_650 : i32 to index
        %get3A_654 = arith.constant 112 : index
        %get3A_655 = tpu.vector_load %arg18[%get3A_652, %get3A_653, %get3A_654] {strides = array<i32>} : memref<2x128x256xf32, #tpu.memory_space<vmem>>, vector<16xf32>,
        %mul3A_656 = vector.broadcast %squeeze3A_328 : f32 to vector<16xf32>
        %mul3A_657 = arith.mulf %get3A_655, %mul3A_656 : vector<16xf32>
        %add3A_658 = arith.addf %add3A_648, %mul3A_657 : vector<16xf32>
        %swap3A_659 = arith.constant 0 : i32
        %swap3A_660 = arith.index_cast %swap3A_659 : i32 to index
        %swap3A_661 = arith.index_cast %scan3A_311 : i32 to index
        %swap3A_662 = arith.constant 112 : index
        %swap3A_663 = tpu.vector_load %arg19[%swap3A_660, %swap3A_661, %swap3A_662] {strides = array<i32>} : memref<2x32x256xf32, #tpu.memory_space<vmem>>, vector<16xf32>,
        tpu.vector_store %arg19[%swap3A_660, %swap3A_661, %swap3A_662], %add3A_658 {strides = array<i32>} : memref<2x32x256xf32, #tpu.memory_space<vmem>>, vector<16xf32>,
        %get3A_664 = arith.constant 0 : i32
        %get3A_665 = arith.index_cast %get3A_664 : i32 to index
        %get3A_666 = arith.index_cast %scan3A_311 : i32 to index
        %get3A_667 = arith.constant 128 : index
        %get3A_668 = tpu.vector_load %arg18[%get3A_665, %get3A_666, %get3A_667] {strides = array<i32>} : memref<2x128x256xf32, #tpu.memory_space<vmem>>, vector<16xf32>,
        %mul3A_669 = vector.broadcast %squeeze3A : f32 to vector<16xf32>
        %mul3A_670 = arith.mulf %get3A_668, %mul3A_669 : vector<16xf32>
        %add3A_671 = arith.constant 32 : i32
        %add3A_672 = arith.addi %add3A_671, %scan3A_311 : i32
        %get3A_673 = arith.constant 0 : i32
        %get3A_674 = arith.index_cast %get3A_673 : i32 to index
        %get3A_675 = arith.index_cast %add3A_672 : i32 to index
        %get3A_676 = arith.constant 128 : index
        %get3A_677 = tpu.vector_load %arg18[%get3A_674, %get3A_675, %get3A_676] {strides = array<i32>} : memref<2x128x256xf32, #tpu.memory_space<vmem>>, vector<16xf32>,
        %mul3A_678 = vector.broadcast %squeeze3A_324 : f32 to vector<16xf32>
        %mul3A_679 = arith.mulf %get3A_677, %mul3A_678 : vector<16xf32>
        %add3A_680 = arith.addf %mul3A_670, %mul3A_679 : vector<16xf32>
        %add3A_681 = arith.constant 64 : i32
        %add3A_682 = arith.addi %add3A_681, %scan3A_311 : i32
        %get3A_683 = arith.constant 0 : i32
        %get3A_684 = arith.index_cast %get3A_683 : i32 to index
        %get3A_685 = arith.index_cast %add3A_682 : i32 to index
        %get3A_686 = arith.constant 128 : index
        %get3A_687 = tpu.vector_load %arg18[%get3A_684, %get3A_685, %get3A_686] {strides = array<i32>} : memref<2x128x256xf32, #tpu.memory_space<vmem>>, vector<16xf32>,
        %mul3A_688 = vector.broadcast %squeeze3A_320 : f32 to vector<16xf32>
        %mul3A_689 = arith.mulf %get3A_687, %mul3A_688 : vector<16xf32>
        %add3A_690 = arith.addf %add3A_680, %mul3A_689 : vector<16xf32>
        %add3A_691 = arith.constant 96 : i32
        %add3A_692 = arith.addi %add3A_691, %scan3A_311 : i32
        %get3A_693 = arith.constant 0 : i32
        %get3A_694 = arith.index_cast %get3A_693 : i32 to index
        %get3A_695 = arith.index_cast %add3A_692 : i32 to index
        %get3A_696 = arith.constant 128 : index
        %get3A_697 = tpu.vector_load %arg18[%get3A_694, %get3A_695, %get3A_696] {strides = array<i32>} : memref<2x128x256xf32, #tpu.memory_space<vmem>>, vector<16xf32>,
        %mul3A_698 = vector.broadcast %squeeze3A_328 : f32 to vector<16xf32>
        %mul3A_699 = arith.mulf %get3A_697, %mul3A_698 : vector<16xf32>
        %add3A_700 = arith.addf %add3A_690, %mul3A_699 : vector<16xf32>
        %swap3A_701 = arith.constant 0 : i32
        %swap3A_702 = arith.index_cast %swap3A_701 : i32 to index
        %swap3A_703 = arith.index_cast %scan3A_311 : i32 to index
        %swap3A_704 = arith.constant 128 : index
        %swap3A_705 = tpu.vector_load %arg19[%swap3A_702, %swap3A_703, %swap3A_704] {strides = array<i32>} : memref<2x32x256xf32, #tpu.memory_space<vmem>>, vector<16xf32>,
        tpu.vector_store %arg19[%swap3A_702, %swap3A_703, %swap3A_704], %add3A_700 {strides = array<i32>} : memref<2x32x256xf32, #tpu.memory_space<vmem>>, vector<16xf32>,
        %get3A_706 = arith.constant 0 : i32
        %get3A_707 = arith.index_cast %get3A_706 : i32 to index
        %get3A_708 = arith.index_cast %scan3A_311 : i32 to index
        %get3A_709 = arith.constant 144 : index
        %get3A_710 = tpu.vector_load %arg18[%get3A_707, %get3A_708, %get3A_709] {strides = array<i32>} : memref<2x128x256xf32, #tpu.memory_space<vmem>>, vector<16xf32>,
        %mul3A_711 = vector.broadcast %squeeze3A : f32 to vector<16xf32>
        %mul3A_712 = arith.mulf %get3A_710, %mul3A_711 : vector<16xf32>
        %add3A_713 = arith.constant 32 : i32
        %add3A_714 = arith.addi %add3A_713, %scan3A_311 : i32
        %get3A_715 = arith.constant 0 : i32
        %get3A_716 = arith.index_cast %get3A_715 : i32 to index
        %get3A_717 = arith.index_cast %add3A_714 : i32 to index
        %get3A_718 = arith.constant 144 : index
        %get3A_719 = tpu.vector_load %arg18[%get3A_716, %get3A_717, %get3A_718] {strides = array<i32>} : memref<2x128x256xf32, #tpu.memory_space<vmem>>, vector<16xf32>,
        %mul3A_720 = vector.broadcast %squeeze3A_324 : f32 to vector<16xf32>
        %mul3A_721 = arith.mulf %get3A_719, %mul3A_720 : vector<16xf32>
        %add3A_722 = arith.addf %mul3A_712, %mul3A_721 : vector<16xf32>
        %add3A_723 = arith.constant 64 : i32
        %add3A_724 = arith.addi %add3A_723, %scan3A_311 : i32
        %get3A_725 = arith.constant 0 : i32
        %get3A_726 = arith.index_cast %get3A_725 : i32 to index
        %get3A_727 = arith.index_cast %add3A_724 : i32 to index
        %get3A_728 = arith.constant 144 : index
        %get3A_729 = tpu.vector_load %arg18[%get3A_726, %get3A_727, %get3A_728] {strides = array<i32>} : memref<2x128x256xf32, #tpu.memory_space<vmem>>, vector<16xf32>,
        %mul3A_730 = vector.broadcast %squeeze3A_320 : f32 to vector<16xf32>
        %mul3A_731 = arith.mulf %get3A_729, %mul3A_730 : vector<16xf32>
        %add3A_732 = arith.addf %add3A_722, %mul3A_731 : vector<16xf32>
        %add3A_733 = arith.constant 96 : i32
        %add3A_734 = arith.addi %add3A_733, %scan3A_311 : i32
        %get3A_735 = arith.constant 0 : i32
        %get3A_736 = arith.index_cast %get3A_735 : i32 to index
        %get3A_737 = arith.index_cast %add3A_734 : i32 to index
        %get3A_738 = arith.constant 144 : index
        %get3A_739 = tpu.vector_load %arg18[%get3A_736, %get3A_737, %get3A_738] {strides = array<i32>} : memref<2x128x256xf32, #tpu.memory_space<vmem>>, vector<16xf32>,
        %mul3A_740 = vector.broadcast %squeeze3A_328 : f32 to vector<16xf32>
        %mul3A_741 = arith.mulf %get3A_739, %mul3A_740 : vector<16xf32>
        %add3A_742 = arith.addf %add3A_732, %mul3A_741 : vector<16xf32>
        %swap3A_743 = arith.constant 0 : i32
        %swap3A_744 = arith.index_cast %swap3A_743 : i32 to index
        %swap3A_745 = arith.index_cast %scan3A_311 : i32 to index
        %swap3A_746 = arith.constant 144 : index
        %swap3A_747 = tpu.vector_load %arg19[%swap3A_744, %swap3A_745, %swap3A_746] {strides = array<i32>} : memref<2x32x256xf32, #tpu.memory_space<vmem>>, vector<16xf32>,
        tpu.vector_store %arg19[%swap3A_744, %swap3A_745, %swap3A_746], %add3A_742 {strides = array<i32>} : memref<2x32x256xf32, #tpu.memory_space<vmem>>, vector<16xf32>,
        %get3A_748 = arith.constant 0 : i32
        %get3A_749 = arith.index_cast %get3A_748 : i32 to index
        %get3A_750 = arith.index_cast %scan3A_311 : i32 to index
        %get3A_751 = arith.constant 160 : index
        %get3A_752 = tpu.vector_load %arg18[%get3A_749, %get3A_750, %get3A_751] {strides = array<i32>} : memref<2x128x256xf32, #tpu.memory_space<vmem>>, vector<16xf32>,
        %mul3A_753 = vector.broadcast %squeeze3A : f32 to vector<16xf32>
        %mul3A_754 = arith.mulf %get3A_752, %mul3A_753 : vector<16xf32>
        %add3A_755 = arith.constant 32 : i32
        %add3A_756 = arith.addi %add3A_755, %scan3A_311 : i32
        %get3A_757 = arith.constant 0 : i32
        %get3A_758 = arith.index_cast %get3A_757 : i32 to index
        %get3A_759 = arith.index_cast %add3A_756 : i32 to index
        %get3A_760 = arith.constant 160 : index
        %get3A_761 = tpu.vector_load %arg18[%get3A_758, %get3A_759, %get3A_760] {strides = array<i32>} : memref<2x128x256xf32, #tpu.memory_space<vmem>>, vector<16xf32>,
        %mul3A_762 = vector.broadcast %squeeze3A_324 : f32 to vector<16xf32>
        %mul3A_763 = arith.mulf %get3A_761, %mul3A_762 : vector<16xf32>
        %add3A_764 = arith.addf %mul3A_754, %mul3A_763 : vector<16xf32>
        %add3A_765 = arith.constant 64 : i32
        %add3A_766 = arith.addi %add3A_765, %scan3A_311 : i32
        %get3A_767 = arith.constant 0 : i32
        %get3A_768 = arith.index_cast %get3A_767 : i32 to index
        %get3A_769 = arith.index_cast %add3A_766 : i32 to index
        %get3A_770 = arith.constant 160 : index
        %get3A_771 = tpu.vector_load %arg18[%get3A_768, %get3A_769, %get3A_770] {strides = array<i32>} : memref<2x128x256xf32, #tpu.memory_space<vmem>>, vector<16xf32>,
        %mul3A_772 = vector.broadcast %squeeze3A_320 : f32 to vector<16xf32>
        %mul3A_773 = arith.mulf %get3A_771, %mul3A_772 : vector<16xf32>
        %add3A_774 = arith.addf %add3A_764, %mul3A_773 : vector<16xf32>
        %add3A_775 = arith.constant 96 : i32
        %add3A_776 = arith.addi %add3A_775, %scan3A_311 : i32
        %get3A_777 = arith.constant 0 : i32
        %get3A_778 = arith.index_cast %get3A_777 : i32 to index
        %get3A_779 = arith.index_cast %add3A_776 : i32 to index
        %get3A_780 = arith.constant 160 : index
        %get3A_781 = tpu.vector_load %arg18[%get3A_778, %get3A_779, %get3A_780] {strides = array<i32>} : memref<2x128x256xf32, #tpu.memory_space<vmem>>, vector<16xf32>,
        %mul3A_782 = vector.broadcast %squeeze3A_328 : f32 to vector<16xf32>
        %mul3A_783 = arith.mulf %get3A_781, %mul3A_782 : vector<16xf32>
        %add3A_784 = arith.addf %add3A_774, %mul3A_783 : vector<16xf32>
        %swap3A_785 = arith.constant 0 : i32
        %swap3A_786 = arith.index_cast %swap3A_785 : i32 to index
        %swap3A_787 = arith.index_cast %scan3A_311 : i32 to index
        %swap3A_788 = arith.constant 160 : index
        %swap3A_789 = tpu.vector_load %arg19[%swap3A_786, %swap3A_787, %swap3A_788] {strides = array<i32>} : memref<2x32x256xf32, #tpu.memory_space<vmem>>, vector<16xf32>,
        tpu.vector_store %arg19[%swap3A_786, %swap3A_787, %swap3A_788], %add3A_784 {strides = array<i32>} : memref<2x32x256xf32, #tpu.memory_space<vmem>>, vector<16xf32>,
        %get3A_790 = arith.constant 0 : i32
        %get3A_791 = arith.index_cast %get3A_790 : i32 to index
        %get3A_792 = arith.index_cast %scan3A_311 : i32 to index
        %get3A_793 = arith.constant 176 : index
        %get3A_794 = tpu.vector_load %arg18[%get3A_791, %get3A_792, %get3A_793] {strides = array<i32>} : memref<2x128x256xf32, #tpu.memory_space<vmem>>, vector<16xf32>,
        %mul3A_795 = vector.broadcast %squeeze3A : f32 to vector<16xf32>
        %mul3A_796 = arith.mulf %get3A_794, %mul3A_795 : vector<16xf32>
        %add3A_797 = arith.constant 32 : i32
        %add3A_798 = arith.addi %add3A_797, %scan3A_311 : i32
        %get3A_799 = arith.constant 0 : i32
        %get3A_800 = arith.index_cast %get3A_799 : i32 to index
        %get3A_801 = arith.index_cast %add3A_798 : i32 to index
        %get3A_802 = arith.constant 176 : index
        %get3A_803 = tpu.vector_load %arg18[%get3A_800, %get3A_801, %get3A_802] {strides = array<i32>} : memref<2x128x256xf32, #tpu.memory_space<vmem>>, vector<16xf32>,
        %mul3A_804 = vector.broadcast %squeeze3A_324 : f32 to vector<16xf32>
        %mul3A_805 = arith.mulf %get3A_803, %mul3A_804 : vector<16xf32>
        %add3A_806 = arith.addf %mul3A_796, %mul3A_805 : vector<16xf32>
        %add3A_807 = arith.constant 64 : i32
        %add3A_808 = arith.addi %add3A_807, %scan3A_311 : i32
        %get3A_809 = arith.constant 0 : i32
        %get3A_810 = arith.index_cast %get3A_809 : i32 to index
        %get3A_811 = arith.index_cast %add3A_808 : i32 to index
        %get3A_812 = arith.constant 176 : index
        %get3A_813 = tpu.vector_load %arg18[%get3A_810, %get3A_811, %get3A_812] {strides = array<i32>} : memref<2x128x256xf32, #tpu.memory_space<vmem>>, vector<16xf32>,
        %mul3A_814 = vector.broadcast %squeeze3A_320 : f32 to vector<16xf32>
        %mul3A_815 = arith.mulf %get3A_813, %mul3A_814 : vector<16xf32>
        %add3A_816 = arith.addf %add3A_806, %mul3A_815 : vector<16xf32>
        %add3A_817 = arith.constant 96 : i32
        %add3A_818 = arith.addi %add3A_817, %scan3A_311 : i32
        %get3A_819 = arith.constant 0 : i32
        %get3A_820 = arith.index_cast %get3A_819 : i32 to index
        %get3A_821 = arith.index_cast %add3A_818 : i32 to index
        %get3A_822 = arith.constant 176 : index
        %get3A_823 = tpu.vector_load %arg18[%get3A_820, %get3A_821, %get3A_822] {strides = array<i32>} : memref<2x128x256xf32, #tpu.memory_space<vmem>>, vector<16xf32>,
        %mul3A_824 = vector.broadcast %squeeze3A_328 : f32 to vector<16xf32>
        %mul3A_825 = arith.mulf %get3A_823, %mul3A_824 : vector<16xf32>
        %add3A_826 = arith.addf %add3A_816, %mul3A_825 : vector<16xf32>
        %swap3A_827 = arith.constant 0 : i32
        %swap3A_828 = arith.index_cast %swap3A_827 : i32 to index
        %swap3A_829 = arith.index_cast %scan3A_311 : i32 to index
        %swap3A_830 = arith.constant 176 : index
        %swap3A_831 = tpu.vector_load %arg19[%swap3A_828, %swap3A_829, %swap3A_830] {strides = array<i32>} : memref<2x32x256xf32, #tpu.memory_space<vmem>>, vector<16xf32>,
        tpu.vector_store %arg19[%swap3A_828, %swap3A_829, %swap3A_830], %add3A_826 {strides = array<i32>} : memref<2x32x256xf32, #tpu.memory_space<vmem>>, vector<16xf32>,
        %get3A_832 = arith.constant 0 : i32
        %get3A_833 = arith.index_cast %get3A_832 : i32 to index
        %get3A_834 = arith.index_cast %scan3A_311 : i32 to index
        %get3A_835 = arith.constant 192 : index
        %get3A_836 = tpu.vector_load %arg18[%get3A_833, %get3A_834, %get3A_835] {strides = array<i32>} : memref<2x128x256xf32, #tpu.memory_space<vmem>>, vector<16xf32>,
        %mul3A_837 = vector.broadcast %squeeze3A : f32 to vector<16xf32>
        %mul3A_838 = arith.mulf %get3A_836, %mul3A_837 : vector<16xf32>
        %add3A_839 = arith.constant 32 : i32
        %add3A_840 = arith.addi %add3A_839, %scan3A_311 : i32
        %get3A_841 = arith.constant 0 : i32
        %get3A_842 = arith.index_cast %get3A_841 : i32 to index
        %get3A_843 = arith.index_cast %add3A_840 : i32 to index
        %get3A_844 = arith.constant 192 : index
        %get3A_845 = tpu.vector_load %arg18[%get3A_842, %get3A_843, %get3A_844] {strides = array<i32>} : memref<2x128x256xf32, #tpu.memory_space<vmem>>, vector<16xf32>,
        %mul3A_846 = vector.broadcast %squeeze3A_324 : f32 to vector<16xf32>
        %mul3A_847 = arith.mulf %get3A_845, %mul3A_846 : vector<16xf32>
        %add3A_848 = arith.addf %mul3A_838, %mul3A_847 : vector<16xf32>
        %add3A_849 = arith.constant 64 : i32
        %add3A_850 = arith.addi %add3A_849, %scan3A_311 : i32
        %get3A_851 = arith.constant 0 : i32
        %get3A_852 = arith.index_cast %get3A_851 : i32 to index
        %get3A_853 = arith.index_cast %add3A_850 : i32 to index
        %get3A_854 = arith.constant 192 : index
        %get3A_855 = tpu.vector_load %arg18[%get3A_852, %get3A_853, %get3A_854] {strides = array<i32>} : memref<2x128x256xf32, #tpu.memory_space<vmem>>, vector<16xf32>,
        %mul3A_856 = vector.broadcast %squeeze3A_320 : f32 to vector<16xf32>
        %mul3A_857 = arith.mulf %get3A_855, %mul3A_856 : vector<16xf32>
        %add3A_858 = arith.addf %add3A_848, %mul3A_857 : vector<16xf32>
        %add3A_859 = arith.constant 96 : i32
        %add3A_860 = arith.addi %add3A_859, %scan3A_311 : i32
        %get3A_861 = arith.constant 0 : i32
        %get3A_862 = arith.index_cast %get3A_861 : i32 to index
        %get3A_863 = arith.index_cast %add3A_860 : i32 to index
        %get3A_864 = arith.constant 192 : index
        %get3A_865 = tpu.vector_load %arg18[%get3A_862, %get3A_863, %get3A_864] {strides = array<i32>} : memref<2x128x256xf32, #tpu.memory_space<vmem>>, vector<16xf32>,
        %mul3A_866 = vector.broadcast %squeeze3A_328 : f32 to vector<16xf32>
        %mul3A_867 = arith.mulf %get3A_865, %mul3A_866 : vector<16xf32>
        %add3A_868 = arith.addf %add3A_858, %mul3A_867 : vector<16xf32>
        %swap3A_869 = arith.constant 0 : i32
        %swap3A_870 = arith.index_cast %swap3A_869 : i32 to index
        %swap3A_871 = arith.index_cast %scan3A_311 : i32 to index
        %swap3A_872 = arith.constant 192 : index
        %swap3A_873 = tpu.vector_load %arg19[%swap3A_870, %swap3A_871, %swap3A_872] {strides = array<i32>} : memref<2x32x256xf32, #tpu.memory_space<vmem>>, vector<16xf32>,
        tpu.vector_store %arg19[%swap3A_870, %swap3A_871, %swap3A_872], %add3A_868 {strides = array<i32>} : memref<2x32x256xf32, #tpu.memory_space<vmem>>, vector<16xf32>,
        %get3A_874 = arith.constant 0 : i32
        %get3A_875 = arith.index_cast %get3A_874 : i32 to index
        %get3A_876 = arith.index_cast %scan3A_311 : i32 to index
        %get3A_877 = arith.constant 208 : index
        %get3A_878 = tpu.vector_load %arg18[%get3A_875, %get3A_876, %get3A_877] {strides = array<i32>} : memref<2x128x256xf32, #tpu.memory_space<vmem>>, vector<16xf32>,
        %mul3A_879 = vector.broadcast %squeeze3A : f32 to vector<16xf32>
        %mul3A_880 = arith.mulf %get3A_878, %mul3A_879 : vector<16xf32>
        %add3A_881 = arith.constant 32 : i32
        %add3A_882 = arith.addi %add3A_881, %scan3A_311 : i32
        %get3A_883 = arith.constant 0 : i32
        %get3A_884 = arith.index_cast %get3A_883 : i32 to index
        %get3A_885 = arith.index_cast %add3A_882 : i32 to index
        %get3A_886 = arith.constant 208 : index
        %get3A_887 = tpu.vector_load %arg18[%get3A_884, %get3A_885, %get3A_886] {strides = array<i32>} : memref<2x128x256xf32, #tpu.memory_space<vmem>>, vector<16xf32>,
        %mul3A_888 = vector.broadcast %squeeze3A_324 : f32 to vector<16xf32>
        %mul3A_889 = arith.mulf %get3A_887, %mul3A_888 : vector<16xf32>
        %add3A_890 = arith.addf %mul3A_880, %mul3A_889 : vector<16xf32>
        %add3A_891 = arith.constant 64 : i32
        %add3A_892 = arith.addi %add3A_891, %scan3A_311 : i32
        %get3A_893 = arith.constant 0 : i32
        %get3A_894 = arith.index_cast %get3A_893 : i32 to index
        %get3A_895 = arith.index_cast %add3A_892 : i32 to index
        %get3A_896 = arith.constant 208 : index
        %get3A_897 = tpu.vector_load %arg18[%get3A_894, %get3A_895, %get3A_896] {strides = array<i32>} : memref<2x128x256xf32, #tpu.memory_space<vmem>>, vector<16xf32>,
        %mul3A_898 = vector.broadcast %squeeze3A_320 : f32 to vector<16xf32>
        %mul3A_899 = arith.mulf %get3A_897, %mul3A_898 : vector<16xf32>
        %add3A_900 = arith.addf %add3A_890, %mul3A_899 : vector<16xf32>
        %add3A_901 = arith.constant 96 : i32
        %add3A_902 = arith.addi %add3A_901, %scan3A_311 : i32
        %get3A_903 = arith.constant 0 : i32
        %get3A_904 = arith.index_cast %get3A_903 : i32 to index
        %get3A_905 = arith.index_cast %add3A_902 : i32 to index
        %get3A_906 = arith.constant 208 : index
        %get3A_907 = tpu.vector_load %arg18[%get3A_904, %get3A_905, %get3A_906] {strides = array<i32>} : memref<2x128x256xf32, #tpu.memory_space<vmem>>, vector<16xf32>,
        %mul3A_908 = vector.broadcast %squeeze3A_328 : f32 to vector<16xf32>
        %mul3A_909 = arith.mulf %get3A_907, %mul3A_908 : vector<16xf32>
        %add3A_910 = arith.addf %add3A_900, %mul3A_909 : vector<16xf32>
        %swap3A_911 = arith.constant 0 : i32
        %swap3A_912 = arith.index_cast %swap3A_911 : i32 to index
        %swap3A_913 = arith.index_cast %scan3A_311 : i32 to index
        %swap3A_914 = arith.constant 208 : index
        %swap3A_915 = tpu.vector_load %arg19[%swap3A_912, %swap3A_913, %swap3A_914] {strides = array<i32>} : memref<2x32x256xf32, #tpu.memory_space<vmem>>, vector<16xf32>,
        tpu.vector_store %arg19[%swap3A_912, %swap3A_913, %swap3A_914], %add3A_910 {strides = array<i32>} : memref<2x32x256xf32, #tpu.memory_space<vmem>>, vector<16xf32>,
        %get3A_916 = arith.constant 0 : i32
        %get3A_917 = arith.index_cast %get3A_916 : i32 to index
        %get3A_918 = arith.index_cast %scan3A_311 : i32 to index
        %get3A_919 = arith.constant 224 : index
        %get3A_920 = tpu.vector_load %arg18[%get3A_917, %get3A_918, %get3A_919] {strides = array<i32>} : memref<2x128x256xf32, #tpu.memory_space<vmem>>, vector<16xf32>,
        %mul3A_921 = vector.broadcast %squeeze3A : f32 to vector<16xf32>
        %mul3A_922 = arith.mulf %get3A_920, %mul3A_921 : vector<16xf32>
        %add3A_923 = arith.constant 32 : i32
        %add3A_924 = arith.addi %add3A_923, %scan3A_311 : i32
        %get3A_925 = arith.constant 0 : i32
        %get3A_926 = arith.index_cast %get3A_925 : i32 to index
        %get3A_927 = arith.index_cast %add3A_924 : i32 to index
        %get3A_928 = arith.constant 224 : index
        %get3A_929 = tpu.vector_load %arg18[%get3A_926, %get3A_927, %get3A_928] {strides = array<i32>} : memref<2x128x256xf32, #tpu.memory_space<vmem>>, vector<16xf32>,
        %mul3A_930 = vector.broadcast %squeeze3A_324 : f32 to vector<16xf32>
        %mul3A_931 = arith.mulf %get3A_929, %mul3A_930 : vector<16xf32>
        %add3A_932 = arith.addf %mul3A_922, %mul3A_931 : vector<16xf32>
        %add3A_933 = arith.constant 64 : i32
        %add3A_934 = arith.addi %add3A_933, %scan3A_311 : i32
        %get3A_935 = arith.constant 0 : i32
        %get3A_936 = arith.index_cast %get3A_935 : i32 to index
        %get3A_937 = arith.index_cast %add3A_934 : i32 to index
        %get3A_938 = arith.constant 224 : index
        %get3A_939 = tpu.vector_load %arg18[%get3A_936, %get3A_937, %get3A_938] {strides = array<i32>} : memref<2x128x256xf32, #tpu.memory_space<vmem>>, vector<16xf32>,
        %mul3A_940 = vector.broadcast %squeeze3A_320 : f32 to vector<16xf32>
        %mul3A_941 = arith.mulf %get3A_939, %mul3A_940 : vector<16xf32>
        %add3A_942 = arith.addf %add3A_932, %mul3A_941 : vector<16xf32>
        %add3A_943 = arith.constant 96 : i32
        %add3A_944 = arith.addi %add3A_943, %scan3A_311 : i32
        %get3A_945 = arith.constant 0 : i32
        %get3A_946 = arith.index_cast %get3A_945 : i32 to index
        %get3A_947 = arith.index_cast %add3A_944 : i32 to index
        %get3A_948 = arith.constant 224 : index
        %get3A_949 = tpu.vector_load %arg18[%get3A_946, %get3A_947, %get3A_948] {strides = array<i32>} : memref<2x128x256xf32, #tpu.memory_space<vmem>>, vector<16xf32>,
        %mul3A_950 = vector.broadcast %squeeze3A_328 : f32 to vector<16xf32>
        %mul3A_951 = arith.mulf %get3A_949, %mul3A_950 : vector<16xf32>
        %add3A_952 = arith.addf %add3A_942, %mul3A_951 : vector<16xf32>
        %swap3A_953 = arith.constant 0 : i32
        %swap3A_954 = arith.index_cast %swap3A_953 : i32 to index
        %swap3A_955 = arith.index_cast %scan3A_311 : i32 to index
        %swap3A_956 = arith.constant 224 : index
        %swap3A_957 = tpu.vector_load %arg19[%swap3A_954, %swap3A_955, %swap3A_956] {strides = array<i32>} : memref<2x32x256xf32, #tpu.memory_space<vmem>>, vector<16xf32>,
        tpu.vector_store %arg19[%swap3A_954, %swap3A_955, %swap3A_956], %add3A_952 {strides = array<i32>} : memref<2x32x256xf32, #tpu.memory_space<vmem>>, vector<16xf32>,
        %get3A_958 = arith.constant 0 : i32
        %get3A_959 = arith.index_cast %get3A_958 : i32 to index
        %get3A_960 = arith.index_cast %scan3A_311 : i32 to index
        %get3A_961 = arith.constant 240 : index
        %get3A_962 = tpu.vector_load %arg18[%get3A_959, %get3A_960, %get3A_961] {strides = array<i32>} : memref<2x128x256xf32, #tpu.memory_space<vmem>>, vector<16xf32>,
        %mul3A_963 = vector.broadcast %squeeze3A : f32 to vector<16xf32>
        %mul3A_964 = arith.mulf %get3A_962, %mul3A_963 : vector<16xf32>
        %add3A_965 = arith.constant 32 : i32
        %add3A_966 = arith.addi %add3A_965, %scan3A_311 : i32
        %get3A_967 = arith.constant 0 : i32
        %get3A_968 = arith.index_cast %get3A_967 : i32 to index
        %get3A_969 = arith.index_cast %add3A_966 : i32 to index
        %get3A_970 = arith.constant 240 : index
        %get3A_971 = tpu.vector_load %arg18[%get3A_968, %get3A_969, %get3A_970] {strides = array<i32>} : memref<2x128x256xf32, #tpu.memory_space<vmem>>, vector<16xf32>,
        %mul3A_972 = vector.broadcast %squeeze3A_324 : f32 to vector<16xf32>
        %mul3A_973 = arith.mulf %get3A_971, %mul3A_972 : vector<16xf32>
        %add3A_974 = arith.addf %mul3A_964, %mul3A_973 : vector<16xf32>
        %add3A_975 = arith.constant 64 : i32
        %add3A_976 = arith.addi %add3A_975, %scan3A_311 : i32
        %get3A_977 = arith.constant 0 : i32
        %get3A_978 = arith.index_cast %get3A_977 : i32 to index
        %get3A_979 = arith.index_cast %add3A_976 : i32 to index
        %get3A_980 = arith.constant 240 : index
        %get3A_981 = tpu.vector_load %arg18[%get3A_978, %get3A_979, %get3A_980] {strides = array<i32>} : memref<2x128x256xf32, #tpu.memory_space<vmem>>, vector<16xf32>,
        %mul3A_982 = vector.broadcast %squeeze3A_320 : f32 to vector<16xf32>
        %mul3A_983 = arith.mulf %get3A_981, %mul3A_982 : vector<16xf32>
        %add3A_984 = arith.addf %add3A_974, %mul3A_983 : vector<16xf32>
        %add3A_985 = arith.constant 96 : i32
        %add3A_986 = arith.addi %add3A_985, %scan3A_311 : i32
        %get3A_987 = arith.constant 0 : i32
        %get3A_988 = arith.index_cast %get3A_987 : i32 to index
        %get3A_989 = arith.index_cast %add3A_986 : i32 to index
        %get3A_990 = arith.constant 240 : index
        %get3A_991 = tpu.vector_load %arg18[%get3A_988, %get3A_989, %get3A_990] {strides = array<i32>} : memref<2x128x256xf32, #tpu.memory_space<vmem>>, vector<16xf32>,
        %mul3A_992 = vector.broadcast %squeeze3A_328 : f32 to vector<16xf32>
        %mul3A_993 = arith.mulf %get3A_991, %mul3A_992 : vector<16xf32>
        %add3A_994 = arith.addf %add3A_984, %mul3A_993 : vector<16xf32>
        %swap3A_995 = arith.constant 0 : i32
        %swap3A_996 = arith.index_cast %swap3A_995 : i32 to index
        %swap3A_997 = arith.index_cast %scan3A_311 : i32 to index
        %swap3A_998 = arith.constant 240 : index
        %swap3A_999 = tpu.vector_load %arg19[%swap3A_996, %swap3A_997, %swap3A_998] {strides = array<i32>} : memref<2x32x256xf32, #tpu.memory_space<vmem>>, vector<16xf32>,
        tpu.vector_store %arg19[%swap3A_996, %swap3A_997, %swap3A_998], %add3A_994 {strides = array<i32>} : memref<2x32x256xf32, #tpu.memory_space<vmem>>, vector<16xf32>,
      }
      %scan3A_202 = arith.constant 32 : i32
      %mul3A_203 = arith.constant 32 : i32
      %mul3A_204 = arith.muli %add3A_138, %mul3A_203 : i32
      %add3A_205 = arith.addi %mul3A_32, %mul3A_204 : i32
      %dma_start3A_206 = arith.constant 0 : i32
      %dma_start3A_207 = arith.constant 0 : i32
      %dma_start3A_208 = arith.constant 0 : i32
      %dma_start3A_209 = tpu.memref_slice %arg19[%dma_start3A_206, %dma_start3A_207, %dma_start3A_208] : memref<2x32x256xf32, #tpu.memory_space<vmem>> -> memref<1x32x256xf32, #tpu.memory_space<vmem>>
      %dma_start3A_210 = tpu.memref_squeeze %dma_start3A_209 : memref<1x32x256xf32, #tpu.memory_space<vmem>> -> memref<32x256xf32, #tpu.memory_space<vmem>>
      %dma_start3A_211 = arith.constant 0 : i32
      %dma_start3A_212 = tpu.memref_slice %arg6[%select_n3A, %add3A_205, %dma_start3A_211] : memref<4x4096x256xf32, #tpu.memory_space<hbm>> -> memref<1x32x256xf32, #tpu.memory_space<hbm>>
      %dma_start3A_213 = tpu.memref_squeeze %dma_start3A_212 : memref<1x32x256xf32, #tpu.memory_space<hbm>> -> memref<32x256xf32, #tpu.memory_space<hbm>>
      %dma_start3A_214 = arith.constant 0 : i32
      %dma_start3A_215 = tpu.memref_slice %arg6[%select_n3A, %add3A_205, %dma_start3A_214] : memref<4x4096x256xf32, #tpu.memory_space<hbm>> -> memref<1x32x256xf32, #tpu.memory_space<hbm>>
      %dma_start3A_216 = tpu.memref_squeeze %dma_start3A_215 : memref<1x32x256xf32, #tpu.memory_space<hbm>> -> memref<32x256xf32, #tpu.memory_space<hbm>>
      %dma_start3A_217 = arith.constant 0 : i32
      %dma_start3A_218 = arith.constant 0 : i32
      %dma_start3A_219 = tpu.memref_slice %arg19[%dma_start3A_206, %dma_start3A_217, %dma_start3A_218] : memref<2x32x256xf32, #tpu.memory_space<vmem>> -> memref<1x32x256xf32, #tpu.memory_space<vmem>>
      %dma_start3A_220 = tpu.memref_squeeze %dma_start3A_219 : memref<1x32x256xf32, #tpu.memory_space<vmem>> -> memref<32x256xf32, #tpu.memory_space<vmem>>
      tpu.enqueue_dma source(%dma_start3A_220 : memref<32x256xf32, #tpu.memory_space<vmem>>) target(%dma_start3A_216 : memref<32x256xf32, #tpu.memory_space<hbm>>) target_semaphore(%arg21 : memref<!tpu.dma_semaphore, #tpu.memory_space<semaphore_mem>>)
      %mul3A_221 = arith.constant 2 : i32
      %mul3A_222 = arith.muli %scan3A_134, %mul3A_221 : i32
      %add3A_223 = arith.constant 1 : i32
      %add3A_224 = arith.addi %mul3A_222, %add3A_223 : i32
      %add3A_225 = arith.constant 1 : i32
      %add3A_226 = arith.addi %add3A_224, %add3A_225 : i32
      %min3A_227 = arith.constant 15 : i32
      %min3A_228 = arith.minsi %add3A_226, %min3A_227 : i32
      %mul3A_229 = arith.constant 32 : i32
      %mul3A_230 = arith.muli %min3A_228, %mul3A_229 : i32
      %dma_start3A_231 = arith.constant 0 : i32
      %dma_start3A_232 = arith.constant 0 : i32
      %dma_start3A_233 = arith.constant 0 : i32
      %dma_start3A_234 = tpu.memref_slice %arg18[%dma_start3A_231, %dma_start3A_232, %dma_start3A_233] : memref<2x128x256xf32, #tpu.memory_space<vmem>> -> memref<1x32x256xf32, #tpu.memory_space<vmem>>
      %dma_start3A_235 = tpu.memref_squeeze %dma_start3A_234 : memref<1x32x256xf32, #tpu.memory_space<vmem>> -> memref<32x256xf32, #tpu.memory_space<vmem>>
      %dma_start3A_236 = tpu.memref_slice %arg10[%mul3A_230] : memref<512xi32, #tpu.memory_space<vmem>> -> memref<32xi32, #tpu.memory_space<vmem>>
      %dma_start3A_237 = arith.constant 0 : i32
      %dma_start3A_238 = arith.constant 0 : i32
      %dma_start3A_239 = tpu.memref_slice %arg2[%dma_start3A_237, %dma_start3A_238] : memref<160000x256xf32, #tpu.memory_space<hbm>> -> memref<160000x256xf32, #tpu.memory_space<hbm>>
      tpu.enqueue_indirect_dma source(%dma_start3A_239 : memref<160000x256xf32, #tpu.memory_space<hbm>>) target(%dma_start3A_235 : memref<32x256xf32, #tpu.memory_space<vmem>>) offsets(%dma_start3A_236 : memref<32xi32, #tpu.memory_space<vmem>>) semaphore(%arg20 : memref<!tpu.dma_semaphore, #tpu.memory_space<semaphore_mem>>)
      %dma_start3A_240 = arith.constant 0 : i32
      %dma_start3A_241 = arith.constant 32 : i32
      %dma_start3A_242 = arith.constant 0 : i32
      %dma_start3A_243 = tpu.memref_slice %arg18[%dma_start3A_240, %dma_start3A_241, %dma_start3A_242] : memref<2x128x256xf32, #tpu.memory_space<vmem>> -> memref<1x32x256xf32, #tpu.memory_space<vmem>>
      %dma_start3A_244 = tpu.memref_squeeze %dma_start3A_243 : memref<1x32x256xf32, #tpu.memory_space<vmem>> -> memref<32x256xf32, #tpu.memory_space<vmem>>
      %dma_start3A_245 = tpu.memref_slice %arg12[%mul3A_230] : memref<512xi32, #tpu.memory_space<vmem>> -> memref<32xi32, #tpu.memory_space<vmem>>
      %dma_start3A_246 = arith.constant 0 : i32
      %dma_start3A_247 = arith.constant 0 : i32
      %dma_start3A_248 = tpu.memref_slice %arg2[%dma_start3A_246, %dma_start3A_247] : memref<160000x256xf32, #tpu.memory_space<hbm>> -> memref<160000x256xf32, #tpu.memory_space<hbm>>
      tpu.enqueue_indirect_dma source(%dma_start3A_248 : memref<160000x256xf32, #tpu.memory_space<hbm>>) target(%dma_start3A_244 : memref<32x256xf32, #tpu.memory_space<vmem>>) offsets(%dma_start3A_245 : memref<32xi32, #tpu.memory_space<vmem>>) semaphore(%arg20 : memref<!tpu.dma_semaphore, #tpu.memory_space<semaphore_mem>>)
      %dma_start3A_249 = arith.constant 0 : i32
      %dma_start3A_250 = arith.constant 64 : i32
      %dma_start3A_251 = arith.constant 0 : i32
      %dma_start3A_252 = tpu.memref_slice %arg18[%dma_start3A_249, %dma_start3A_250, %dma_start3A_251] : memref<2x128x256xf32, #tpu.memory_space<vmem>> -> memref<1x32x256xf32, #tpu.memory_space<vmem>>
      %dma_start3A_253 = tpu.memref_squeeze %dma_start3A_252 : memref<1x32x256xf32, #tpu.memory_space<vmem>> -> memref<32x256xf32, #tpu.memory_space<vmem>>
      %dma_start3A_254 = tpu.memref_slice %arg11[%mul3A_230] : memref<512xi32, #tpu.memory_space<vmem>> -> memref<32xi32, #tpu.memory_space<vmem>>
      %dma_start3A_255 = arith.constant 0 : i32
      %dma_start3A_256 = arith.constant 0 : i32
      %dma_start3A_257 = tpu.memref_slice %arg2[%dma_start3A_255, %dma_start3A_256] : memref<160000x256xf32, #tpu.memory_space<hbm>> -> memref<160000x256xf32, #tpu.memory_space<hbm>>
      tpu.enqueue_indirect_dma source(%dma_start3A_257 : memref<160000x256xf32, #tpu.memory_space<hbm>>) target(%dma_start3A_253 : memref<32x256xf32, #tpu.memory_space<vmem>>) offsets(%dma_start3A_254 : memref<32xi32, #tpu.memory_space<vmem>>) semaphore(%arg20 : memref<!tpu.dma_semaphore, #tpu.memory_space<semaphore_mem>>)
      %dma_start3A_258 = arith.constant 0 : i32
      %dma_start3A_259 = arith.constant 96 : i32
      %dma_start3A_260 = arith.constant 0 : i32
      %dma_start3A_261 = tpu.memref_slice %arg18[%dma_start3A_258, %dma_start3A_259, %dma_start3A_260] : memref<2x128x256xf32, #tpu.memory_space<vmem>> -> memref<1x32x256xf32, #tpu.memory_space<vmem>>
      %dma_start3A_262 = tpu.memref_squeeze %dma_start3A_261 : memref<1x32x256xf32, #tpu.memory_space<vmem>> -> memref<32x256xf32, #tpu.memory_space<vmem>>
      %dma_start3A_263 = tpu.memref_slice %arg13[%mul3A_230] : memref<512xi32, #tpu.memory_space<vmem>> -> memref<32xi32, #tpu.memory_space<vmem>>
      %dma_start3A_264 = arith.constant 0 : i32
      %dma_start3A_265 = arith.constant 0 : i32
      %dma_start3A_266 = tpu.memref_slice %arg2[%dma_start3A_264, %dma_start3A_265] : memref<160000x256xf32, #tpu.memory_space<hbm>> -> memref<160000x256xf32, #tpu.memory_space<hbm>>
      tpu.enqueue_indirect_dma source(%dma_start3A_266 : memref<160000x256xf32, #tpu.memory_space<hbm>>) target(%dma_start3A_262 : memref<32x256xf32, #tpu.memory_space<vmem>>) offsets(%dma_start3A_263 : memref<32xi32, #tpu.memory_space<vmem>>) semaphore(%arg20 : memref<!tpu.dma_semaphore, #tpu.memory_space<semaphore_mem>>)
      %dma_wait3A_267 = arith.constant 1 : i32
      %dma_wait3A_268 = arith.constant 0 : i32
      %dma_wait3A_269 = arith.constant 0 : i32
      %dma_wait3A_270 = tpu.memref_slice %arg18[%dma_wait3A_267, %dma_wait3A_268, %dma_wait3A_269] : memref<2x128x256xf32, #tpu.memory_space<vmem>> -> memref<1x128x256xf32, #tpu.memory_space<vmem>>
      %dma_wait3A_271 = tpu.memref_squeeze %dma_wait3A_270 : memref<1x128x256xf32, #tpu.memory_space<vmem>> -> memref<128x256xf32, #tpu.memory_space<vmem>>
      %dma_wait3A_272 = arith.constant 0 : i32
      %dma_wait3A_273 = arith.constant 0 : i32
      %dma_wait3A_274 = tpu.memref_slice %arg2[%dma_wait3A_272, %dma_wait3A_273] : memref<160000x256xf32, #tpu.memory_space<hbm>> -> memref<128x256xf32, #tpu.memory_space<hbm>>
      %dma_wait3A_275 = arith.constant 0 : i32
      %dma_wait3A_276 = arith.constant 0 : i32
      %dma_wait3A_277 = tpu.memref_slice %arg18[%dma_wait3A_267, %dma_wait3A_275, %dma_wait3A_276] : memref<2x128x256xf32, #tpu.memory_space<vmem>> -> memref<1x128x256xf32, #tpu.memory_space<vmem>>
      %dma_wait3A_278 = tpu.memref_squeeze %dma_wait3A_277 : memref<1x128x256xf32, #tpu.memory_space<vmem>> -> memref<128x256xf32, #tpu.memory_space<vmem>>
      %dma_wait3A_279 = arith.constant 0 : i32
      %dma_wait3A_280 = arith.constant 0 : i32
      %dma_wait3A_281 = tpu.memref_slice %arg2[%dma_wait3A_279, %dma_wait3A_280] : memref<160000x256xf32, #tpu.memory_space<hbm>> -> memref<128x256xf32, #tpu.memory_space<hbm>>
      tpu.wait_dma2 semaphore(%arg20 : memref<!tpu.dma_semaphore, #tpu.memory_space<semaphore_mem>>) src(%dma_wait3A_281 : memref<128x256xf32, #tpu.memory_space<hbm>>) dst(%dma_wait3A_278 : memref<128x256xf32, #tpu.memory_space<vmem>>)
      %ge3A_282 = arith.constant 1 : i32
      %ge3A_283 = arith.cmpi sge, %scan3A_134, %ge3A_282 : i32
      %convert_element_type3A_284 = arith.extui %ge3A_283 : i1 to i32
      %cond3A_285 = arith.constant 0 : i32
      %cond3A_286 = arith.cmpi ne, %convert_element_type3A_284, %cond3A_285 : i32
      scf.if %cond3A_286 {
        %sub3A_311 = arith.constant 2 : i32
        %sub3A_312 = arith.subi %add3A_224, %sub3A_311 : i32
        %mul3A_313 = arith.constant 32 : i32
        %mul3A_314 = arith.muli %sub3A_312, %mul3A_313 : i32
        %add3A_315 = arith.addi %mul3A_32, %mul3A_314 : i32
        %dma_wait3A_316 = arith.constant 1 : i32
        %dma_wait3A_317 = arith.constant 0 : i32
        %dma_wait3A_318 = arith.constant 0 : i32
        %dma_wait3A_319 = tpu.memref_slice %arg19[%dma_wait3A_316, %dma_wait3A_317, %dma_wait3A_318] : memref<2x32x256xf32, #tpu.memory_space<vmem>> -> memref<1x32x256xf32, #tpu.memory_space<vmem>>
        %dma_wait3A_320 = tpu.memref_squeeze %dma_wait3A_319 : memref<1x32x256xf32, #tpu.memory_space<vmem>> -> memref<32x256xf32, #tpu.memory_space<vmem>>
        %dma_wait3A_321 = arith.constant 0 : i32
        %dma_wait3A_322 = tpu.memref_slice %arg6[%select_n3A, %add3A_315, %dma_wait3A_321] : memref<4x4096x256xf32, #tpu.memory_space<hbm>> -> memref<1x32x256xf32, #tpu.memory_space<hbm>>
        %dma_wait3A_323 = tpu.memref_squeeze %dma_wait3A_322 : memref<1x32x256xf32, #tpu.memory_space<hbm>> -> memref<32x256xf32, #tpu.memory_space<hbm>>
        %dma_wait3A_324 = arith.constant 0 : i32
        %dma_wait3A_325 = tpu.memref_slice %arg6[%select_n3A, %add3A_315, %dma_wait3A_324] : memref<4x4096x256xf32, #tpu.memory_space<hbm>> -> memref<1x32x256xf32, #tpu.memory_space<hbm>>
        %dma_wait3A_326 = tpu.memref_squeeze %dma_wait3A_325 : memref<1x32x256xf32, #tpu.memory_space<hbm>> -> memref<32x256xf32, #tpu.memory_space<hbm>>
        %dma_wait3A_327 = arith.constant 0 : i32
        %dma_wait3A_328 = arith.constant 0 : i32
        %dma_wait3A_329 = tpu.memref_slice %arg19[%dma_wait3A_316, %dma_wait3A_327, %dma_wait3A_328] : memref<2x32x256xf32, #tpu.memory_space<vmem>> -> memref<1x32x256xf32, #tpu.memory_space<vmem>>
        %dma_wait3A_330 = tpu.memref_squeeze %dma_wait3A_329 : memref<1x32x256xf32, #tpu.memory_space<vmem>> -> memref<32x256xf32, #tpu.memory_space<vmem>>
        tpu.wait_dma2 semaphore(%arg21 : memref<!tpu.dma_semaphore, #tpu.memory_space<semaphore_mem>>) src(%dma_wait3A_330 : memref<32x256xf32, #tpu.memory_space<vmem>>) dst(%dma_wait3A_326 : memref<32x256xf32, #tpu.memory_space<hbm>>)
      } else {
      }
      %scan3A_287 = arith.constant 0 : i32
      %scan3A_288 = arith.constant 0 : i32
      %scan3A_289 = arith.constant 32 : i32
      %scan3A_290 = arith.addi %scan3A_288, %scan3A_289 : i32
      %scan3A_291 = arith.constant 1 : i32
      scf.for %scan3A_311 = %scan3A_288 to %scan3A_290 step %scan3A_291  : i32 {
        %mul3A_312 = arith.constant 32 : i32
        %mul3A_313 = arith.muli %add3A_224, %mul3A_312 : i32
        %add3A_314 = arith.addi %mul3A_313, %scan3A_311 : i32
        %get3A_315 = arith.index_cast %add3A_314 : i32 to index
        %get3A_316 = tpu.vector_load %arg14[%get3A_315] {strides = array<i32>} : memref<528xf32, #tpu.memory_space<vmem>>, vector<16xf32>,
        %slice3A = vector.extract_strided_slice %get3A_316 {offsets = [0], sizes = [1], strides = [1]} : vector<16xf32> to vector<1xf32>
        %squeeze3A = vector.extract %slice3A[0] : f32 from vector<1xf32>
        %get3A_317 = arith.index_cast %add3A_314 : i32 to index
        %get3A_318 = tpu.vector_load %arg15[%get3A_317] {strides = array<i32>} : memref<528xf32, #tpu.memory_space<vmem>>, vector<16xf32>,
        %slice3A_319 = vector.extract_strided_slice %get3A_318 {offsets = [0], sizes = [1], strides = [1]} : vector<16xf32> to vector<1xf32>
        %squeeze3A_320 = vector.extract %slice3A_319[0] : f32 from vector<1xf32>
        %get3A_321 = arith.index_cast %add3A_314 : i32 to index
        %get3A_322 = tpu.vector_load %arg16[%get3A_321] {strides = array<i32>} : memref<528xf32, #tpu.memory_space<vmem>>, vector<16xf32>,
        %slice3A_323 = vector.extract_strided_slice %get3A_322 {offsets = [0], sizes = [1], strides = [1]} : vector<16xf32> to vector<1xf32>
        %squeeze3A_324 = vector.extract %slice3A_323[0] : f32 from vector<1xf32>
        %get3A_325 = arith.index_cast %add3A_314 : i32 to index
        %get3A_326 = tpu.vector_load %arg17[%get3A_325] {strides = array<i32>} : memref<528xf32, #tpu.memory_space<vmem>>, vector<16xf32>,
        %slice3A_327 = vector.extract_strided_slice %get3A_326 {offsets = [0], sizes = [1], strides = [1]} : vector<16xf32> to vector<1xf32>
        %squeeze3A_328 = vector.extract %slice3A_327[0] : f32 from vector<1xf32>
        %get3A_329 = arith.constant 1 : i32
        %get3A_330 = arith.index_cast %get3A_329 : i32 to index
        %get3A_331 = arith.index_cast %scan3A_311 : i32 to index
        %get3A_332 = arith.constant 0 : index
        %get3A_333 = tpu.vector_load %arg18[%get3A_330, %get3A_331, %get3A_332] {strides = array<i32>} : memref<2x128x256xf32, #tpu.memory_space<vmem>>, vector<16xf32>,
        %mul3A_334 = vector.broadcast %squeeze3A : f32 to vector<16xf32>
        %mul3A_335 = arith.mulf %get3A_333, %mul3A_334 : vector<16xf32>
        %add3A_336 = arith.constant 32 : i32
        %add3A_337 = arith.addi %add3A_336, %scan3A_311 : i32
        %get3A_338 = arith.constant 1 : i32
        %get3A_339 = arith.index_cast %get3A_338 : i32 to index
        %get3A_340 = arith.index_cast %add3A_337 : i32 to index
        %get3A_341 = arith.constant 0 : index
        %get3A_342 = tpu.vector_load %arg18[%get3A_339, %get3A_340, %get3A_341] {strides = array<i32>} : memref<2x128x256xf32, #tpu.memory_space<vmem>>, vector<16xf32>,
        %mul3A_343 = vector.broadcast %squeeze3A_324 : f32 to vector<16xf32>
        %mul3A_344 = arith.mulf %get3A_342, %mul3A_343 : vector<16xf32>
        %add3A_345 = arith.addf %mul3A_335, %mul3A_344 : vector<16xf32>
        %add3A_346 = arith.constant 64 : i32
        %add3A_347 = arith.addi %add3A_346, %scan3A_311 : i32
        %get3A_348 = arith.constant 1 : i32
        %get3A_349 = arith.index_cast %get3A_348 : i32 to index
        %get3A_350 = arith.index_cast %add3A_347 : i32 to index
        %get3A_351 = arith.constant 0 : index
        %get3A_352 = tpu.vector_load %arg18[%get3A_349, %get3A_350, %get3A_351] {strides = array<i32>} : memref<2x128x256xf32, #tpu.memory_space<vmem>>, vector<16xf32>,
        %mul3A_353 = vector.broadcast %squeeze3A_320 : f32 to vector<16xf32>
        %mul3A_354 = arith.mulf %get3A_352, %mul3A_353 : vector<16xf32>
        %add3A_355 = arith.addf %add3A_345, %mul3A_354 : vector<16xf32>
        %add3A_356 = arith.constant 96 : i32
        %add3A_357 = arith.addi %add3A_356, %scan3A_311 : i32
        %get3A_358 = arith.constant 1 : i32
        %get3A_359 = arith.index_cast %get3A_358 : i32 to index
        %get3A_360 = arith.index_cast %add3A_357 : i32 to index
        %get3A_361 = arith.constant 0 : index
        %get3A_362 = tpu.vector_load %arg18[%get3A_359, %get3A_360, %get3A_361] {strides = array<i32>} : memref<2x128x256xf32, #tpu.memory_space<vmem>>, vector<16xf32>,
        %mul3A_363 = vector.broadcast %squeeze3A_328 : f32 to vector<16xf32>
        %mul3A_364 = arith.mulf %get3A_362, %mul3A_363 : vector<16xf32>
        %add3A_365 = arith.addf %add3A_355, %mul3A_364 : vector<16xf32>
        %swap3A = arith.constant 1 : i32
        %swap3A_366 = arith.index_cast %swap3A : i32 to index
        %swap3A_367 = arith.index_cast %scan3A_311 : i32 to index
        %swap3A_368 = arith.constant 0 : index
        %swap3A_369 = tpu.vector_load %arg19[%swap3A_366, %swap3A_367, %swap3A_368] {strides = array<i32>} : memref<2x32x256xf32, #tpu.memory_space<vmem>>, vector<16xf32>,
        tpu.vector_store %arg19[%swap3A_366, %swap3A_367, %swap3A_368], %add3A_365 {strides = array<i32>} : memref<2x32x256xf32, #tpu.memory_space<vmem>>, vector<16xf32>,
        %get3A_370 = arith.constant 1 : i32
        %get3A_371 = arith.index_cast %get3A_370 : i32 to index
        %get3A_372 = arith.index_cast %scan3A_311 : i32 to index
        %get3A_373 = arith.constant 16 : index
        %get3A_374 = tpu.vector_load %arg18[%get3A_371, %get3A_372, %get3A_373] {strides = array<i32>} : memref<2x128x256xf32, #tpu.memory_space<vmem>>, vector<16xf32>,
        %mul3A_375 = vector.broadcast %squeeze3A : f32 to vector<16xf32>
        %mul3A_376 = arith.mulf %get3A_374, %mul3A_375 : vector<16xf32>
        %add3A_377 = arith.constant 32 : i32
        %add3A_378 = arith.addi %add3A_377, %scan3A_311 : i32
        %get3A_379 = arith.constant 1 : i32
        %get3A_380 = arith.index_cast %get3A_379 : i32 to index
        %get3A_381 = arith.index_cast %add3A_378 : i32 to index
        %get3A_382 = arith.constant 16 : index
        %get3A_383 = tpu.vector_load %arg18[%get3A_380, %get3A_381, %get3A_382] {strides = array<i32>} : memref<2x128x256xf32, #tpu.memory_space<vmem>>, vector<16xf32>,
        %mul3A_384 = vector.broadcast %squeeze3A_324 : f32 to vector<16xf32>
        %mul3A_385 = arith.mulf %get3A_383, %mul3A_384 : vector<16xf32>
        %add3A_386 = arith.addf %mul3A_376, %mul3A_385 : vector<16xf32>
        %add3A_387 = arith.constant 64 : i32
        %add3A_388 = arith.addi %add3A_387, %scan3A_311 : i32
        %get3A_389 = arith.constant 1 : i32
        %get3A_390 = arith.index_cast %get3A_389 : i32 to index
        %get3A_391 = arith.index_cast %add3A_388 : i32 to index
        %get3A_392 = arith.constant 16 : index
        %get3A_393 = tpu.vector_load %arg18[%get3A_390, %get3A_391, %get3A_392] {strides = array<i32>} : memref<2x128x256xf32, #tpu.memory_space<vmem>>, vector<16xf32>,
        %mul3A_394 = vector.broadcast %squeeze3A_320 : f32 to vector<16xf32>
        %mul3A_395 = arith.mulf %get3A_393, %mul3A_394 : vector<16xf32>
        %add3A_396 = arith.addf %add3A_386, %mul3A_395 : vector<16xf32>
        %add3A_397 = arith.constant 96 : i32
        %add3A_398 = arith.addi %add3A_397, %scan3A_311 : i32
        %get3A_399 = arith.constant 1 : i32
        %get3A_400 = arith.index_cast %get3A_399 : i32 to index
        %get3A_401 = arith.index_cast %add3A_398 : i32 to index
        %get3A_402 = arith.constant 16 : index
        %get3A_403 = tpu.vector_load %arg18[%get3A_400, %get3A_401, %get3A_402] {strides = array<i32>} : memref<2x128x256xf32, #tpu.memory_space<vmem>>, vector<16xf32>,
        %mul3A_404 = vector.broadcast %squeeze3A_328 : f32 to vector<16xf32>
        %mul3A_405 = arith.mulf %get3A_403, %mul3A_404 : vector<16xf32>
        %add3A_406 = arith.addf %add3A_396, %mul3A_405 : vector<16xf32>
        %swap3A_407 = arith.constant 1 : i32
        %swap3A_408 = arith.index_cast %swap3A_407 : i32 to index
        %swap3A_409 = arith.index_cast %scan3A_311 : i32 to index
        %swap3A_410 = arith.constant 16 : index
        %swap3A_411 = tpu.vector_load %arg19[%swap3A_408, %swap3A_409, %swap3A_410] {strides = array<i32>} : memref<2x32x256xf32, #tpu.memory_space<vmem>>, vector<16xf32>,
        tpu.vector_store %arg19[%swap3A_408, %swap3A_409, %swap3A_410], %add3A_406 {strides = array<i32>} : memref<2x32x256xf32, #tpu.memory_space<vmem>>, vector<16xf32>,
        %get3A_412 = arith.constant 1 : i32
        %get3A_413 = arith.index_cast %get3A_412 : i32 to index
        %get3A_414 = arith.index_cast %scan3A_311 : i32 to index
        %get3A_415 = arith.constant 32 : index
        %get3A_416 = tpu.vector_load %arg18[%get3A_413, %get3A_414, %get3A_415] {strides = array<i32>} : memref<2x128x256xf32, #tpu.memory_space<vmem>>, vector<16xf32>,
        %mul3A_417 = vector.broadcast %squeeze3A : f32 to vector<16xf32>
        %mul3A_418 = arith.mulf %get3A_416, %mul3A_417 : vector<16xf32>
        %add3A_419 = arith.constant 32 : i32
        %add3A_420 = arith.addi %add3A_419, %scan3A_311 : i32
        %get3A_421 = arith.constant 1 : i32
        %get3A_422 = arith.index_cast %get3A_421 : i32 to index
        %get3A_423 = arith.index_cast %add3A_420 : i32 to index
        %get3A_424 = arith.constant 32 : index
        %get3A_425 = tpu.vector_load %arg18[%get3A_422, %get3A_423, %get3A_424] {strides = array<i32>} : memref<2x128x256xf32, #tpu.memory_space<vmem>>, vector<16xf32>,
        %mul3A_426 = vector.broadcast %squeeze3A_324 : f32 to vector<16xf32>
        %mul3A_427 = arith.mulf %get3A_425, %mul3A_426 : vector<16xf32>
        %add3A_428 = arith.addf %mul3A_418, %mul3A_427 : vector<16xf32>
        %add3A_429 = arith.constant 64 : i32
        %add3A_430 = arith.addi %add3A_429, %scan3A_311 : i32
        %get3A_431 = arith.constant 1 : i32
        %get3A_432 = arith.index_cast %get3A_431 : i32 to index
        %get3A_433 = arith.index_cast %add3A_430 : i32 to index
        %get3A_434 = arith.constant 32 : index
        %get3A_435 = tpu.vector_load %arg18[%get3A_432, %get3A_433, %get3A_434] {strides = array<i32>} : memref<2x128x256xf32, #tpu.memory_space<vmem>>, vector<16xf32>,
        %mul3A_436 = vector.broadcast %squeeze3A_320 : f32 to vector<16xf32>
        %mul3A_437 = arith.mulf %get3A_435, %mul3A_436 : vector<16xf32>
        %add3A_438 = arith.addf %add3A_428, %mul3A_437 : vector<16xf32>
        %add3A_439 = arith.constant 96 : i32
        %add3A_440 = arith.addi %add3A_439, %scan3A_311 : i32
        %get3A_441 = arith.constant 1 : i32
        %get3A_442 = arith.index_cast %get3A_441 : i32 to index
        %get3A_443 = arith.index_cast %add3A_440 : i32 to index
        %get3A_444 = arith.constant 32 : index
        %get3A_445 = tpu.vector_load %arg18[%get3A_442, %get3A_443, %get3A_444] {strides = array<i32>} : memref<2x128x256xf32, #tpu.memory_space<vmem>>, vector<16xf32>,
        %mul3A_446 = vector.broadcast %squeeze3A_328 : f32 to vector<16xf32>
        %mul3A_447 = arith.mulf %get3A_445, %mul3A_446 : vector<16xf32>
        %add3A_448 = arith.addf %add3A_438, %mul3A_447 : vector<16xf32>
        %swap3A_449 = arith.constant 1 : i32
        %swap3A_450 = arith.index_cast %swap3A_449 : i32 to index
        %swap3A_451 = arith.index_cast %scan3A_311 : i32 to index
        %swap3A_452 = arith.constant 32 : index
        %swap3A_453 = tpu.vector_load %arg19[%swap3A_450, %swap3A_451, %swap3A_452] {strides = array<i32>} : memref<2x32x256xf32, #tpu.memory_space<vmem>>, vector<16xf32>,
        tpu.vector_store %arg19[%swap3A_450, %swap3A_451, %swap3A_452], %add3A_448 {strides = array<i32>} : memref<2x32x256xf32, #tpu.memory_space<vmem>>, vector<16xf32>,
        %get3A_454 = arith.constant 1 : i32
        %get3A_455 = arith.index_cast %get3A_454 : i32 to index
        %get3A_456 = arith.index_cast %scan3A_311 : i32 to index
        %get3A_457 = arith.constant 48 : index
        %get3A_458 = tpu.vector_load %arg18[%get3A_455, %get3A_456, %get3A_457] {strides = array<i32>} : memref<2x128x256xf32, #tpu.memory_space<vmem>>, vector<16xf32>,
        %mul3A_459 = vector.broadcast %squeeze3A : f32 to vector<16xf32>
        %mul3A_460 = arith.mulf %get3A_458, %mul3A_459 : vector<16xf32>
        %add3A_461 = arith.constant 32 : i32
        %add3A_462 = arith.addi %add3A_461, %scan3A_311 : i32
        %get3A_463 = arith.constant 1 : i32
        %get3A_464 = arith.index_cast %get3A_463 : i32 to index
        %get3A_465 = arith.index_cast %add3A_462 : i32 to index
        %get3A_466 = arith.constant 48 : index
        %get3A_467 = tpu.vector_load %arg18[%get3A_464, %get3A_465, %get3A_466] {strides = array<i32>} : memref<2x128x256xf32, #tpu.memory_space<vmem>>, vector<16xf32>,
        %mul3A_468 = vector.broadcast %squeeze3A_324 : f32 to vector<16xf32>
        %mul3A_469 = arith.mulf %get3A_467, %mul3A_468 : vector<16xf32>
        %add3A_470 = arith.addf %mul3A_460, %mul3A_469 : vector<16xf32>
        %add3A_471 = arith.constant 64 : i32
        %add3A_472 = arith.addi %add3A_471, %scan3A_311 : i32
        %get3A_473 = arith.constant 1 : i32
        %get3A_474 = arith.index_cast %get3A_473 : i32 to index
        %get3A_475 = arith.index_cast %add3A_472 : i32 to index
        %get3A_476 = arith.constant 48 : index
        %get3A_477 = tpu.vector_load %arg18[%get3A_474, %get3A_475, %get3A_476] {strides = array<i32>} : memref<2x128x256xf32, #tpu.memory_space<vmem>>, vector<16xf32>,
        %mul3A_478 = vector.broadcast %squeeze3A_320 : f32 to vector<16xf32>
        %mul3A_479 = arith.mulf %get3A_477, %mul3A_478 : vector<16xf32>
        %add3A_480 = arith.addf %add3A_470, %mul3A_479 : vector<16xf32>
        %add3A_481 = arith.constant 96 : i32
        %add3A_482 = arith.addi %add3A_481, %scan3A_311 : i32
        %get3A_483 = arith.constant 1 : i32
        %get3A_484 = arith.index_cast %get3A_483 : i32 to index
        %get3A_485 = arith.index_cast %add3A_482 : i32 to index
        %get3A_486 = arith.constant 48 : index
        %get3A_487 = tpu.vector_load %arg18[%get3A_484, %get3A_485, %get3A_486] {strides = array<i32>} : memref<2x128x256xf32, #tpu.memory_space<vmem>>, vector<16xf32>,
        %mul3A_488 = vector.broadcast %squeeze3A_328 : f32 to vector<16xf32>
        %mul3A_489 = arith.mulf %get3A_487, %mul3A_488 : vector<16xf32>
        %add3A_490 = arith.addf %add3A_480, %mul3A_489 : vector<16xf32>
        %swap3A_491 = arith.constant 1 : i32
        %swap3A_492 = arith.index_cast %swap3A_491 : i32 to index
        %swap3A_493 = arith.index_cast %scan3A_311 : i32 to index
        %swap3A_494 = arith.constant 48 : index
        %swap3A_495 = tpu.vector_load %arg19[%swap3A_492, %swap3A_493, %swap3A_494] {strides = array<i32>} : memref<2x32x256xf32, #tpu.memory_space<vmem>>, vector<16xf32>,
        tpu.vector_store %arg19[%swap3A_492, %swap3A_493, %swap3A_494], %add3A_490 {strides = array<i32>} : memref<2x32x256xf32, #tpu.memory_space<vmem>>, vector<16xf32>,
        %get3A_496 = arith.constant 1 : i32
        %get3A_497 = arith.index_cast %get3A_496 : i32 to index
        %get3A_498 = arith.index_cast %scan3A_311 : i32 to index
        %get3A_499 = arith.constant 64 : index
        %get3A_500 = tpu.vector_load %arg18[%get3A_497, %get3A_498, %get3A_499] {strides = array<i32>} : memref<2x128x256xf32, #tpu.memory_space<vmem>>, vector<16xf32>,
        %mul3A_501 = vector.broadcast %squeeze3A : f32 to vector<16xf32>
        %mul3A_502 = arith.mulf %get3A_500, %mul3A_501 : vector<16xf32>
        %add3A_503 = arith.constant 32 : i32
        %add3A_504 = arith.addi %add3A_503, %scan3A_311 : i32
        %get3A_505 = arith.constant 1 : i32
        %get3A_506 = arith.index_cast %get3A_505 : i32 to index
        %get3A_507 = arith.index_cast %add3A_504 : i32 to index
        %get3A_508 = arith.constant 64 : index
        %get3A_509 = tpu.vector_load %arg18[%get3A_506, %get3A_507, %get3A_508] {strides = array<i32>} : memref<2x128x256xf32, #tpu.memory_space<vmem>>, vector<16xf32>,
        %mul3A_510 = vector.broadcast %squeeze3A_324 : f32 to vector<16xf32>
        %mul3A_511 = arith.mulf %get3A_509, %mul3A_510 : vector<16xf32>
        %add3A_512 = arith.addf %mul3A_502, %mul3A_511 : vector<16xf32>
        %add3A_513 = arith.constant 64 : i32
        %add3A_514 = arith.addi %add3A_513, %scan3A_311 : i32
        %get3A_515 = arith.constant 1 : i32
        %get3A_516 = arith.index_cast %get3A_515 : i32 to index
        %get3A_517 = arith.index_cast %add3A_514 : i32 to index
        %get3A_518 = arith.constant 64 : index
        %get3A_519 = tpu.vector_load %arg18[%get3A_516, %get3A_517, %get3A_518] {strides = array<i32>} : memref<2x128x256xf32, #tpu.memory_space<vmem>>, vector<16xf32>,
        %mul3A_520 = vector.broadcast %squeeze3A_320 : f32 to vector<16xf32>
        %mul3A_521 = arith.mulf %get3A_519, %mul3A_520 : vector<16xf32>
        %add3A_522 = arith.addf %add3A_512, %mul3A_521 : vector<16xf32>
        %add3A_523 = arith.constant 96 : i32
        %add3A_524 = arith.addi %add3A_523, %scan3A_311 : i32
        %get3A_525 = arith.constant 1 : i32
        %get3A_526 = arith.index_cast %get3A_525 : i32 to index
        %get3A_527 = arith.index_cast %add3A_524 : i32 to index
        %get3A_528 = arith.constant 64 : index
        %get3A_529 = tpu.vector_load %arg18[%get3A_526, %get3A_527, %get3A_528] {strides = array<i32>} : memref<2x128x256xf32, #tpu.memory_space<vmem>>, vector<16xf32>,
        %mul3A_530 = vector.broadcast %squeeze3A_328 : f32 to vector<16xf32>
        %mul3A_531 = arith.mulf %get3A_529, %mul3A_530 : vector<16xf32>
        %add3A_532 = arith.addf %add3A_522, %mul3A_531 : vector<16xf32>
        %swap3A_533 = arith.constant 1 : i32
        %swap3A_534 = arith.index_cast %swap3A_533 : i32 to index
        %swap3A_535 = arith.index_cast %scan3A_311 : i32 to index
        %swap3A_536 = arith.constant 64 : index
        %swap3A_537 = tpu.vector_load %arg19[%swap3A_534, %swap3A_535, %swap3A_536] {strides = array<i32>} : memref<2x32x256xf32, #tpu.memory_space<vmem>>, vector<16xf32>,
        tpu.vector_store %arg19[%swap3A_534, %swap3A_535, %swap3A_536], %add3A_532 {strides = array<i32>} : memref<2x32x256xf32, #tpu.memory_space<vmem>>, vector<16xf32>,
        %get3A_538 = arith.constant 1 : i32
        %get3A_539 = arith.index_cast %get3A_538 : i32 to index
        %get3A_540 = arith.index_cast %scan3A_311 : i32 to index
        %get3A_541 = arith.constant 80 : index
        %get3A_542 = tpu.vector_load %arg18[%get3A_539, %get3A_540, %get3A_541] {strides = array<i32>} : memref<2x128x256xf32, #tpu.memory_space<vmem>>, vector<16xf32>,
        %mul3A_543 = vector.broadcast %squeeze3A : f32 to vector<16xf32>
        %mul3A_544 = arith.mulf %get3A_542, %mul3A_543 : vector<16xf32>
        %add3A_545 = arith.constant 32 : i32
        %add3A_546 = arith.addi %add3A_545, %scan3A_311 : i32
        %get3A_547 = arith.constant 1 : i32
        %get3A_548 = arith.index_cast %get3A_547 : i32 to index
        %get3A_549 = arith.index_cast %add3A_546 : i32 to index
        %get3A_550 = arith.constant 80 : index
        %get3A_551 = tpu.vector_load %arg18[%get3A_548, %get3A_549, %get3A_550] {strides = array<i32>} : memref<2x128x256xf32, #tpu.memory_space<vmem>>, vector<16xf32>,
        %mul3A_552 = vector.broadcast %squeeze3A_324 : f32 to vector<16xf32>
        %mul3A_553 = arith.mulf %get3A_551, %mul3A_552 : vector<16xf32>
        %add3A_554 = arith.addf %mul3A_544, %mul3A_553 : vector<16xf32>
        %add3A_555 = arith.constant 64 : i32
        %add3A_556 = arith.addi %add3A_555, %scan3A_311 : i32
        %get3A_557 = arith.constant 1 : i32
        %get3A_558 = arith.index_cast %get3A_557 : i32 to index
        %get3A_559 = arith.index_cast %add3A_556 : i32 to index
        %get3A_560 = arith.constant 80 : index
        %get3A_561 = tpu.vector_load %arg18[%get3A_558, %get3A_559, %get3A_560] {strides = array<i32>} : memref<2x128x256xf32, #tpu.memory_space<vmem>>, vector<16xf32>,
        %mul3A_562 = vector.broadcast %squeeze3A_320 : f32 to vector<16xf32>
        %mul3A_563 = arith.mulf %get3A_561, %mul3A_562 : vector<16xf32>
        %add3A_564 = arith.addf %add3A_554, %mul3A_563 : vector<16xf32>
        %add3A_565 = arith.constant 96 : i32
        %add3A_566 = arith.addi %add3A_565, %scan3A_311 : i32
        %get3A_567 = arith.constant 1 : i32
        %get3A_568 = arith.index_cast %get3A_567 : i32 to index
        %get3A_569 = arith.index_cast %add3A_566 : i32 to index
        %get3A_570 = arith.constant 80 : index
        %get3A_571 = tpu.vector_load %arg18[%get3A_568, %get3A_569, %get3A_570] {strides = array<i32>} : memref<2x128x256xf32, #tpu.memory_space<vmem>>, vector<16xf32>,
        %mul3A_572 = vector.broadcast %squeeze3A_328 : f32 to vector<16xf32>
        %mul3A_573 = arith.mulf %get3A_571, %mul3A_572 : vector<16xf32>
        %add3A_574 = arith.addf %add3A_564, %mul3A_573 : vector<16xf32>
        %swap3A_575 = arith.constant 1 : i32
        %swap3A_576 = arith.index_cast %swap3A_575 : i32 to index
        %swap3A_577 = arith.index_cast %scan3A_311 : i32 to index
        %swap3A_578 = arith.constant 80 : index
        %swap3A_579 = tpu.vector_load %arg19[%swap3A_576, %swap3A_577, %swap3A_578] {strides = array<i32>} : memref<2x32x256xf32, #tpu.memory_space<vmem>>, vector<16xf32>,
        tpu.vector_store %arg19[%swap3A_576, %swap3A_577, %swap3A_578], %add3A_574 {strides = array<i32>} : memref<2x32x256xf32, #tpu.memory_space<vmem>>, vector<16xf32>,
        %get3A_580 = arith.constant 1 : i32
        %get3A_581 = arith.index_cast %get3A_580 : i32 to index
        %get3A_582 = arith.index_cast %scan3A_311 : i32 to index
        %get3A_583 = arith.constant 96 : index
        %get3A_584 = tpu.vector_load %arg18[%get3A_581, %get3A_582, %get3A_583] {strides = array<i32>} : memref<2x128x256xf32, #tpu.memory_space<vmem>>, vector<16xf32>,
        %mul3A_585 = vector.broadcast %squeeze3A : f32 to vector<16xf32>
        %mul3A_586 = arith.mulf %get3A_584, %mul3A_585 : vector<16xf32>
        %add3A_587 = arith.constant 32 : i32
        %add3A_588 = arith.addi %add3A_587, %scan3A_311 : i32
        %get3A_589 = arith.constant 1 : i32
        %get3A_590 = arith.index_cast %get3A_589 : i32 to index
        %get3A_591 = arith.index_cast %add3A_588 : i32 to index
        %get3A_592 = arith.constant 96 : index
        %get3A_593 = tpu.vector_load %arg18[%get3A_590, %get3A_591, %get3A_592] {strides = array<i32>} : memref<2x128x256xf32, #tpu.memory_space<vmem>>, vector<16xf32>,
        %mul3A_594 = vector.broadcast %squeeze3A_324 : f32 to vector<16xf32>
        %mul3A_595 = arith.mulf %get3A_593, %mul3A_594 : vector<16xf32>
        %add3A_596 = arith.addf %mul3A_586, %mul3A_595 : vector<16xf32>
        %add3A_597 = arith.constant 64 : i32
        %add3A_598 = arith.addi %add3A_597, %scan3A_311 : i32
        %get3A_599 = arith.constant 1 : i32
        %get3A_600 = arith.index_cast %get3A_599 : i32 to index
        %get3A_601 = arith.index_cast %add3A_598 : i32 to index
        %get3A_602 = arith.constant 96 : index
        %get3A_603 = tpu.vector_load %arg18[%get3A_600, %get3A_601, %get3A_602] {strides = array<i32>} : memref<2x128x256xf32, #tpu.memory_space<vmem>>, vector<16xf32>,
        %mul3A_604 = vector.broadcast %squeeze3A_320 : f32 to vector<16xf32>
        %mul3A_605 = arith.mulf %get3A_603, %mul3A_604 : vector<16xf32>
        %add3A_606 = arith.addf %add3A_596, %mul3A_605 : vector<16xf32>
        %add3A_607 = arith.constant 96 : i32
        %add3A_608 = arith.addi %add3A_607, %scan3A_311 : i32
        %get3A_609 = arith.constant 1 : i32
        %get3A_610 = arith.index_cast %get3A_609 : i32 to index
        %get3A_611 = arith.index_cast %add3A_608 : i32 to index
        %get3A_612 = arith.constant 96 : index
        %get3A_613 = tpu.vector_load %arg18[%get3A_610, %get3A_611, %get3A_612] {strides = array<i32>} : memref<2x128x256xf32, #tpu.memory_space<vmem>>, vector<16xf32>,
        %mul3A_614 = vector.broadcast %squeeze3A_328 : f32 to vector<16xf32>
        %mul3A_615 = arith.mulf %get3A_613, %mul3A_614 : vector<16xf32>
        %add3A_616 = arith.addf %add3A_606, %mul3A_615 : vector<16xf32>
        %swap3A_617 = arith.constant 1 : i32
        %swap3A_618 = arith.index_cast %swap3A_617 : i32 to index
        %swap3A_619 = arith.index_cast %scan3A_311 : i32 to index
        %swap3A_620 = arith.constant 96 : index
        %swap3A_621 = tpu.vector_load %arg19[%swap3A_618, %swap3A_619, %swap3A_620] {strides = array<i32>} : memref<2x32x256xf32, #tpu.memory_space<vmem>>, vector<16xf32>,
        tpu.vector_store %arg19[%swap3A_618, %swap3A_619, %swap3A_620], %add3A_616 {strides = array<i32>} : memref<2x32x256xf32, #tpu.memory_space<vmem>>, vector<16xf32>,
        %get3A_622 = arith.constant 1 : i32
        %get3A_623 = arith.index_cast %get3A_622 : i32 to index
        %get3A_624 = arith.index_cast %scan3A_311 : i32 to index
        %get3A_625 = arith.constant 112 : index
        %get3A_626 = tpu.vector_load %arg18[%get3A_623, %get3A_624, %get3A_625] {strides = array<i32>} : memref<2x128x256xf32, #tpu.memory_space<vmem>>, vector<16xf32>,
        %mul3A_627 = vector.broadcast %squeeze3A : f32 to vector<16xf32>
        %mul3A_628 = arith.mulf %get3A_626, %mul3A_627 : vector<16xf32>
        %add3A_629 = arith.constant 32 : i32
        %add3A_630 = arith.addi %add3A_629, %scan3A_311 : i32
        %get3A_631 = arith.constant 1 : i32
        %get3A_632 = arith.index_cast %get3A_631 : i32 to index
        %get3A_633 = arith.index_cast %add3A_630 : i32 to index
        %get3A_634 = arith.constant 112 : index
        %get3A_635 = tpu.vector_load %arg18[%get3A_632, %get3A_633, %get3A_634] {strides = array<i32>} : memref<2x128x256xf32, #tpu.memory_space<vmem>>, vector<16xf32>,
        %mul3A_636 = vector.broadcast %squeeze3A_324 : f32 to vector<16xf32>
        %mul3A_637 = arith.mulf %get3A_635, %mul3A_636 : vector<16xf32>
        %add3A_638 = arith.addf %mul3A_628, %mul3A_637 : vector<16xf32>
        %add3A_639 = arith.constant 64 : i32
        %add3A_640 = arith.addi %add3A_639, %scan3A_311 : i32
        %get3A_641 = arith.constant 1 : i32
        %get3A_642 = arith.index_cast %get3A_641 : i32 to index
        %get3A_643 = arith.index_cast %add3A_640 : i32 to index
        %get3A_644 = arith.constant 112 : index
        %get3A_645 = tpu.vector_load %arg18[%get3A_642, %get3A_643, %get3A_644] {strides = array<i32>} : memref<2x128x256xf32, #tpu.memory_space<vmem>>, vector<16xf32>,
        %mul3A_646 = vector.broadcast %squeeze3A_320 : f32 to vector<16xf32>
        %mul3A_647 = arith.mulf %get3A_645, %mul3A_646 : vector<16xf32>
        %add3A_648 = arith.addf %add3A_638, %mul3A_647 : vector<16xf32>
        %add3A_649 = arith.constant 96 : i32
        %add3A_650 = arith.addi %add3A_649, %scan3A_311 : i32
        %get3A_651 = arith.constant 1 : i32
        %get3A_652 = arith.index_cast %get3A_651 : i32 to index
        %get3A_653 = arith.index_cast %add3A_650 : i32 to index
        %get3A_654 = arith.constant 112 : index
        %get3A_655 = tpu.vector_load %arg18[%get3A_652, %get3A_653, %get3A_654] {strides = array<i32>} : memref<2x128x256xf32, #tpu.memory_space<vmem>>, vector<16xf32>,
        %mul3A_656 = vector.broadcast %squeeze3A_328 : f32 to vector<16xf32>
        %mul3A_657 = arith.mulf %get3A_655, %mul3A_656 : vector<16xf32>
        %add3A_658 = arith.addf %add3A_648, %mul3A_657 : vector<16xf32>
        %swap3A_659 = arith.constant 1 : i32
        %swap3A_660 = arith.index_cast %swap3A_659 : i32 to index
        %swap3A_661 = arith.index_cast %scan3A_311 : i32 to index
        %swap3A_662 = arith.constant 112 : index
        %swap3A_663 = tpu.vector_load %arg19[%swap3A_660, %swap3A_661, %swap3A_662] {strides = array<i32>} : memref<2x32x256xf32, #tpu.memory_space<vmem>>, vector<16xf32>,
        tpu.vector_store %arg19[%swap3A_660, %swap3A_661, %swap3A_662], %add3A_658 {strides = array<i32>} : memref<2x32x256xf32, #tpu.memory_space<vmem>>, vector<16xf32>,
        %get3A_664 = arith.constant 1 : i32
        %get3A_665 = arith.index_cast %get3A_664 : i32 to index
        %get3A_666 = arith.index_cast %scan3A_311 : i32 to index
        %get3A_667 = arith.constant 128 : index
        %get3A_668 = tpu.vector_load %arg18[%get3A_665, %get3A_666, %get3A_667] {strides = array<i32>} : memref<2x128x256xf32, #tpu.memory_space<vmem>>, vector<16xf32>,
        %mul3A_669 = vector.broadcast %squeeze3A : f32 to vector<16xf32>
        %mul3A_670 = arith.mulf %get3A_668, %mul3A_669 : vector<16xf32>
        %add3A_671 = arith.constant 32 : i32
        %add3A_672 = arith.addi %add3A_671, %scan3A_311 : i32
        %get3A_673 = arith.constant 1 : i32
        %get3A_674 = arith.index_cast %get3A_673 : i32 to index
        %get3A_675 = arith.index_cast %add3A_672 : i32 to index
        %get3A_676 = arith.constant 128 : index
        %get3A_677 = tpu.vector_load %arg18[%get3A_674, %get3A_675, %get3A_676] {strides = array<i32>} : memref<2x128x256xf32, #tpu.memory_space<vmem>>, vector<16xf32>,
        %mul3A_678 = vector.broadcast %squeeze3A_324 : f32 to vector<16xf32>
        %mul3A_679 = arith.mulf %get3A_677, %mul3A_678 : vector<16xf32>
        %add3A_680 = arith.addf %mul3A_670, %mul3A_679 : vector<16xf32>
        %add3A_681 = arith.constant 64 : i32
        %add3A_682 = arith.addi %add3A_681, %scan3A_311 : i32
        %get3A_683 = arith.constant 1 : i32
        %get3A_684 = arith.index_cast %get3A_683 : i32 to index
        %get3A_685 = arith.index_cast %add3A_682 : i32 to index
        %get3A_686 = arith.constant 128 : index
        %get3A_687 = tpu.vector_load %arg18[%get3A_684, %get3A_685, %get3A_686] {strides = array<i32>} : memref<2x128x256xf32, #tpu.memory_space<vmem>>, vector<16xf32>,
        %mul3A_688 = vector.broadcast %squeeze3A_320 : f32 to vector<16xf32>
        %mul3A_689 = arith.mulf %get3A_687, %mul3A_688 : vector<16xf32>
        %add3A_690 = arith.addf %add3A_680, %mul3A_689 : vector<16xf32>
        %add3A_691 = arith.constant 96 : i32
        %add3A_692 = arith.addi %add3A_691, %scan3A_311 : i32
        %get3A_693 = arith.constant 1 : i32
        %get3A_694 = arith.index_cast %get3A_693 : i32 to index
        %get3A_695 = arith.index_cast %add3A_692 : i32 to index
        %get3A_696 = arith.constant 128 : index
        %get3A_697 = tpu.vector_load %arg18[%get3A_694, %get3A_695, %get3A_696] {strides = array<i32>} : memref<2x128x256xf32, #tpu.memory_space<vmem>>, vector<16xf32>,
        %mul3A_698 = vector.broadcast %squeeze3A_328 : f32 to vector<16xf32>
        %mul3A_699 = arith.mulf %get3A_697, %mul3A_698 : vector<16xf32>
        %add3A_700 = arith.addf %add3A_690, %mul3A_699 : vector<16xf32>
        %swap3A_701 = arith.constant 1 : i32
        %swap3A_702 = arith.index_cast %swap3A_701 : i32 to index
        %swap3A_703 = arith.index_cast %scan3A_311 : i32 to index
        %swap3A_704 = arith.constant 128 : index
        %swap3A_705 = tpu.vector_load %arg19[%swap3A_702, %swap3A_703, %swap3A_704] {strides = array<i32>} : memref<2x32x256xf32, #tpu.memory_space<vmem>>, vector<16xf32>,
        tpu.vector_store %arg19[%swap3A_702, %swap3A_703, %swap3A_704], %add3A_700 {strides = array<i32>} : memref<2x32x256xf32, #tpu.memory_space<vmem>>, vector<16xf32>,
        %get3A_706 = arith.constant 1 : i32
        %get3A_707 = arith.index_cast %get3A_706 : i32 to index
        %get3A_708 = arith.index_cast %scan3A_311 : i32 to index
        %get3A_709 = arith.constant 144 : index
        %get3A_710 = tpu.vector_load %arg18[%get3A_707, %get3A_708, %get3A_709] {strides = array<i32>} : memref<2x128x256xf32, #tpu.memory_space<vmem>>, vector<16xf32>,
        %mul3A_711 = vector.broadcast %squeeze3A : f32 to vector<16xf32>
        %mul3A_712 = arith.mulf %get3A_710, %mul3A_711 : vector<16xf32>
        %add3A_713 = arith.constant 32 : i32
        %add3A_714 = arith.addi %add3A_713, %scan3A_311 : i32
        %get3A_715 = arith.constant 1 : i32
        %get3A_716 = arith.index_cast %get3A_715 : i32 to index
        %get3A_717 = arith.index_cast %add3A_714 : i32 to index
        %get3A_718 = arith.constant 144 : index
        %get3A_719 = tpu.vector_load %arg18[%get3A_716, %get3A_717, %get3A_718] {strides = array<i32>} : memref<2x128x256xf32, #tpu.memory_space<vmem>>, vector<16xf32>,
        %mul3A_720 = vector.broadcast %squeeze3A_324 : f32 to vector<16xf32>
        %mul3A_721 = arith.mulf %get3A_719, %mul3A_720 : vector<16xf32>
        %add3A_722 = arith.addf %mul3A_712, %mul3A_721 : vector<16xf32>
        %add3A_723 = arith.constant 64 : i32
        %add3A_724 = arith.addi %add3A_723, %scan3A_311 : i32
        %get3A_725 = arith.constant 1 : i32
        %get3A_726 = arith.index_cast %get3A_725 : i32 to index
        %get3A_727 = arith.index_cast %add3A_724 : i32 to index
        %get3A_728 = arith.constant 144 : index
        %get3A_729 = tpu.vector_load %arg18[%get3A_726, %get3A_727, %get3A_728] {strides = array<i32>} : memref<2x128x256xf32, #tpu.memory_space<vmem>>, vector<16xf32>,
        %mul3A_730 = vector.broadcast %squeeze3A_320 : f32 to vector<16xf32>
        %mul3A_731 = arith.mulf %get3A_729, %mul3A_730 : vector<16xf32>
        %add3A_732 = arith.addf %add3A_722, %mul3A_731 : vector<16xf32>
        %add3A_733 = arith.constant 96 : i32
        %add3A_734 = arith.addi %add3A_733, %scan3A_311 : i32
        %get3A_735 = arith.constant 1 : i32
        %get3A_736 = arith.index_cast %get3A_735 : i32 to index
        %get3A_737 = arith.index_cast %add3A_734 : i32 to index
        %get3A_738 = arith.constant 144 : index
        %get3A_739 = tpu.vector_load %arg18[%get3A_736, %get3A_737, %get3A_738] {strides = array<i32>} : memref<2x128x256xf32, #tpu.memory_space<vmem>>, vector<16xf32>,
        %mul3A_740 = vector.broadcast %squeeze3A_328 : f32 to vector<16xf32>
        %mul3A_741 = arith.mulf %get3A_739, %mul3A_740 : vector<16xf32>
        %add3A_742 = arith.addf %add3A_732, %mul3A_741 : vector<16xf32>
        %swap3A_743 = arith.constant 1 : i32
        %swap3A_744 = arith.index_cast %swap3A_743 : i32 to index
        %swap3A_745 = arith.index_cast %scan3A_311 : i32 to index
        %swap3A_746 = arith.constant 144 : index
        %swap3A_747 = tpu.vector_load %arg19[%swap3A_744, %swap3A_745, %swap3A_746] {strides = array<i32>} : memref<2x32x256xf32, #tpu.memory_space<vmem>>, vector<16xf32>,
        tpu.vector_store %arg19[%swap3A_744, %swap3A_745, %swap3A_746], %add3A_742 {strides = array<i32>} : memref<2x32x256xf32, #tpu.memory_space<vmem>>, vector<16xf32>,
        %get3A_748 = arith.constant 1 : i32
        %get3A_749 = arith.index_cast %get3A_748 : i32 to index
        %get3A_750 = arith.index_cast %scan3A_311 : i32 to index
        %get3A_751 = arith.constant 160 : index
        %get3A_752 = tpu.vector_load %arg18[%get3A_749, %get3A_750, %get3A_751] {strides = array<i32>} : memref<2x128x256xf32, #tpu.memory_space<vmem>>, vector<16xf32>,
        %mul3A_753 = vector.broadcast %squeeze3A : f32 to vector<16xf32>
        %mul3A_754 = arith.mulf %get3A_752, %mul3A_753 : vector<16xf32>
        %add3A_755 = arith.constant 32 : i32
        %add3A_756 = arith.addi %add3A_755, %scan3A_311 : i32
        %get3A_757 = arith.constant 1 : i32
        %get3A_758 = arith.index_cast %get3A_757 : i32 to index
        %get3A_759 = arith.index_cast %add3A_756 : i32 to index
        %get3A_760 = arith.constant 160 : index
        %get3A_761 = tpu.vector_load %arg18[%get3A_758, %get3A_759, %get3A_760] {strides = array<i32>} : memref<2x128x256xf32, #tpu.memory_space<vmem>>, vector<16xf32>,
        %mul3A_762 = vector.broadcast %squeeze3A_324 : f32 to vector<16xf32>
        %mul3A_763 = arith.mulf %get3A_761, %mul3A_762 : vector<16xf32>
        %add3A_764 = arith.addf %mul3A_754, %mul3A_763 : vector<16xf32>
        %add3A_765 = arith.constant 64 : i32
        %add3A_766 = arith.addi %add3A_765, %scan3A_311 : i32
        %get3A_767 = arith.constant 1 : i32
        %get3A_768 = arith.index_cast %get3A_767 : i32 to index
        %get3A_769 = arith.index_cast %add3A_766 : i32 to index
        %get3A_770 = arith.constant 160 : index
        %get3A_771 = tpu.vector_load %arg18[%get3A_768, %get3A_769, %get3A_770] {strides = array<i32>} : memref<2x128x256xf32, #tpu.memory_space<vmem>>, vector<16xf32>,
        %mul3A_772 = vector.broadcast %squeeze3A_320 : f32 to vector<16xf32>
        %mul3A_773 = arith.mulf %get3A_771, %mul3A_772 : vector<16xf32>
        %add3A_774 = arith.addf %add3A_764, %mul3A_773 : vector<16xf32>
        %add3A_775 = arith.constant 96 : i32
        %add3A_776 = arith.addi %add3A_775, %scan3A_311 : i32
        %get3A_777 = arith.constant 1 : i32
        %get3A_778 = arith.index_cast %get3A_777 : i32 to index
        %get3A_779 = arith.index_cast %add3A_776 : i32 to index
        %get3A_780 = arith.constant 160 : index
        %get3A_781 = tpu.vector_load %arg18[%get3A_778, %get3A_779, %get3A_780] {strides = array<i32>} : memref<2x128x256xf32, #tpu.memory_space<vmem>>, vector<16xf32>,
        %mul3A_782 = vector.broadcast %squeeze3A_328 : f32 to vector<16xf32>
        %mul3A_783 = arith.mulf %get3A_781, %mul3A_782 : vector<16xf32>
        %add3A_784 = arith.addf %add3A_774, %mul3A_783 : vector<16xf32>
        %swap3A_785 = arith.constant 1 : i32
        %swap3A_786 = arith.index_cast %swap3A_785 : i32 to index
        %swap3A_787 = arith.index_cast %scan3A_311 : i32 to index
        %swap3A_788 = arith.constant 160 : index
        %swap3A_789 = tpu.vector_load %arg19[%swap3A_786, %swap3A_787, %swap3A_788] {strides = array<i32>} : memref<2x32x256xf32, #tpu.memory_space<vmem>>, vector<16xf32>,
        tpu.vector_store %arg19[%swap3A_786, %swap3A_787, %swap3A_788], %add3A_784 {strides = array<i32>} : memref<2x32x256xf32, #tpu.memory_space<vmem>>, vector<16xf32>,
        %get3A_790 = arith.constant 1 : i32
        %get3A_791 = arith.index_cast %get3A_790 : i32 to index
        %get3A_792 = arith.index_cast %scan3A_311 : i32 to index
        %get3A_793 = arith.constant 176 : index
        %get3A_794 = tpu.vector_load %arg18[%get3A_791, %get3A_792, %get3A_793] {strides = array<i32>} : memref<2x128x256xf32, #tpu.memory_space<vmem>>, vector<16xf32>,
        %mul3A_795 = vector.broadcast %squeeze3A : f32 to vector<16xf32>
        %mul3A_796 = arith.mulf %get3A_794, %mul3A_795 : vector<16xf32>
        %add3A_797 = arith.constant 32 : i32
        %add3A_798 = arith.addi %add3A_797, %scan3A_311 : i32
        %get3A_799 = arith.constant 1 : i32
        %get3A_800 = arith.index_cast %get3A_799 : i32 to index
        %get3A_801 = arith.index_cast %add3A_798 : i32 to index
        %get3A_802 = arith.constant 176 : index
        %get3A_803 = tpu.vector_load %arg18[%get3A_800, %get3A_801, %get3A_802] {strides = array<i32>} : memref<2x128x256xf32, #tpu.memory_space<vmem>>, vector<16xf32>,
        %mul3A_804 = vector.broadcast %squeeze3A_324 : f32 to vector<16xf32>
        %mul3A_805 = arith.mulf %get3A_803, %mul3A_804 : vector<16xf32>
        %add3A_806 = arith.addf %mul3A_796, %mul3A_805 : vector<16xf32>
        %add3A_807 = arith.constant 64 : i32
        %add3A_808 = arith.addi %add3A_807, %scan3A_311 : i32
        %get3A_809 = arith.constant 1 : i32
        %get3A_810 = arith.index_cast %get3A_809 : i32 to index
        %get3A_811 = arith.index_cast %add3A_808 : i32 to index
        %get3A_812 = arith.constant 176 : index
        %get3A_813 = tpu.vector_load %arg18[%get3A_810, %get3A_811, %get3A_812] {strides = array<i32>} : memref<2x128x256xf32, #tpu.memory_space<vmem>>, vector<16xf32>,
        %mul3A_814 = vector.broadcast %squeeze3A_320 : f32 to vector<16xf32>
        %mul3A_815 = arith.mulf %get3A_813, %mul3A_814 : vector<16xf32>
        %add3A_816 = arith.addf %add3A_806, %mul3A_815 : vector<16xf32>
        %add3A_817 = arith.constant 96 : i32
        %add3A_818 = arith.addi %add3A_817, %scan3A_311 : i32
        %get3A_819 = arith.constant 1 : i32
        %get3A_820 = arith.index_cast %get3A_819 : i32 to index
        %get3A_821 = arith.index_cast %add3A_818 : i32 to index
        %get3A_822 = arith.constant 176 : index
        %get3A_823 = tpu.vector_load %arg18[%get3A_820, %get3A_821, %get3A_822] {strides = array<i32>} : memref<2x128x256xf32, #tpu.memory_space<vmem>>, vector<16xf32>,
        %mul3A_824 = vector.broadcast %squeeze3A_328 : f32 to vector<16xf32>
        %mul3A_825 = arith.mulf %get3A_823, %mul3A_824 : vector<16xf32>
        %add3A_826 = arith.addf %add3A_816, %mul3A_825 : vector<16xf32>
        %swap3A_827 = arith.constant 1 : i32
        %swap3A_828 = arith.index_cast %swap3A_827 : i32 to index
        %swap3A_829 = arith.index_cast %scan3A_311 : i32 to index
        %swap3A_830 = arith.constant 176 : index
        %swap3A_831 = tpu.vector_load %arg19[%swap3A_828, %swap3A_829, %swap3A_830] {strides = array<i32>} : memref<2x32x256xf32, #tpu.memory_space<vmem>>, vector<16xf32>,
        tpu.vector_store %arg19[%swap3A_828, %swap3A_829, %swap3A_830], %add3A_826 {strides = array<i32>} : memref<2x32x256xf32, #tpu.memory_space<vmem>>, vector<16xf32>,
        %get3A_832 = arith.constant 1 : i32
        %get3A_833 = arith.index_cast %get3A_832 : i32 to index
        %get3A_834 = arith.index_cast %scan3A_311 : i32 to index
        %get3A_835 = arith.constant 192 : index
        %get3A_836 = tpu.vector_load %arg18[%get3A_833, %get3A_834, %get3A_835] {strides = array<i32>} : memref<2x128x256xf32, #tpu.memory_space<vmem>>, vector<16xf32>,
        %mul3A_837 = vector.broadcast %squeeze3A : f32 to vector<16xf32>
        %mul3A_838 = arith.mulf %get3A_836, %mul3A_837 : vector<16xf32>
        %add3A_839 = arith.constant 32 : i32
        %add3A_840 = arith.addi %add3A_839, %scan3A_311 : i32
        %get3A_841 = arith.constant 1 : i32
        %get3A_842 = arith.index_cast %get3A_841 : i32 to index
        %get3A_843 = arith.index_cast %add3A_840 : i32 to index
        %get3A_844 = arith.constant 192 : index
        %get3A_845 = tpu.vector_load %arg18[%get3A_842, %get3A_843, %get3A_844] {strides = array<i32>} : memref<2x128x256xf32, #tpu.memory_space<vmem>>, vector<16xf32>,
        %mul3A_846 = vector.broadcast %squeeze3A_324 : f32 to vector<16xf32>
        %mul3A_847 = arith.mulf %get3A_845, %mul3A_846 : vector<16xf32>
        %add3A_848 = arith.addf %mul3A_838, %mul3A_847 : vector<16xf32>
        %add3A_849 = arith.constant 64 : i32
        %add3A_850 = arith.addi %add3A_849, %scan3A_311 : i32
        %get3A_851 = arith.constant 1 : i32
        %get3A_852 = arith.index_cast %get3A_851 : i32 to index
        %get3A_853 = arith.index_cast %add3A_850 : i32 to index
        %get3A_854 = arith.constant 192 : index
        %get3A_855 = tpu.vector_load %arg18[%get3A_852, %get3A_853, %get3A_854] {strides = array<i32>} : memref<2x128x256xf32, #tpu.memory_space<vmem>>, vector<16xf32>,
        %mul3A_856 = vector.broadcast %squeeze3A_320 : f32 to vector<16xf32>
        %mul3A_857 = arith.mulf %get3A_855, %mul3A_856 : vector<16xf32>
        %add3A_858 = arith.addf %add3A_848, %mul3A_857 : vector<16xf32>
        %add3A_859 = arith.constant 96 : i32
        %add3A_860 = arith.addi %add3A_859, %scan3A_311 : i32
        %get3A_861 = arith.constant 1 : i32
        %get3A_862 = arith.index_cast %get3A_861 : i32 to index
        %get3A_863 = arith.index_cast %add3A_860 : i32 to index
        %get3A_864 = arith.constant 192 : index
        %get3A_865 = tpu.vector_load %arg18[%get3A_862, %get3A_863, %get3A_864] {strides = array<i32>} : memref<2x128x256xf32, #tpu.memory_space<vmem>>, vector<16xf32>,
        %mul3A_866 = vector.broadcast %squeeze3A_328 : f32 to vector<16xf32>
        %mul3A_867 = arith.mulf %get3A_865, %mul3A_866 : vector<16xf32>
        %add3A_868 = arith.addf %add3A_858, %mul3A_867 : vector<16xf32>
        %swap3A_869 = arith.constant 1 : i32
        %swap3A_870 = arith.index_cast %swap3A_869 : i32 to index
        %swap3A_871 = arith.index_cast %scan3A_311 : i32 to index
        %swap3A_872 = arith.constant 192 : index
        %swap3A_873 = tpu.vector_load %arg19[%swap3A_870, %swap3A_871, %swap3A_872] {strides = array<i32>} : memref<2x32x256xf32, #tpu.memory_space<vmem>>, vector<16xf32>,
        tpu.vector_store %arg19[%swap3A_870, %swap3A_871, %swap3A_872], %add3A_868 {strides = array<i32>} : memref<2x32x256xf32, #tpu.memory_space<vmem>>, vector<16xf32>,
        %get3A_874 = arith.constant 1 : i32
        %get3A_875 = arith.index_cast %get3A_874 : i32 to index
        %get3A_876 = arith.index_cast %scan3A_311 : i32 to index
        %get3A_877 = arith.constant 208 : index
        %get3A_878 = tpu.vector_load %arg18[%get3A_875, %get3A_876, %get3A_877] {strides = array<i32>} : memref<2x128x256xf32, #tpu.memory_space<vmem>>, vector<16xf32>,
        %mul3A_879 = vector.broadcast %squeeze3A : f32 to vector<16xf32>
        %mul3A_880 = arith.mulf %get3A_878, %mul3A_879 : vector<16xf32>
        %add3A_881 = arith.constant 32 : i32
        %add3A_882 = arith.addi %add3A_881, %scan3A_311 : i32
        %get3A_883 = arith.constant 1 : i32
        %get3A_884 = arith.index_cast %get3A_883 : i32 to index
        %get3A_885 = arith.index_cast %add3A_882 : i32 to index
        %get3A_886 = arith.constant 208 : index
        %get3A_887 = tpu.vector_load %arg18[%get3A_884, %get3A_885, %get3A_886] {strides = array<i32>} : memref<2x128x256xf32, #tpu.memory_space<vmem>>, vector<16xf32>,
        %mul3A_888 = vector.broadcast %squeeze3A_324 : f32 to vector<16xf32>
        %mul3A_889 = arith.mulf %get3A_887, %mul3A_888 : vector<16xf32>
        %add3A_890 = arith.addf %mul3A_880, %mul3A_889 : vector<16xf32>
        %add3A_891 = arith.constant 64 : i32
        %add3A_892 = arith.addi %add3A_891, %scan3A_311 : i32
        %get3A_893 = arith.constant 1 : i32
        %get3A_894 = arith.index_cast %get3A_893 : i32 to index
        %get3A_895 = arith.index_cast %add3A_892 : i32 to index
        %get3A_896 = arith.constant 208 : index
        %get3A_897 = tpu.vector_load %arg18[%get3A_894, %get3A_895, %get3A_896] {strides = array<i32>} : memref<2x128x256xf32, #tpu.memory_space<vmem>>, vector<16xf32>,
        %mul3A_898 = vector.broadcast %squeeze3A_320 : f32 to vector<16xf32>
        %mul3A_899 = arith.mulf %get3A_897, %mul3A_898 : vector<16xf32>
        %add3A_900 = arith.addf %add3A_890, %mul3A_899 : vector<16xf32>
        %add3A_901 = arith.constant 96 : i32
        %add3A_902 = arith.addi %add3A_901, %scan3A_311 : i32
        %get3A_903 = arith.constant 1 : i32
        %get3A_904 = arith.index_cast %get3A_903 : i32 to index
        %get3A_905 = arith.index_cast %add3A_902 : i32 to index
        %get3A_906 = arith.constant 208 : index
        %get3A_907 = tpu.vector_load %arg18[%get3A_904, %get3A_905, %get3A_906] {strides = array<i32>} : memref<2x128x256xf32, #tpu.memory_space<vmem>>, vector<16xf32>,
        %mul3A_908 = vector.broadcast %squeeze3A_328 : f32 to vector<16xf32>
        %mul3A_909 = arith.mulf %get3A_907, %mul3A_908 : vector<16xf32>
        %add3A_910 = arith.addf %add3A_900, %mul3A_909 : vector<16xf32>
        %swap3A_911 = arith.constant 1 : i32
        %swap3A_912 = arith.index_cast %swap3A_911 : i32 to index
        %swap3A_913 = arith.index_cast %scan3A_311 : i32 to index
        %swap3A_914 = arith.constant 208 : index
        %swap3A_915 = tpu.vector_load %arg19[%swap3A_912, %swap3A_913, %swap3A_914] {strides = array<i32>} : memref<2x32x256xf32, #tpu.memory_space<vmem>>, vector<16xf32>,
        tpu.vector_store %arg19[%swap3A_912, %swap3A_913, %swap3A_914], %add3A_910 {strides = array<i32>} : memref<2x32x256xf32, #tpu.memory_space<vmem>>, vector<16xf32>,
        %get3A_916 = arith.constant 1 : i32
        %get3A_917 = arith.index_cast %get3A_916 : i32 to index
        %get3A_918 = arith.index_cast %scan3A_311 : i32 to index
        %get3A_919 = arith.constant 224 : index
        %get3A_920 = tpu.vector_load %arg18[%get3A_917, %get3A_918, %get3A_919] {strides = array<i32>} : memref<2x128x256xf32, #tpu.memory_space<vmem>>, vector<16xf32>,
        %mul3A_921 = vector.broadcast %squeeze3A : f32 to vector<16xf32>
        %mul3A_922 = arith.mulf %get3A_920, %mul3A_921 : vector<16xf32>
        %add3A_923 = arith.constant 32 : i32
        %add3A_924 = arith.addi %add3A_923, %scan3A_311 : i32
        %get3A_925 = arith.constant 1 : i32
        %get3A_926 = arith.index_cast %get3A_925 : i32 to index
        %get3A_927 = arith.index_cast %add3A_924 : i32 to index
        %get3A_928 = arith.constant 224 : index
        %get3A_929 = tpu.vector_load %arg18[%get3A_926, %get3A_927, %get3A_928] {strides = array<i32>} : memref<2x128x256xf32, #tpu.memory_space<vmem>>, vector<16xf32>,
        %mul3A_930 = vector.broadcast %squeeze3A_324 : f32 to vector<16xf32>
        %mul3A_931 = arith.mulf %get3A_929, %mul3A_930 : vector<16xf32>
        %add3A_932 = arith.addf %mul3A_922, %mul3A_931 : vector<16xf32>
        %add3A_933 = arith.constant 64 : i32
        %add3A_934 = arith.addi %add3A_933, %scan3A_311 : i32
        %get3A_935 = arith.constant 1 : i32
        %get3A_936 = arith.index_cast %get3A_935 : i32 to index
        %get3A_937 = arith.index_cast %add3A_934 : i32 to index
        %get3A_938 = arith.constant 224 : index
        %get3A_939 = tpu.vector_load %arg18[%get3A_936, %get3A_937, %get3A_938] {strides = array<i32>} : memref<2x128x256xf32, #tpu.memory_space<vmem>>, vector<16xf32>,
        %mul3A_940 = vector.broadcast %squeeze3A_320 : f32 to vector<16xf32>
        %mul3A_941 = arith.mulf %get3A_939, %mul3A_940 : vector<16xf32>
        %add3A_942 = arith.addf %add3A_932, %mul3A_941 : vector<16xf32>
        %add3A_943 = arith.constant 96 : i32
        %add3A_944 = arith.addi %add3A_943, %scan3A_311 : i32
        %get3A_945 = arith.constant 1 : i32
        %get3A_946 = arith.index_cast %get3A_945 : i32 to index
        %get3A_947 = arith.index_cast %add3A_944 : i32 to index
        %get3A_948 = arith.constant 224 : index
        %get3A_949 = tpu.vector_load %arg18[%get3A_946, %get3A_947, %get3A_948] {strides = array<i32>} : memref<2x128x256xf32, #tpu.memory_space<vmem>>, vector<16xf32>,
        %mul3A_950 = vector.broadcast %squeeze3A_328 : f32 to vector<16xf32>
        %mul3A_951 = arith.mulf %get3A_949, %mul3A_950 : vector<16xf32>
        %add3A_952 = arith.addf %add3A_942, %mul3A_951 : vector<16xf32>
        %swap3A_953 = arith.constant 1 : i32
        %swap3A_954 = arith.index_cast %swap3A_953 : i32 to index
        %swap3A_955 = arith.index_cast %scan3A_311 : i32 to index
        %swap3A_956 = arith.constant 224 : index
        %swap3A_957 = tpu.vector_load %arg19[%swap3A_954, %swap3A_955, %swap3A_956] {strides = array<i32>} : memref<2x32x256xf32, #tpu.memory_space<vmem>>, vector<16xf32>,
        tpu.vector_store %arg19[%swap3A_954, %swap3A_955, %swap3A_956], %add3A_952 {strides = array<i32>} : memref<2x32x256xf32, #tpu.memory_space<vmem>>, vector<16xf32>,
        %get3A_958 = arith.constant 1 : i32
        %get3A_959 = arith.index_cast %get3A_958 : i32 to index
        %get3A_960 = arith.index_cast %scan3A_311 : i32 to index
        %get3A_961 = arith.constant 240 : index
        %get3A_962 = tpu.vector_load %arg18[%get3A_959, %get3A_960, %get3A_961] {strides = array<i32>} : memref<2x128x256xf32, #tpu.memory_space<vmem>>, vector<16xf32>,
        %mul3A_963 = vector.broadcast %squeeze3A : f32 to vector<16xf32>
        %mul3A_964 = arith.mulf %get3A_962, %mul3A_963 : vector<16xf32>
        %add3A_965 = arith.constant 32 : i32
        %add3A_966 = arith.addi %add3A_965, %scan3A_311 : i32
        %get3A_967 = arith.constant 1 : i32
        %get3A_968 = arith.index_cast %get3A_967 : i32 to index
        %get3A_969 = arith.index_cast %add3A_966 : i32 to index
        %get3A_970 = arith.constant 240 : index
        %get3A_971 = tpu.vector_load %arg18[%get3A_968, %get3A_969, %get3A_970] {strides = array<i32>} : memref<2x128x256xf32, #tpu.memory_space<vmem>>, vector<16xf32>,
        %mul3A_972 = vector.broadcast %squeeze3A_324 : f32 to vector<16xf32>
        %mul3A_973 = arith.mulf %get3A_971, %mul3A_972 : vector<16xf32>
        %add3A_974 = arith.addf %mul3A_964, %mul3A_973 : vector<16xf32>
        %add3A_975 = arith.constant 64 : i32
        %add3A_976 = arith.addi %add3A_975, %scan3A_311 : i32
        %get3A_977 = arith.constant 1 : i32
        %get3A_978 = arith.index_cast %get3A_977 : i32 to index
        %get3A_979 = arith.index_cast %add3A_976 : i32 to index
        %get3A_980 = arith.constant 240 : index
        %get3A_981 = tpu.vector_load %arg18[%get3A_978, %get3A_979, %get3A_980] {strides = array<i32>} : memref<2x128x256xf32, #tpu.memory_space<vmem>>, vector<16xf32>,
        %mul3A_982 = vector.broadcast %squeeze3A_320 : f32 to vector<16xf32>
        %mul3A_983 = arith.mulf %get3A_981, %mul3A_982 : vector<16xf32>
        %add3A_984 = arith.addf %add3A_974, %mul3A_983 : vector<16xf32>
        %add3A_985 = arith.constant 96 : i32
        %add3A_986 = arith.addi %add3A_985, %scan3A_311 : i32
        %get3A_987 = arith.constant 1 : i32
        %get3A_988 = arith.index_cast %get3A_987 : i32 to index
        %get3A_989 = arith.index_cast %add3A_986 : i32 to index
        %get3A_990 = arith.constant 240 : index
        %get3A_991 = tpu.vector_load %arg18[%get3A_988, %get3A_989, %get3A_990] {strides = array<i32>} : memref<2x128x256xf32, #tpu.memory_space<vmem>>, vector<16xf32>,
        %mul3A_992 = vector.broadcast %squeeze3A_328 : f32 to vector<16xf32>
        %mul3A_993 = arith.mulf %get3A_991, %mul3A_992 : vector<16xf32>
        %add3A_994 = arith.addf %add3A_984, %mul3A_993 : vector<16xf32>
        %swap3A_995 = arith.constant 1 : i32
        %swap3A_996 = arith.index_cast %swap3A_995 : i32 to index
        %swap3A_997 = arith.index_cast %scan3A_311 : i32 to index
        %swap3A_998 = arith.constant 240 : index
        %swap3A_999 = tpu.vector_load %arg19[%swap3A_996, %swap3A_997, %swap3A_998] {strides = array<i32>} : memref<2x32x256xf32, #tpu.memory_space<vmem>>, vector<16xf32>,
        tpu.vector_store %arg19[%swap3A_996, %swap3A_997, %swap3A_998], %add3A_994 {strides = array<i32>} : memref<2x32x256xf32, #tpu.memory_space<vmem>>, vector<16xf32>,
      }
      %scan3A_292 = arith.constant 32 : i32
      %mul3A_293 = arith.constant 32 : i32
      %mul3A_294 = arith.muli %add3A_224, %mul3A_293 : i32
      %add3A_295 = arith.addi %mul3A_32, %mul3A_294 : i32
      %dma_start3A_296 = arith.constant 1 : i32
      %dma_start3A_297 = arith.constant 0 : i32
      %dma_start3A_298 = arith.constant 0 : i32
      %dma_start3A_299 = tpu.memref_slice %arg19[%dma_start3A_296, %dma_start3A_297, %dma_start3A_298] : memref<2x32x256xf32, #tpu.memory_space<vmem>> -> memref<1x32x256xf32, #tpu.memory_space<vmem>>
      %dma_start3A_300 = tpu.memref_squeeze %dma_start3A_299 : memref<1x32x256xf32, #tpu.memory_space<vmem>> -> memref<32x256xf32, #tpu.memory_space<vmem>>
      %dma_start3A_301 = arith.constant 0 : i32
      %dma_start3A_302 = tpu.memref_slice %arg6[%select_n3A, %add3A_295, %dma_start3A_301] : memref<4x4096x256xf32, #tpu.memory_space<hbm>> -> memref<1x32x256xf32, #tpu.memory_space<hbm>>
      %dma_start3A_303 = tpu.memref_squeeze %dma_start3A_302 : memref<1x32x256xf32, #tpu.memory_space<hbm>> -> memref<32x256xf32, #tpu.memory_space<hbm>>
      %dma_start3A_304 = arith.constant 0 : i32
      %dma_start3A_305 = tpu.memref_slice %arg6[%select_n3A, %add3A_295, %dma_start3A_304] : memref<4x4096x256xf32, #tpu.memory_space<hbm>> -> memref<1x32x256xf32, #tpu.memory_space<hbm>>
      %dma_start3A_306 = tpu.memref_squeeze %dma_start3A_305 : memref<1x32x256xf32, #tpu.memory_space<hbm>> -> memref<32x256xf32, #tpu.memory_space<hbm>>
      %dma_start3A_307 = arith.constant 0 : i32
      %dma_start3A_308 = arith.constant 0 : i32
      %dma_start3A_309 = tpu.memref_slice %arg19[%dma_start3A_296, %dma_start3A_307, %dma_start3A_308] : memref<2x32x256xf32, #tpu.memory_space<vmem>> -> memref<1x32x256xf32, #tpu.memory_space<vmem>>
      %dma_start3A_310 = tpu.memref_squeeze %dma_start3A_309 : memref<1x32x256xf32, #tpu.memory_space<vmem>> -> memref<32x256xf32, #tpu.memory_space<vmem>>
      tpu.enqueue_dma source(%dma_start3A_310 : memref<32x256xf32, #tpu.memory_space<vmem>>) target(%dma_start3A_306 : memref<32x256xf32, #tpu.memory_space<hbm>>) target_semaphore(%arg21 : memref<!tpu.dma_semaphore, #tpu.memory_space<semaphore_mem>>)
    }
    %scan3A_85 = arith.constant 8 : i32
    %dma_wait3A = arith.constant 0 : i32
    %dma_wait3A_86 = arith.constant 0 : i32
    %dma_wait3A_87 = arith.constant 0 : i32
    %dma_wait3A_88 = tpu.memref_slice %arg18[%dma_wait3A, %dma_wait3A_86, %dma_wait3A_87] : memref<2x128x256xf32, #tpu.memory_space<vmem>> -> memref<1x128x256xf32, #tpu.memory_space<vmem>>
    %dma_wait3A_89 = tpu.memref_squeeze %dma_wait3A_88 : memref<1x128x256xf32, #tpu.memory_space<vmem>> -> memref<128x256xf32, #tpu.memory_space<vmem>>
    %dma_wait3A_90 = arith.constant 0 : i32
    %dma_wait3A_91 = arith.constant 0 : i32
    %dma_wait3A_92 = tpu.memref_slice %arg2[%dma_wait3A_90, %dma_wait3A_91] : memref<160000x256xf32, #tpu.memory_space<hbm>> -> memref<128x256xf32, #tpu.memory_space<hbm>>
    %dma_wait3A_93 = arith.constant 0 : i32
    %dma_wait3A_94 = arith.constant 0 : i32
    %dma_wait3A_95 = tpu.memref_slice %arg18[%dma_wait3A, %dma_wait3A_93, %dma_wait3A_94] : memref<2x128x256xf32, #tpu.memory_space<vmem>> -> memref<1x128x256xf32, #tpu.memory_space<vmem>>
    %dma_wait3A_96 = tpu.memref_squeeze %dma_wait3A_95 : memref<1x128x256xf32, #tpu.memory_space<vmem>> -> memref<128x256xf32, #tpu.memory_space<vmem>>
    %dma_wait3A_97 = arith.constant 0 : i32
    %dma_wait3A_98 = arith.constant 0 : i32
    %dma_wait3A_99 = tpu.memref_slice %arg2[%dma_wait3A_97, %dma_wait3A_98] : memref<160000x256xf32, #tpu.memory_space<hbm>> -> memref<128x256xf32, #tpu.memory_space<hbm>>
    tpu.wait_dma2 semaphore(%arg20 : memref<!tpu.dma_semaphore, #tpu.memory_space<semaphore_mem>>) src(%dma_wait3A_99 : memref<128x256xf32, #tpu.memory_space<hbm>>) dst(%dma_wait3A_96 : memref<128x256xf32, #tpu.memory_space<vmem>>)
    %add3A_100 = arith.constant 448 : i32
    %add3A_101 = arith.addi %mul3A_32, %add3A_100 : i32
    %dma_wait3A_102 = arith.constant 0 : i32
    %dma_wait3A_103 = arith.constant 0 : i32
    %dma_wait3A_104 = arith.constant 0 : i32
    %dma_wait3A_105 = tpu.memref_slice %arg19[%dma_wait3A_102, %dma_wait3A_103, %dma_wait3A_104] : memref<2x32x256xf32, #tpu.memory_space<vmem>> -> memref<1x32x256xf32, #tpu.memory_space<vmem>>
    %dma_wait3A_106 = tpu.memref_squeeze %dma_wait3A_105 : memref<1x32x256xf32, #tpu.memory_space<vmem>> -> memref<32x256xf32, #tpu.memory_space<vmem>>
    %dma_wait3A_107 = arith.constant 0 : i32
    %dma_wait3A_108 = tpu.memref_slice %arg6[%select_n3A, %add3A_101, %dma_wait3A_107] : memref<4x4096x256xf32, #tpu.memory_space<hbm>> -> memref<1x32x256xf32, #tpu.memory_space<hbm>>
    %dma_wait3A_109 = tpu.memref_squeeze %dma_wait3A_108 : memref<1x32x256xf32, #tpu.memory_space<hbm>> -> memref<32x256xf32, #tpu.memory_space<hbm>>
    %dma_wait3A_110 = arith.constant 0 : i32
    %dma_wait3A_111 = tpu.memref_slice %arg6[%select_n3A, %add3A_101, %dma_wait3A_110] : memref<4x4096x256xf32, #tpu.memory_space<hbm>> -> memref<1x32x256xf32, #tpu.memory_space<hbm>>
    %dma_wait3A_112 = tpu.memref_squeeze %dma_wait3A_111 : memref<1x32x256xf32, #tpu.memory_space<hbm>> -> memref<32x256xf32, #tpu.memory_space<hbm>>
    %dma_wait3A_113 = arith.constant 0 : i32
    %dma_wait3A_114 = arith.constant 0 : i32
    %dma_wait3A_115 = tpu.memref_slice %arg19[%dma_wait3A_102, %dma_wait3A_113, %dma_wait3A_114] : memref<2x32x256xf32, #tpu.memory_space<vmem>> -> memref<1x32x256xf32, #tpu.memory_space<vmem>>
    %dma_wait3A_116 = tpu.memref_squeeze %dma_wait3A_115 : memref<1x32x256xf32, #tpu.memory_space<vmem>> -> memref<32x256xf32, #tpu.memory_space<vmem>>
    tpu.wait_dma2 semaphore(%arg21 : memref<!tpu.dma_semaphore, #tpu.memory_space<semaphore_mem>>) src(%dma_wait3A_116 : memref<32x256xf32, #tpu.memory_space<vmem>>) dst(%dma_wait3A_112 : memref<32x256xf32, #tpu.memory_space<hbm>>)
    %add3A_117 = arith.constant 480 : i32
    %add3A_118 = arith.addi %mul3A_32, %add3A_117 : i32
    %dma_wait3A_119 = arith.constant 1 : i32
    %dma_wait3A_120 = arith.constant 0 : i32
    %dma_wait3A_121 = arith.constant 0 : i32
    %dma_wait3A_122 = tpu.memref_slice %arg19[%dma_wait3A_119, %dma_wait3A_120, %dma_wait3A_121] : memref<2x32x256xf32, #tpu.memory_space<vmem>> -> memref<1x32x256xf32, #tpu.memory_space<vmem>>
    %dma_wait3A_123 = tpu.memref_squeeze %dma_wait3A_122 : memref<1x32x256xf32, #tpu.memory_space<vmem>> -> memref<32x256xf32, #tpu.memory_space<vmem>>
    %dma_wait3A_124 = arith.constant 0 : i32
    %dma_wait3A_125 = tpu.memref_slice %arg6[%select_n3A, %add3A_118, %dma_wait3A_124] : memref<4x4096x256xf32, #tpu.memory_space<hbm>> -> memref<1x32x256xf32, #tpu.memory_space<hbm>>
    %dma_wait3A_126 = tpu.memref_squeeze %dma_wait3A_125 : memref<1x32x256xf32, #tpu.memory_space<hbm>> -> memref<32x256xf32, #tpu.memory_space<hbm>>
    %dma_wait3A_127 = arith.constant 0 : i32
    %dma_wait3A_128 = tpu.memref_slice %arg6[%select_n3A, %add3A_118, %dma_wait3A_127] : memref<4x4096x256xf32, #tpu.memory_space<hbm>> -> memref<1x32x256xf32, #tpu.memory_space<hbm>>
    %dma_wait3A_129 = tpu.memref_squeeze %dma_wait3A_128 : memref<1x32x256xf32, #tpu.memory_space<hbm>> -> memref<32x256xf32, #tpu.memory_space<hbm>>
    %dma_wait3A_130 = arith.constant 0 : i32
    %dma_wait3A_131 = arith.constant 0 : i32
    %dma_wait3A_132 = tpu.memref_slice %arg19[%dma_wait3A_119, %dma_wait3A_130, %dma_wait3A_131] : memref<2x32x256xf32, #tpu.memory_space<vmem>> -> memref<1x32x256xf32, #tpu.memory_space<vmem>>
    %dma_wait3A_133 = tpu.memref_squeeze %dma_wait3A_132 : memref<1x32x256xf32, #tpu.memory_space<vmem>> -> memref<32x256xf32, #tpu.memory_space<vmem>>
    tpu.wait_dma2 semaphore(%arg21 : memref<!tpu.dma_semaphore, #tpu.memory_space<semaphore_mem>>) src(%dma_wait3A_133 : memref<32x256xf32, #tpu.memory_space<vmem>>) dst(%dma_wait3A_129 : memref<32x256xf32, #tpu.memory_space<hbm>>)
    return
  }
}

</mosaic_0001>

<sc_bundles>
// kernel: kernel.3.cloned.1.call-start
scs
__scs_entry_jumppad:
0x0: {  	(pc) =	sbr.rel $0x88, $3  }
0x1: {  	(tag) =	ssettag $0x0;
	lr =	simm.s32 $0x1  }
0x2: {  	[smem:$0x3F9E] =	sst lr;
	_ =	strace $0xD0000000  }
0x3: {  	_ = 	snop  }
0x4: {  	_ = 	snop  }
0x5: {  	_ = 	snop  }
0x6: {  	_ = 	snop  }
0x7: {  	_ = 	snop  }
__scs_overlays_trampoline_lowered:
0x8: {  	[smem:$0x3FAD] =	sst s0  }
0x9: {  	[smem:$0x3FAE] =	sst s1  }
0xa: {  	[smem:$0x3FAF] =	sst s2  }
0xb: {  	[smem:$0x3FB0] =	sst s3  }
0xc: {  	[smem:$0x3FB1] =	sst s4  }
0xd: {  	[smem:$0x3FB2] =	sst s5  }
0xe: {  	[smem:$0x3FB3] =	sst s6  }
0xf: {  	[smem:$0x3FB4] =	sst s7  }
0x10: {  	[smem:$0x3FB5] =	sst s8  }
0x11: {  	[smem:$0x3FB6] =	sst s9;
	s0 =	simm.s32 @!p0 $0x0  }
0x12: {  	s1 =	sld [smem:$0x3F9C];
	s0 =	simm.s32 @p0 $0x1  }
0x13: {  	[smem:$0x3FB7] =	sst s0;
	s0 =	simm.s32 @!p1 $0x0  }
0x14: {  	s2 =	sld [smem:$0x3F9B];
	s0 =	simm.s32 @p1 $0x1  }
0x15: {  	[smem:$0x3FB8] =	sst s0;
	s0 =	simm.s32 @!p2 $0x0  }
0x16: {  	s3 =	sld [smem:$0x3FDB];
	s0 =	simm.s32 @p2 $0x1  }
0x17: {  	s4 =	simm.s32 $0x1BF5;
	[smem:$0x3FBA] =	sst s0  }
0x18: {  	s0 =	sld [smem:$0x3F9D];
	_ =	swait.ge [sflag:s4], $0x0  }
0x19: {  	s7 =	sld [smem:$0x3F9E]  }
0x1a: {  	s8 =	sadd.s32 $0xFFFFE003, lr  }
0x1b: {  	s9 =	sadd.s32 $0xFFFFFEF7, lr;
	s5 =	simm.s32 $0xFFFFFFFF;
	p2 =	slt.u32 s8, $0xFFFFF086  }
0x1c: {  	p1 =	slt.u32 s9, $0xF7A;
	s5 =	simm.s32 @!p2 $0x0  }
0x1d: {  	s5 =	simm.s32 @p1 $0x1;
	p0 =	seq.s32 s7, s2  }
0x1e: {  	s7 =	smul.u32 @!p0 $0xF7A, s2;
	p2 =	seq.s32 @!p0 s5, $0x0  }
0x1f: {  	s9 =	smul.u32 $0xF7A, s1;
	s8 =	simm.s32 @!p0 $0x1BF5;
	p2 =	por !p2, p0  }
0x20: {  	[sflag:s8] =	ssyncset.s32 @!p0 $0xFFFFF086;
	s6 =	sadd.s32 @!p0 s3, s7;
	s7 =	simm.s32 @!p0 $0x108  }
0x21: {  	s3 =	sadd.s32 s3, s9;
	s6 =	sadd.s32 @!p0 $0x88, s6;
	s7 =	simm.s32 @p2 $0x1082  }
0x22: {  	[simem:s7], [sflag:s8] =	dma.local @!p0 [hbm:s6], $0xF7A  }
0x23: {  	s9 =	sor.u32 $0xD0000000, s2;
	s6 =	simm.s32 $0x108;
	_ =	swait.ge @!p0 [sflag:s8], $0x0  }
0x24: {  	s3 =	sadd.s32 $0x88, s3;
	s6 =	simm.s32 @!p1 $0x1082;
	[sflag:s4] =	ssyncset.s32 $0xFFFFF086  }
0x25: {  	[simem:s6], [sflag:s4] =	dma.local [hbm:s3], $0xF7A  }
0x26: {  	[smem:$0x3F9E] =	sst s1;
	(tag) =	ssettag s2;
	_ =	strace s9  }
0x27: {  	s1 =	sld [smem:$0x3FAE]  }
0x28: {  	s2 =	sld [smem:$0x3FAF]  }
0x29: {  	s4 =	sld [smem:$0x3FB1]  }
0x2a: {  	p0 =	seq.s32 s5, $0x0;
	s5 =	sld [smem:$0x3FB2]  }
0x2b: {  	s6 =	sld [smem:$0x3FB3]  }
0x2c: {  	s7 =	sld [smem:$0x3FB4]  }
0x2d: {  	s3 =	simm.s32 $0x108;
	s8 =	sld [smem:$0x3FB5]  }
0x2e: {  	s3 =	simm.s32 @!p0 $0x1082;
	s9 =	sld [smem:$0x3FB6]  }
0x2f: {  	lr =	sadd.s32 s0, s3;
	s0 =	sld [smem:$0x3FAD]  }
0x30: {  	s3 =	sld [smem:$0x3FB0]  }
0x31: {  	[smem:$0x3FB9] =	sst s10  }
0x32: {  	s10 =	sld [smem:$0x3FB7];
	_ =	sdelay $0x3  }
0x33: {  	p0 =	seq.s32 s10, $0x1;
	s10 =	sld [smem:$0x3FB9];
	_ =	sdelay $0x3  }
0x34: {  	[smem:$0x3FB9] =	sst s10  }
0x35: {  	s10 =	sld [smem:$0x3FB8];
	_ =	sdelay $0x3  }
0x36: {  	p1 =	seq.s32 s10, $0x1;
	s10 =	sld [smem:$0x3FB9];
	_ =	sdelay $0x3  }
0x37: {  	[smem:$0x3FB9] =	sst s10  }
0x38: {  	s10 =	sld [smem:$0x3FBA]  }
0x39: {  	_ = 	snop;
	(pc) =	sbr.ind lr, $3  }
0x3a: {  	_ = 	snop  }
0x3b: {  	_ = 	snop  }
0x3c: {  	p2 =	seq.s32 s10, $0x1;
	s10 =	sld [smem:$0x3FB9]  }
0x3d: {  	_ =	shalt  }
0x3e: {  	_ =	shalt  }
0x3f: {  	_ =	shalt  }
0x40: {  	_ =	shalt  }
0x41: {  	_ =	shalt  }
0x42: {  	_ =	shalt  }
0x43: {  	_ =	shalt  }
0x44: {  	_ =	shalt  }
0x45: {  	_ =	shalt  }
0x46: {  	_ =	shalt  }
0x47: {  	_ =	shalt  }
0x48: {  	_ =	shalt  }
0x49: {  	_ =	shalt  }
0x4a: {  	_ =	shalt  }
0x4b: {  	_ =	shalt  }
0x4c: {  	_ =	shalt  }
0x4d: {  	_ =	shalt  }
0x4e: {  	_ =	shalt  }
0x4f: {  	_ =	shalt  }
0x50: {  	_ =	shalt  }
0x51: {  	_ =	shalt  }
0x52: {  	_ =	shalt  }
0x53: {  	_ =	shalt  }
0x54: {  	_ =	shalt  }
0x55: {  	_ =	shalt  }
0x56: {  	_ =	shalt  }
0x57: {  	_ =	shalt  }
0x58: {  	_ =	shalt  }
0x59: {  	_ =	shalt  }
0x5a: {  	_ =	shalt  }
0x5b: {  	_ =	shalt  }
0x5c: {  	_ =	shalt  }
0x5d: {  	_ =	shalt  }
0x5e: {  	_ =	shalt  }
0x5f: {  	_ =	shalt  }
0x60: {  	_ =	shalt  }
0x61: {  	_ =	shalt  }
0x62: {  	_ =	shalt  }
0x63: {  	_ =	shalt  }
0x64: {  	_ =	shalt  }
0x65: {  	_ =	shalt  }
0x66: {  	_ =	shalt  }
0x67: {  	_ =	shalt  }
0x68: {  	_ =	shalt  }
0x69: {  	_ =	shalt  }
0x6a: {  	_ =	shalt  }
0x6b: {  	_ =	shalt  }
0x6c: {  	_ =	shalt  }
0x6d: {  	_ =	shalt  }
0x6e: {  	_ =	shalt  }
0x6f: {  	_ =	shalt  }
0x70: {  	_ =	shalt  }
0x71: {  	_ =	shalt  }
0x72: {  	_ =	shalt  }
0x73: {  	_ =	shalt  }
0x74: {  	_ =	shalt  }
0x75: {  	_ =	shalt  }
0x76: {  	_ =	shalt  }
0x77: {  	_ =	shalt  }
0x78: {  	_ =	shalt  }
0x79: {  	_ =	shalt  }
0x7a: {  	_ =	shalt  }
0x7b: {  	_ =	shalt  }
0x7c: {  	_ =	shalt  }
0x7d: {  	_ =	shalt  }
0x7e: {  	_ =	shalt  }
0x7f: {  	_ =	shalt  }
0x80: {  	_ =	shalt  }
0x81: {  	_ =	shalt  }
0x82: {  	_ =	shalt  }
0x83: {  	_ =	shalt  }
0x84: {  	_ =	shalt  }
0x85: {  	_ =	shalt  }
0x86: {  	_ =	shalt  }
0x87: {  	_ =	shalt  }
.Lfunc_end0:
.L_simem_size_0:
called_computation_lowered:
.L_overlay_start_0:
0x88: {  	s2 =	sld [smem:$0x3FD9]  }
0x89: {  	s3 =	sld [smem:$0x3FFE];
	_ =	sdelay $0x1  }
0x8a: {  	s1 =	srdreg.scid  }
0x8b: {  	s0 =	sand.u32 $0x1, s1  }
0x8c: {  	s17 =	sshll.u32 s0, $0xA;
	s2 =	sadd.s32 s3, s2  }
0x8d: {  	s2 =	sadd.s32 s2, s17  }
0x8e: {  	[smem:$0x3FC5] =	sst s2  }
0x8f: {  	_ = 	snop  }
0x90: {  	s2 =	sld [smem:$0x3FC8]  }
0x91: {  	s18 =	sld [smem:$0x3FD0];
	(tm) =	ssettm $0x1  }
0x92: {  	s4 =	sld [smem:$0x3FFB];
	_ =	sdelay $0x3  }
0x93: {  	_ =	strace s4  }
0x94: {  	s4 =	sld [smem:$0x3FFC];
	_ =	sdelay $0x3  }
0x95: {  	_ =	strace s4  }
0x96: {  	s4 =	sld [smem:$0x3FFD];
	_ =	sdelay $0x3  }
0x97: {  	_ =	strace s4  }
0x98: {  	_ =	strace $0x8FFFFFFF  }
0x99: {  	s19 =	sld [smem:$0x3FDB];
	_ =	sdelay $0x1  }
0x9a: {  	s5 =	simm.s32 $_scs_section_size  }
0x9b: {  	s6 =	simm.s32 $_size__tile_overlayer_lowered;
	s7 =	simm.s32 $_tile_overlayer_lowered  }
0x9c: {  	s22 =	simm.s32 $0x1BFF;
	s21 =	sshll.u32 s7, $0x1;
	s4 =	sadd.s32 s5, s19  }
0x9d: {  	s8 =	simm.s32 $0x0;
	s20 =	sshll.u32 s6, $0x1;
	s6 =	sadd.s32 s21, s4  }
0x9e: {  	[timem:s8], [sflag:s22] =	dma.local [hbm:s6], s20  }
0x9f: {  	_ =	swait.ge [sflag:s22], s20  }
0xa0: {  	s5 =	ssub.s32 $0x0, s20;
	[sflag:s22] =	ssyncset.done $0x0  }
0xa1: {  	[sflag:s22] =	ssyncadd.s32 s5;
	_ =	sdelay $0x1  }
0xa2: {  	s23 =	simm.s32 $0x1B8B  }
0xa3: {  	_ =	swait.ge [sflag:s23], $0x1  }
0xa4: {  	[sflag:s23] =	ssyncset.done $0x0  }
0xa5: {  	s25 =	simm.s32 $0x1B8E;
	s24 =	sld [smem:$0x3FFE];
	[sflag:s23] =	ssyncadd.s32 $0xFFFFFFFF  }
0xa6: {  	s26 =	simm.s32 $execute0_lowered;
	[smem:$0x3FD2] =	sst s25  }
0xa7: {  	s6 =	sshll.u32 s26, $0x1;
	_ =	strace $0x80000046;
	[dreg:$0x1] =	wrdreg $0xFFFFFFFF  }
0xa8: {  	s28 =	simm.s32 $_size_execute0_lowered;
	s4 =	sadd.s32 s4, s6;
	[dreg:$0x0] =	wrdreg $0x0  }
0xa9: {  	s6 =	sshll.u32 s28, $0x1;
	[dreg:$0x2] =	wrdreg s4  }
0xaa: {  	[dreg:$0x3] =	wrdreg s6  }
0xab: {  	[dreg:$0x4] =	wrdreg $0xC0  }
0xac: {  	_ =	task [dreg:s8], $0x5FFFF  }
0xad: {  	[dreg:$0x1] =	wrdreg $0xFFFFFFFF  }
0xae: {  	[dreg:$0x0] =	wrdreg $0x60  }
0xaf: {  	[dreg:$0x2] =	wrdreg s2  }
0xb0: {  	[dreg:$0x3] =	wrdreg s24  }
0xb1: {  	[dreg:$0x4] =	wrdreg s18  }
0xb2: {  	[dreg:$0x5] =	wrdreg $0x9  }
0xb3: {  	_ =	task.clear_ibuf [dreg:s8], $0x6FFFF;
	_ =	strace $0x90000046  }
0xb4: {  	s29 =	simm.s32 $0x9;
	_ =	strace $0x80000048  }
0xb5: {  	_ =	swait.ge [sflag:s29], $0x1  }
0xb6: {  	[sflag:s29] =	ssyncadd.s32 $0xFFFFFFFF  }
0xb7: {  	_ =	strace $0x90000048  }
0xb8: {  	_ =	sfence  }
0xb9: {  	s30 =	sld [smem:$0x0];
	_ =	sdelay $0x2  }
0xba: {  	s31 =	sshll.u32 s1, $0xD;
	s1 =	sshrl.u32 s1, $0x2  }
0xbb: {  	s3 =	sand.u32 $0x4000, s31;
	s1 =	sadd.s32 s1, s30  }
0xbc: {  	s0 =	sor.u32 s3, s0;
	s1 =	sshll.u32 s1, $0x11  }
0xbd: {  	s0 =	sor.u32 s1, s0  }
0xbe: {  	s0 =	sadd.s32 $0x8F2B, s0  }
0xbf: {  	[sflag:s0] =	ssyncadd.remote.s32 $0x1  }
0xc0: {  	_ =	sfence.sel $0xFFFF  }
0xc1: {  	[dreg:$0x0] =	wrdreg $0xFFFFFFFF;
	(pc) =	sbr.abs _section_cstart, $3  }
0xc2: {  	[dreg:$0x1] =	wrdreg $0xFFFFFFFF  }
0xc3: {  	_ =	task.clear_ibuf [dreg:s8], $0x2FFFF;
	_ =	strace $0x9FFFFFFF  }
0xc4: {  	(tm) =	ssettm $0x7FFFFFFF  }
0xc5: {  	_ =	shalt  }
tec
execute0_lowered:
.L_overlay_start_1:
0x0: {  	(tag) =	ssettag $0x1  }
0x1: {  	s2 =	rddreg [dreg:$0x0]  }
0x2: {  	s0 =	rddreg [dreg:$0x1]  }
0x3: {  	s3 =	rddreg [dreg:$0x2];
	s4 =	simm.s32 $0x0  }
0x4: {  	s6 =	stileid.u32;
	[smem:$0x7FF] =	sst s4  }
0x5: {  	s1 =	srdreg.scid;
	v0 =	vimm.f32 $4.999999890e-03;
	s28 =	simm.s32 $0x7E80;
	_ =	strace $0x80000047  }
0x6: {  	s29 =	simm.s32 $0x8680;
	s30 =	simm.s32 $0x8E80;
	s5 =	sshll.u32 s6, $0x1;
	(erf) = vrcp.f32 v0  }
0x7: {  	s1 =	sand.u32 $0x1, s1;
	s6 =	sshrl.u32 s6, $0x2;
	s5 =	sand.u32 $0x6, s5  }
0x8: {  	s11 =	simm.s32 $0x1;
	s8 =	sshll.u32 s6, $0x4;
	s5 =	sor.u32 s1, s5  }
0x9: {  	s31 =	sshll.u32 s6, $0x14;
	s1 =	ssub.s32 $0x2, s1;
	s7 =	sshll.u32 s5, $0x8  }
0xa: {  	s6 =	smul.u32 $0x9C40, s6;
	s23 =	sshrl.u32 s1, $0x1;
	s7 =	sor.u32 s8, s7  }
0xb: {  	s25 =	sshll.u32 s5, $0x11;
	s7 =	sadd.s32 s7, s0;
	s0 =	sadd.s32 $0x1600, s0  }
0xc: {  	s5 =	simm.s32 $0x0;
	[dreg:$0x4] =	wrdreg s0;
	s26 =	sadd.s32 $0xE00, s7  }
0xd: {  	v5 =	vlaneseq.u32;
	v1 =	vimm.s32 $0x0;
	s24 =	ssub.s32 s1, s23;
	s7 =	sadd.s32 $0x600, s7;
	[dreg:$0x5] =	wrdreg s26  }
0xe: {  	vm0 =	vmmov $0xffff;
	v42 =	vand.u32 $0x7, v5;
	v4 =	vshrl.u32 v5, $0x3;
	s8 =	sor.u32 s31, s25;
	s0 =	smax.u32 s24, $0x1;
	[dreg:$0x6] =	wrdreg s7  }
0xf: {  	v5 =	vor.u32 $0x8, v5;
	v4 =	vmul.u32 $0x8, v4;
	[tilespmem:$0x1FFF0] =	vst v42;
	v0 =	vmov s6;
	[dreg:$0x7] =	wrdreg s0;
	s26 =	simm.s32 $0x7680;
	s7 =	simm.s32 $0x0;
	v3 =	vpop (erf)  }
.LBB2_1:
0x10: {  	[dreg:$0x8] =	wrdreg s5  }
0x11: {  	s0 =	rddreg [dreg:$0x5]  }
0x12: {  	s1 =	simm.s32 $0x80;
	s23 =	simm.s32 $0x200;
	s6 =	simm.s32 $0x3  }
0x13: {  	[tilespmem:s4], [sflag:$0x3] =	stream.strided.gather [hbm4b:s0+s1], $0x200, s23, s1, $0x38;
	[tilespmem:$0x15680] =	vst v63  }
0x14: {  	_ =	swait.ge [sflag:s6], $0x200  }
0x15: {  	[sflag:s6] =	ssyncset.done $0x0  }
0x16: {  	s24 =	rddreg [dreg:$0x6];
	[sflag:s6] =	ssyncadd.s32 $0xFFFFFE00  }
0x17: {  	[tilespmem:s23], [sflag:$0x3] =	stream.strided.gather [hbm4b:s24+s1], $0x200, s23, s1, $0x38;
	[tilespmem:$0x15680] =	vst v63  }
0x18: {  	_ =	swait.ge [sflag:s6], $0x200  }
0x19: {  	[sflag:s6] =	ssyncset.done $0x0  }
0x1a: {  	s31 =	simm.s32 $0x400;
	s25 =	rddreg [dreg:$0x4];
	[sflag:s6] =	ssyncadd.s32 $0xFFFFFE00  }
0x1b: {  	[tilespmem:s31], [sflag:$0x3] =	stream.linear.gather [hbm4b:s25+s4], $0x80, $0x38;
	[tilespmem:$0x15680] =	vst v63  }
0x1c: {  	_ =	swait.ge [sflag:s6], $0x80  }
0x1d: {  	[sflag:s6] =	ssyncset.done $0x0  }
0x1e: {  	[sflag:s6] =	ssyncadd.s32 $0xFFFFFF80  }
0x1f: {  	v6 =	vld [tilespmem:$0x400];
	_ =	sdelay $0x4  }
0x20: {  	(erf) = vrcp.f32 v6;
	_ =	sdelay $0x1  }
0x21: {  	s0 =	simm.s32 $0x0  }
0x22: {  	v6 =	vld [tilespmem:s0+$0x200]  }
0x23: {  	v7 =	vld [tilespmem:s0+$0x0];
	_ =	sdelay $0x3  }
0x24: {  	v8 =	vmul.f32 v6, v3  }
0x25: {  	v9 =	vmul.f32 v7, v3;
	v6 =	vpop (erf)  }
0x26: {  	v7 =	vmul.f32 v8, v6  }
0x27: {  	v8 =	vmul.f32 v9, v6  }
0x28: {  	v9 =	vtrunc.f32 v7  }
0x29: {  	v10 =	vtrunc.f32 v8;
	v11 =	vcvt.f32.s32 v9;
	vm1 =	vlt.f32 v7, v9  }
0x2a: {  	v12 =	vcvt.f32.s32 v10;
	vm2 =	vlt.f32 v8, v10;
	v9 =	vsel vm1, $0xFFFFFFFF, v1  }
0x2b: {  	v10 =	vsel vm2, $0xFFFFFFFF, v1;
	v9 =	vadd.s32 v11, v9  }
0x2c: {  	v11 =	vadd.s32 v12, v10;
	vm1 =	vgt.s32 v9, $0x0;
	v12 =	vadd.s32 $0x1, v9  }
0x2d: {  	vm2 =	vgt.s32 v11, $0x0;
	v10 =	vadd.s32 $0x1, v11;
	vm3 =	vgt.s32 v12, $0x0  }
0x2e: {  	s5 =	simm.s32 $0x80;
	s1 =	simm.s32 $0x10;
	v11 =	vnsel vm2, $0x0, v11;
	vm2 =	vgt.s32 v10, $0x0;
	v12 =	vnsel vm3, $0x0, v12  }
.LBB2_2:
0x2f: {  	p0 =	sne.s32 s5, $0x7C0;
	v13 =	vld [tilespmem:s1+$0x200];
	v11 =	vmin.u32 v11, $0xC7;
	v10 =	vnsel vm2, $0x0, v10;
	v12 =	vmin.u32 v12, $0xC7  }
0x30: {  	v9 =	vnsel vm1, $0x0, v9;
	v14 =	vld [tilespmem:s1+$0x0];
	v15 =	vcvt.s32.f32 v11;
	v16 =	vcvt.s32.f32 v12  }
0x31: {  	v10 =	vmin.u32 v10, $0xC7;
	v9 =	vmin.u32 v9, $0xC7;
	v12 =	vmul.u32 $0xC8, v12  }
0x32: {  	v17 =	vcvt.s32.f32 v10;
	v16 =	vsub.f32 v16, v7;
	v15 =	vsub.f32 v8, v15  }
0x33: {  	v18 =	vcvt.s32.f32 v9;
	v19 =	vmul.u32 $0xC8, v9;
	v10 =	vadd.s32 v0, v10  }
0x34: {  	v9 =	vmul.f32 v13, v3;
	v13 =	vsub.f32 v17, v8;
	v8 =	vmul.f32 v16, v15  }
0x35: {  	v11 =	vadd.s32 v0, v11;
	v17 =	vsub.f32 v7, v18;
	v14 =	vmul.f32 v14, v3  }
0x36: {  	v7 =	vmul.f32 v9, v6;
	v9 =	vadd.s32 v12, v11;
	v16 =	vmul.f32 v16, v13;
	[tilespmem:s0+$0x1180] =	vst v8  }
0x37: {  	v12 =	vadd.s32 v12, v10;
	v8 =	vmul.f32 v14, v6;
	[tilespmem:s0+$0x680] =	vst v9;
	v9 =	vmul.f32 v17, v13  }
0x38: {  	v11 =	vadd.s32 v19, v11;
	v14 =	vmul.f32 v17, v15;
	v13 =	vtrunc.f32 v7;
	[tilespmem:s0+$0xC80] =	vst v16  }
0x39: {  	v15 =	vtrunc.f32 v8;
	v16 =	vcvt.f32.s32 v13;
	vm1 =	vlt.f32 v7, v13;
	[tilespmem:s0+$0xF00] =	vst v9  }
.Ltmp0:
0x3a: {  	v13 =	vcvt.f32.s32 v15;
	vm2 =	vlt.f32 v8, v15;
	v9 =	vsel vm1, $0xFFFFFFFF, v1;
	[tilespmem:s0+$0x1400] =	vst v14;
	(pc) =	sbr.rel @p0 .LBB2_2-.Ltmp0, $4  }
0x3b: {  	v15 =	vadd.s32 v19, v10;
	v14 =	vsel vm2, $0xFFFFFFFF, v1;
	v9 =	vadd.s32 v16, v9;
	[tilespmem:s0+$0xA80] =	vst v12  }
0x3c: {  	v12 =	vadd.s32 v13, v14;
	vm1 =	vgt.s32 v9, $0x0;
	v13 =	vadd.s32 $0x1, v9;
	[tilespmem:s0+$0x480] =	vst v11  }
0x3d: {  	vm2 =	vgt.s32 v12, $0x0;
	v10 =	vadd.s32 $0x1, v12;
	vm3 =	vgt.s32 v13, $0x0;
	[tilespmem:s0+$0x880] =	vst v15;
	s0 =	smov.u32 s1  }
0x3e: {  	s1 =	sshra.s32 s5, $0x2;
	s5 =	sadd.s32 $0x40, s5;
	v11 =	vnsel vm2, $0x0, v12;
	vm2 =	vgt.s32 v10, $0x0;
	v12 =	vnsel vm3, $0x0, v13  }
0x3f: {  	v13 =	vld [tilespmem:s1+$0x200]  }
0x40: {  	v14 =	vld [tilespmem:s1+$0x0];
	v11 =	vmin.u32 v11, $0xC7  }
0x41: {  	v10 =	vnsel vm2, $0x0, v10;
	v12 =	vmin.u32 v12, $0xC7;
	v9 =	vnsel vm1, $0x0, v9  }
0x42: {  	v15 =	vcvt.s32.f32 v11;
	v16 =	vcvt.s32.f32 v12;
	v10 =	vmin.u32 v10, $0xC7  }
0x43: {  	v9 =	vmin.u32 v9, $0xC7;
	v12 =	vmul.u32 $0xC8, v12;
	v17 =	vcvt.s32.f32 v10  }
0x44: {  	v11 =	vadd.s32 v0, v11;
	v18 =	vcvt.s32.f32 v9;
	v13 =	vmul.f32 v13, v3  }
0x45: {  	v9 =	vmul.u32 $0xC8, v9;
	v10 =	vadd.s32 v0, v10;
	v14 =	vmul.f32 v14, v3  }
0x46: {  	v16 =	vsub.f32 v16, v7;
	v15 =	vsub.f32 v8, v15;
	v13 =	vmul.f32 v13, v6  }
0x47: {  	v50 =	vadd.s32 v12, v11;
	v54 =	vadd.s32 v12, v10;
	v6 =	vmul.f32 v14, v6  }
0x48: {  	v41 =	vsub.f32 v17, v8;
	v7 =	vsub.f32 v7, v18;
	v43 =	vtrunc.f32 v13  }
0x49: {  	v11 =	vadd.s32 v9, v11;
	v44 =	vtrunc.f32 v6;
	v45 =	vcvt.f32.s32 v43  }
0x4a: {  	vm1 =	vlt.f32 v13, v43;
	v46 =	vcvt.f32.s32 v44;
	vm2 =	vlt.f32 v6, v44  }
0x4b: {  	v9 =	vadd.s32 v9, v10;
	v47 =	vsel vm1, $0xFFFFFFFF, v1;
	v48 =	vsel vm2, $0xFFFFFFFF, v1  }
0x4c: {  	v19 =	vmul.f32 v16, v15;
	v17 =	vadd.s32 v45, v47;
	v14 =	vadd.s32 v46, v48  }
0x4d: {  	v8 =	vmul.f32 v7, v41;
	v49 =	vadd.s32 $0x1, v17;
	vm1 =	vgt.s32 v14, $0x0  }
0x4e: {  	v18 =	vadd.s32 $0x1, v14;
	v14 =	vnsel vm1, $0x0, v14;
	vm1 =	vgt.s32 v49, $0x0  }
0x4f: {  	[tilespmem:s0+$0x680] =	vst v50;
	v7 =	vmul.f32 v7, v15;
	v15 =	vnsel vm1, $0x0, v49;
	vm1 =	vgt.s32 v18, $0x0  }
0x50: {  	[tilespmem:s0+$0xA80] =	vst v54;
	v16 =	vmul.f32 v16, v41;
	v14 =	vmin.u32 v14, $0xC7;
	v18 =	vnsel vm1, $0x0, v18  }
0x51: {  	[tilespmem:s0+$0x480] =	vst v11;
	vm1 =	vgt.s32 v17, $0x0;
	v15 =	vmin.u32 v15, $0xC7;
	v52 =	vcvt.s32.f32 v14  }
0x52: {  	[tilespmem:s0+$0xC80] =	vst v16;
	v51 =	vnsel vm1, $0x0, v17;
	v53 =	vcvt.s32.f32 v15;
	v55 =	vmin.u32 v18, $0xC7  }
0x53: {  	[tilespmem:s0+$0x1400] =	vst v7;
	v58 =	vmul.u32 $0xC8, v15;
	v16 =	vmin.u32 v51, $0xC7;
	v7 =	vcvt.s32.f32 v55  }
0x54: {  	[tilespmem:s0+$0x880] =	vst v9;
	v17 =	vsub.f32 v6, v52;
	v56 =	vsub.f32 v53, v13;
	v57 =	vcvt.s32.f32 v16  }
0x55: {  	[tilespmem:s0+$0x1180] =	vst v19;
	v59 =	vadd.s32 v0, v14;
	v6 =	vsub.f32 v7, v6  }
0x56: {  	[tilespmem:s0+$0xF00] =	vst v8;
	v60 =	vadd.s32 v58, v59;
	v7 =	vmul.f32 v56, v17;
	v8 =	vsub.f32 v13, v57  }
0x57: {  	[tilespmem:s1+$0x680] =	vst v60;
	v61 =	vmul.f32 v56, v6  }
0x58: {  	[tilespmem:s1+$0x1180] =	vst v7;
	v6 =	vmul.f32 v8, v6  }
0x59: {  	v7 =	vmul.f32 v8, v17;
	[tilespmem:s1+$0xC80] =	vst v61  }
0x5a: {  	v63 =	vadd.s32 v0, v55;
	v62 =	vmul.u32 $0xC8, v16;
	[tilespmem:s1+$0xF00] =	vst v6  }
0x5b: {  	v6 =	vadd.s32 v58, v63;
	[tilespmem:s1+$0x1400] =	vst v7  }
0x5c: {  	v7 =	vadd.s32 v62, v59;
	[tilespmem:s1+$0xA80] =	vst v6  }
0x5d: {  	v6 =	vadd.s32 v62, v63;
	[tilespmem:s1+$0x480] =	vst v7  }
0x5e: {  	[tilespmem:s1+$0x880] =	vst v6  }
0x5f: {  	v6 =	vld [tilespmem:$0x480];
	_ =	sdelay $0x4  }
0x60: {  	v7 =	vshll.u32 v6, $0x1  }
0x61: {  	v6 =	vand.u32 $0x7, v6;
	v7 =	vand.u32 $0xFFFFFFF0, v7  }
0x62: {  	v6 =	vor.u32 v6, v7  }
0x63: {  	v7 =	vperm.xlane v6, v42;
	_ =	sdelay $0x1  }
0x64: {  	v6 =	vperm.xlane v6, v5;
	v7 =	vadd.s32 v4, v7;
	_ =	sdelay $0x1  }
0x65: {  	v6 =	vadd.s32 v4, v6;
	_ =	sdelay $0x1  }
0x66: {  	s14 =	simm.s32 $0x1680  }
0x67: {  	[tilespmem:s14], [sflag:$0x1] =	stream.indirect_vreg.gather [hbm4b:s2+s7], $0x80, v7, vm0, $0xb8;
	[tilespmem:$0x15680] =	vst v63  }
0x68: {  	s15 =	simm.s32 $0x1E80  }
0x69: {  	[tilespmem:s15], [sflag:$0x1] =	stream.indirect_vreg.gather [hbm4b:s2+s7], $0x80, v6, vm0, $0xb8;
	[tilespmem:$0x15680] =	vst v63  }
0x6a: {  	v6 =	vld [tilespmem:$0x490];
	_ =	sdelay $0x4  }
0x6b: {  	v7 =	vshll.u32 v6, $0x1  }
0x6c: {  	v6 =	vand.u32 $0x7, v6;
	v7 =	vand.u32 $0xFFFFFFF0, v7  }
0x6d: {  	v6 =	vor.u32 v6, v7  }
0x6e: {  	v7 =	vperm.xlane v6, v42;
	_ =	sdelay $0x1  }
0x6f: {  	v6 =	vperm.xlane v6, v5;
	v7 =	vadd.s32 v4, v7;
	_ =	sdelay $0x1  }
0x70: {  	v6 =	vadd.s32 v4, v6;
	_ =	sdelay $0x1  }
0x71: {  	s16 =	simm.s32 $0x2680  }
0x72: {  	[tilespmem:s16], [sflag:$0x1] =	stream.indirect_vreg.gather [hbm4b:s2+s7], $0x80, v7, vm0, $0xb8;
	[tilespmem:$0x15680] =	vst v63  }
0x73: {  	s17 =	simm.s32 $0x2E80  }
0x74: {  	[tilespmem:s17], [sflag:$0x1] =	stream.indirect_vreg.gather [hbm4b:s2+s7], $0x80, v6, vm0, $0xb8;
	[tilespmem:$0x15680] =	vst v63  }
0x75: {  	v6 =	vld [tilespmem:$0x880];
	_ =	sdelay $0x4  }
0x76: {  	v7 =	vshll.u32 v6, $0x1  }
0x77: {  	v6 =	vand.u32 $0x7, v6;
	v7 =	vand.u32 $0xFFFFFFF0, v7  }
0x78: {  	v6 =	vor.u32 v6, v7  }
0x79: {  	v7 =	vperm.xlane v6, v42;
	_ =	sdelay $0x1  }
0x7a: {  	v6 =	vperm.xlane v6, v5;
	v7 =	vadd.s32 v4, v7;
	_ =	sdelay $0x1  }
0x7b: {  	v6 =	vadd.s32 v4, v6;
	_ =	sdelay $0x1  }
0x7c: {  	s18 =	simm.s32 $0x3680  }
0x7d: {  	[tilespmem:s18], [sflag:$0x1] =	stream.indirect_vreg.gather [hbm4b:s2+s7], $0x80, v7, vm0, $0xb8;
	[tilespmem:$0x15680] =	vst v63  }
0x7e: {  	s19 =	simm.s32 $0x3E80  }
0x7f: {  	[tilespmem:s19], [sflag:$0x1] =	stream.indirect_vreg.gather [hbm4b:s2+s7], $0x80, v6, vm0, $0xb8;
	[tilespmem:$0x15680] =	vst v63  }
0x80: {  	v6 =	vld [tilespmem:$0x890];
	_ =	sdelay $0x4  }
0x81: {  	v7 =	vshll.u32 v6, $0x1  }
0x82: {  	v6 =	vand.u32 $0x7, v6;
	v7 =	vand.u32 $0xFFFFFFF0, v7  }
0x83: {  	v6 =	vor.u32 v6, v7  }
0x84: {  	v7 =	vperm.xlane v6, v42;
	_ =	sdelay $0x1  }
0x85: {  	v6 =	vperm.xlane v6, v5;
	v7 =	vadd.s32 v4, v7;
	_ =	sdelay $0x1  }
0x86: {  	v6 =	vadd.s32 v4, v6;
	_ =	sdelay $0x1  }
0x87: {  	s20 =	simm.s32 $0x4680  }
0x88: {  	[tilespmem:s20], [sflag:$0x1] =	stream.indirect_vreg.gather [hbm4b:s2+s7], $0x80, v7, vm0, $0xb8;
	[tilespmem:$0x15680] =	vst v63  }
0x89: {  	s21 =	simm.s32 $0x4E80  }
0x8a: {  	[tilespmem:s21], [sflag:$0x1] =	stream.indirect_vreg.gather [hbm4b:s2+s7], $0x80, v6, vm0, $0xb8;
	[tilespmem:$0x15680] =	vst v63  }
0x8b: {  	v6 =	vld [tilespmem:$0x680];
	_ =	sdelay $0x4  }
0x8c: {  	v7 =	vshll.u32 v6, $0x1  }
0x8d: {  	v6 =	vand.u32 $0x7, v6;
	v7 =	vand.u32 $0xFFFFFFF0, v7  }
0x8e: {  	v6 =	vor.u32 v6, v7  }
0x8f: {  	v7 =	vperm.xlane v6, v42;
	_ =	sdelay $0x1  }
0x90: {  	v6 =	vperm.xlane v6, v5;
	v7 =	vadd.s32 v4, v7;
	_ =	sdelay $0x1  }
0x91: {  	v6 =	vadd.s32 v4, v6;
	_ =	sdelay $0x1  }
0x92: {  	s22 =	simm.s32 $0x5680  }
0x93: {  	[tilespmem:s22], [sflag:$0x1] =	stream.indirect_vreg.gather [hbm4b:s2+s7], $0x80, v7, vm0, $0xb8;
	[tilespmem:$0x15680] =	vst v63  }
0x94: {  	s23 =	simm.s32 $0x5E80  }
0x95: {  	[tilespmem:s23], [sflag:$0x1] =	stream.indirect_vreg.gather [hbm4b:s2+s7], $0x80, v6, vm0, $0xb8;
	[tilespmem:$0x15680] =	vst v63  }
0x96: {  	v6 =	vld [tilespmem:$0x690];
	_ =	sdelay $0x4  }
0x97: {  	v7 =	vshll.u32 v6, $0x1  }
0x98: {  	v6 =	vand.u32 $0x7, v6;
	v7 =	vand.u32 $0xFFFFFFF0, v7  }
0x99: {  	v6 =	vor.u32 v6, v7  }
0x9a: {  	v7 =	vperm.xlane v6, v42;
	_ =	sdelay $0x1  }
0x9b: {  	v6 =	vperm.xlane v6, v5;
	v7 =	vadd.s32 v4, v7;
	_ =	sdelay $0x1  }
0x9c: {  	v6 =	vadd.s32 v4, v6;
	_ =	sdelay $0x1  }
0x9d: {  	s24 =	simm.s32 $0x6680  }
0x9e: {  	[tilespmem:s24], [sflag:$0x1] =	stream.indirect_vreg.gather [hbm4b:s2+s7], $0x80, v7, vm0, $0xb8;
	[tilespmem:$0x15680] =	vst v63  }
0x9f: {  	s25 =	simm.s32 $0x6E80  }
0xa0: {  	[tilespmem:s25], [sflag:$0x1] =	stream.indirect_vreg.gather [hbm4b:s2+s7], $0x80, v6, vm0, $0xb8;
	[tilespmem:$0x15680] =	vst v63  }
0xa1: {  	v6 =	vld [tilespmem:$0xA80];
	_ =	sdelay $0x4  }
0xa2: {  	v7 =	vshll.u32 v6, $0x1  }
0xa3: {  	v6 =	vand.u32 $0x7, v6;
	v7 =	vand.u32 $0xFFFFFFF0, v7  }
0xa4: {  	v6 =	vor.u32 v6, v7  }
0xa5: {  	v7 =	vperm.xlane v6, v42;
	_ =	sdelay $0x1  }
0xa6: {  	v6 =	vperm.xlane v6, v5;
	v7 =	vadd.s32 v4, v7;
	_ =	sdelay $0x1  }
0xa7: {  	v6 =	vadd.s32 v4, v6;
	_ =	sdelay $0x2  }
0xa8: {  	[tilespmem:s26], [sflag:$0x1] =	stream.indirect_vreg.gather [hbm4b:s2+s7], $0x80, v7, vm0, $0xb8;
	[tilespmem:$0x15680] =	vst v63  }
0xa9: {  	_ = 	snop  }
0xaa: {  	[tilespmem:s28], [sflag:$0x1] =	stream.indirect_vreg.gather [hbm4b:s2+s7], $0x80, v6, vm0, $0xb8;
	[tilespmem:$0x15680] =	vst v63  }
0xab: {  	v6 =	vld [tilespmem:$0xA90];
	_ =	sdelay $0x4  }
0xac: {  	v7 =	vshll.u32 v6, $0x1  }
0xad: {  	v6 =	vand.u32 $0x7, v6;
	v7 =	vand.u32 $0xFFFFFFF0, v7  }
0xae: {  	v6 =	vor.u32 v6, v7  }
0xaf: {  	v7 =	vperm.xlane v6, v42;
	_ =	sdelay $0x1  }
0xb0: {  	v6 =	vperm.xlane v6, v5;
	v7 =	vadd.s32 v4, v7;
	_ =	sdelay $0x1  }
0xb1: {  	v6 =	vadd.s32 v4, v6  }
0xb2: {  	s9 =	simm.s32 $0xC80;
	s12 =	simm.s32 $0xF00;
	s31 =	simm.s32 $0x1180  }
0xb3: {  	s13 =	simm.s32 $0x11A0;
	s10 =	simm.s32 $0xF20;
	s5 =	simm.s32 $0xCA0  }
0xb4: {  	[tilespmem:s29], [sflag:$0x1] =	stream.indirect_vreg.gather [hbm4b:s2+s7], $0x80, v7, vm0, $0xb8;
	[tilespmem:$0x15680] =	vst v63  }
0xb5: {  	s0 =	simm.s32 $0x1400;
	s1 =	simm.s32 $0x1420;
	s14 =	simm.s32 $0x0  }
0xb6: {  	[tilespmem:s30], [sflag:$0x1] =	stream.indirect_vreg.gather [hbm4b:s2+s7], $0x80, v6, vm0, $0xb8;
	[tilespmem:$0x15680] =	vst v63  }
.LBB2_4:
0xb7: {  	s15 =	sshllo.u32 s14, $0x1  }
0xb8: {  	s6 =	sshll.u32 s15, $0x5  }
0xb9: {  	v6 =	vld [tilespmem:s6+$0x480];
	_ =	sdelay $0x4  }
0xba: {  	v7 =	vshll.u32 v6, $0x1  }
0xbb: {  	v6 =	vand.u32 $0x7, v6;
	v7 =	vand.u32 $0xFFFFFFF0, v7  }
0xbc: {  	v6 =	vor.u32 v6, v7  }
0xbd: {  	v7 =	vperm.xlane v6, v42;
	_ =	sdelay $0x1  }
0xbe: {  	v6 =	vperm.xlane v6, v5;
	v7 =	vadd.s32 v4, v7;
	_ =	sdelay $0x1  }
0xbf: {  	v6 =	vadd.s32 v4, v6;
	_ =	sdelay $0x1  }
0xc0: {  	s16 =	simm.s32 $0x9680  }
0xc1: {  	[tilespmem:s16], [sflag:$0x1] =	stream.indirect_vreg.gather [hbm4b:s2+s4], $0x80, v7, vm0, $0xb8;
	[tilespmem:$0x15680] =	vst v63  }
0xc2: {  	s19 =	simm.s32 $0x9E80  }
0xc3: {  	[tilespmem:s19], [sflag:$0x1] =	stream.indirect_vreg.gather [hbm4b:s2+s4], $0x80, v6, vm0, $0xb8;
	[tilespmem:$0x15680] =	vst v63  }
0xc4: {  	v6 =	vld [tilespmem:s6+$0x490];
	_ =	sdelay $0x4  }
0xc5: {  	v7 =	vshll.u32 v6, $0x1  }
0xc6: {  	v6 =	vand.u32 $0x7, v6;
	v7 =	vand.u32 $0xFFFFFFF0, v7  }
0xc7: {  	v6 =	vor.u32 v6, v7  }
0xc8: {  	v7 =	vperm.xlane v6, v42;
	_ =	sdelay $0x1  }
0xc9: {  	v6 =	vperm.xlane v6, v5;
	v7 =	vadd.s32 v4, v7;
	_ =	sdelay $0x1  }
0xca: {  	v6 =	vadd.s32 v4, v6;
	_ =	sdelay $0x1  }
0xcb: {  	s20 =	simm.s32 $0xA680  }
0xcc: {  	[tilespmem:s20], [sflag:$0x1] =	stream.indirect_vreg.gather [hbm4b:s2+s4], $0x80, v7, vm0, $0xb8;
	[tilespmem:$0x15680] =	vst v63  }
0xcd: {  	s21 =	simm.s32 $0xAE80  }
0xce: {  	[tilespmem:s21], [sflag:$0x1] =	stream.indirect_vreg.gather [hbm4b:s2+s4], $0x80, v6, vm0, $0xb8;
	[tilespmem:$0x15680] =	vst v63  }
0xcf: {  	v6 =	vld [tilespmem:s6+$0x880];
	_ =	sdelay $0x4  }
0xd0: {  	v7 =	vshll.u32 v6, $0x1  }
0xd1: {  	v6 =	vand.u32 $0x7, v6;
	v7 =	vand.u32 $0xFFFFFFF0, v7  }
0xd2: {  	v6 =	vor.u32 v6, v7  }
0xd3: {  	v7 =	vperm.xlane v6, v42;
	_ =	sdelay $0x1  }
0xd4: {  	v6 =	vperm.xlane v6, v5;
	v7 =	vadd.s32 v4, v7;
	_ =	sdelay $0x1  }
0xd5: {  	v6 =	vadd.s32 v4, v6;
	_ =	sdelay $0x1  }
0xd6: {  	s22 =	simm.s32 $0xB680  }
0xd7: {  	[tilespmem:s22], [sflag:$0x1] =	stream.indirect_vreg.gather [hbm4b:s2+s4], $0x80, v7, vm0, $0xb8;
	[tilespmem:$0x15680] =	vst v63  }
0xd8: {  	s23 =	simm.s32 $0xBE80  }
0xd9: {  	[tilespmem:s23], [sflag:$0x1] =	stream.indirect_vreg.gather [hbm4b:s2+s4], $0x80, v6, vm0, $0xb8;
	[tilespmem:$0x15680] =	vst v63  }
0xda: {  	v6 =	vld [tilespmem:s6+$0x890];
	_ =	sdelay $0x4  }
0xdb: {  	v7 =	vshll.u32 v6, $0x1  }
0xdc: {  	v6 =	vand.u32 $0x7, v6;
	v7 =	vand.u32 $0xFFFFFFF0, v7  }
0xdd: {  	v6 =	vor.u32 v6, v7  }
0xde: {  	v7 =	vperm.xlane v6, v42;
	_ =	sdelay $0x1  }
0xdf: {  	v6 =	vperm.xlane v6, v5;
	v7 =	vadd.s32 v4, v7;
	_ =	sdelay $0x1  }
0xe0: {  	v6 =	vadd.s32 v4, v6;
	_ =	sdelay $0x1  }
0xe1: {  	s24 =	simm.s32 $0xC680  }
0xe2: {  	[tilespmem:s24], [sflag:$0x1] =	stream.indirect_vreg.gather [hbm4b:s2+s4], $0x80, v7, vm0, $0xb8;
	[tilespmem:$0x15680] =	vst v63  }
0xe3: {  	s25 =	simm.s32 $0xCE80  }
0xe4: {  	[tilespmem:s25], [sflag:$0x1] =	stream.indirect_vreg.gather [hbm4b:s2+s4], $0x80, v6, vm0, $0xb8;
	[tilespmem:$0x15680] =	vst v63  }
0xe5: {  	v6 =	vld [tilespmem:s6+$0x680];
	_ =	sdelay $0x4  }
0xe6: {  	v7 =	vshll.u32 v6, $0x1  }
0xe7: {  	v6 =	vand.u32 $0x7, v6;
	v7 =	vand.u32 $0xFFFFFFF0, v7  }
0xe8: {  	v6 =	vor.u32 v6, v7  }
0xe9: {  	v7 =	vperm.xlane v6, v42;
	_ =	sdelay $0x1  }
0xea: {  	v6 =	vperm.xlane v6, v5;
	v7 =	vadd.s32 v4, v7;
	_ =	sdelay $0x1  }
0xeb: {  	v6 =	vadd.s32 v4, v6;
	_ =	sdelay $0x1  }
0xec: {  	s17 =	simm.s32 $0xD680  }
0xed: {  	[tilespmem:s17], [sflag:$0x1] =	stream.indirect_vreg.gather [hbm4b:s2+s4], $0x80, v7, vm0, $0xb8;
	[tilespmem:$0x15680] =	vst v63  }
0xee: {  	s18 =	simm.s32 $0xDE80  }
0xef: {  	[tilespmem:s18], [sflag:$0x1] =	stream.indirect_vreg.gather [hbm4b:s2+s4], $0x80, v6, vm0, $0xb8;
	[tilespmem:$0x15680] =	vst v63  }
0xf0: {  	v6 =	vld [tilespmem:s6+$0x690];
	_ =	sdelay $0x4  }
0xf1: {  	v7 =	vshll.u32 v6, $0x1  }
0xf2: {  	v6 =	vand.u32 $0x7, v6;
	v7 =	vand.u32 $0xFFFFFFF0, v7  }
0xf3: {  	v6 =	vor.u32 v6, v7  }
0xf4: {  	v7 =	vperm.xlane v6, v42;
	_ =	sdelay $0x1  }
0xf5: {  	v6 =	vperm.xlane v6, v5;
	v7 =	vadd.s32 v4, v7;
	_ =	sdelay $0x1  }
0xf6: {  	v6 =	vadd.s32 v4, v6;
	_ =	sdelay $0x1  }
0xf7: {  	s19 =	simm.s32 $0xE680  }
0xf8: {  	[tilespmem:s19], [sflag:$0x1] =	stream.indirect_vreg.gather [hbm4b:s2+s4], $0x80, v7, vm0, $0xb8;
	[tilespmem:$0x15680] =	vst v63  }
0xf9: {  	s20 =	simm.s32 $0xEE80  }
0xfa: {  	[tilespmem:s20], [sflag:$0x1] =	stream.indirect_vreg.gather [hbm4b:s2+s4], $0x80, v6, vm0, $0xb8;
	[tilespmem:$0x15680] =	vst v63  }
0xfb: {  	v6 =	vld [tilespmem:s6+$0xA80];
	_ =	sdelay $0x4  }
0xfc: {  	v7 =	vshll.u32 v6, $0x1  }
0xfd: {  	v6 =	vand.u32 $0x7, v6;
	v7 =	vand.u32 $0xFFFFFFF0, v7  }
0xfe: {  	v6 =	vor.u32 v6, v7  }
0xff: {  	v7 =	vperm.xlane v6, v42;
	_ =	sdelay $0x1  }
0x100: {  	v6 =	vperm.xlane v6, v5;
	v7 =	vadd.s32 v4, v7;
	_ =	sdelay $0x1  }
0x101: {  	v6 =	vadd.s32 v4, v6;
	_ =	sdelay $0x1  }
0x102: {  	s21 =	simm.s32 $0xF680  }
0x103: {  	[tilespmem:s21], [sflag:$0x1] =	stream.indirect_vreg.gather [hbm4b:s2+s4], $0x80, v7, vm0, $0xb8;
	[tilespmem:$0x15680] =	vst v63  }
0x104: {  	s22 =	simm.s32 $0xFE80  }
0x105: {  	[tilespmem:s22], [sflag:$0x1] =	stream.indirect_vreg.gather [hbm4b:s2+s4], $0x80, v6, vm0, $0xb8;
	[tilespmem:$0x15680] =	vst v63  }
0x106: {  	v6 =	vld [tilespmem:s6+$0xA90];
	_ =	sdelay $0x4  }
0x107: {  	v7 =	vshll.u32 v6, $0x1  }
0x108: {  	v6 =	vand.u32 $0x7, v6;
	v7 =	vand.u32 $0xFFFFFFF0, v7  }
0x109: {  	v6 =	vor.u32 v6, v7  }
0x10a: {  	v7 =	vperm.xlane v6, v42;
	_ =	sdelay $0x1  }
0x10b: {  	v6 =	vperm.xlane v6, v5;
	v7 =	vadd.s32 v4, v7;
	_ =	sdelay $0x1  }
0x10c: {  	v6 =	vadd.s32 v4, v6;
	_ =	sdelay $0x1  }
0x10d: {  	s23 =	simm.s32 $0x10680  }
0x10e: {  	[tilespmem:s23], [sflag:$0x1] =	stream.indirect_vreg.gather [hbm4b:s2+s4], $0x80, v7, vm0, $0xb8;
	[tilespmem:$0x15680] =	vst v63  }
0x10f: {  	s24 =	simm.s32 $0x10E80  }
0x110: {  	[tilespmem:s24], [sflag:$0x1] =	stream.indirect_vreg.gather [hbm4b:s2+s4], $0x80, v6, vm0, $0xb8;
	[tilespmem:$0x15680] =	vst v63  }
0x111: {  	_ =	swait.ge [sflag:s11], $0x8000  }
0x112: {  	p0 =	seq.s32 s14, $0x0;
	[sflag:s11] =	ssyncset.done $0x0  }
0x113: {  	s6 =	simm.s32 @!p0 $0x2;
	[sflag:s11] =	ssyncadd.s32 $0xFFFF8000  }
0x114: {  	_ =	swait.ge @!p0 [sflag:s6], $0x2000  }
0x115: {  	s25 =	sand.u32 $0x1800, s7;
	s17 =	sand.u32 $0x380, s7;
	[sflag:s6] =	ssyncset.done @!p0 $0x0  }
0x116: {  	s16 =	sor.u32 s17, s25;
	[sflag:s6] =	ssyncadd.s32 @!p0 $0xFFFFE000  }
0x117: {  	v27 =	vld [tilespmem:s16+$0x1680]  }
0x118: {  	v31 =	vld [tilespmem:s16+$0x3680]  }
0x119: {  	v28 =	vld [tilespmem:s16+$0x1690]  }
0x11a: {  	v29 =	vld [tilespmem:s16+$0x3690]  }
0x11b: {  	v8 =	vld [tilespmem:s16+$0x16A0]  }
0x11c: {  	v33 =	vld [tilespmem:s16+$0x36A0]  }
0x11d: {  	v34 =	vld [tilespmem:s16+$0x16B0]  }
0x11e: {  	v7 =	vld [tilespmem:s16+$0x36B0]  }
0x11f: {  	v35 =	vld [tilespmem:s16+$0x16C0]  }
0x120: {  	v11 =	vld [tilespmem:s16+$0x36C0]  }
0x121: {  	v36 =	vld [tilespmem:s16+$0x16D0]  }
0x122: {  	v13 =	vld [tilespmem:s16+$0x5690]  }
0x123: {  	v15 =	vld [tilespmem:s16+$0x3A90]  }
0x124: {  	v6 =	vld [tilespmem:s16+$0x56B0]  }
0x125: {  	v10 =	vld [tilespmem:s16+$0x76F0]  }
0x126: {  	v16 =	vld [tilespmem:s16+$0x7690]  }
0x127: {  	v19 =	vld [tilespmem:s16+$0x7680]  }
0x128: {  	v17 =	vld [tilespmem:s16+$0x56F0]  }
0x129: {  	v14 =	vld [tilespmem:s16+$0x76C0]  }
0x12a: {  	v18 =	vld [tilespmem:s16+$0x56C0]  }
0x12b: {  	v20 =	vld [tilespmem:s16+$0x76A0]  }
0x12c: {  	v21 =	vld [tilespmem:s16+$0x5AD0]  }
0x12d: {  	v22 =	vld [tilespmem:s16+$0x7A90]  }
0x12e: {  	v23 =	vld [tilespmem:s16+$0x7AB0]  }
0x12f: {  	v24 =	vld [tilespmem:s16+$0x7A80]  }
0x130: {  	v25 =	vld [tilespmem:s16+$0x5A90]  }
0x131: {  	v26 =	vld [tilespmem:s16+$0x76E0]  }
0x132: {  	v32 =	vld [tilespmem:s16+$0x5680]  }
0x133: {  	v30 =	vld [tilespmem:s16+$0x1AA0]  }
0x134: {  	v37 =	vld [tilespmem:s16+$0x76D0]  }
0x135: {  	v40 =	vld [tilespmem:s16+$0x3A80]  }
0x136: {  	v41 =	vld [tilespmem:s16+$0x36D0]  }
0x137: {  	v43 =	vld [tilespmem:s16+$0x7AD0]  }
0x138: {  	v47 =	vld [tilespmem:s16+$0x1AE0]  }
0x139: {  	v50 =	vld [tilespmem:s16+$0x1A90]  }
0x13a: {  	v51 =	vld [tilespmem:s16+$0x3AE0]  }
0x13b: {  	v52 =	vld [tilespmem:s16+$0x5AC0]  }
0x13c: {  	v48 =	vld [tilespmem:s16+$0x16F0]  }
0x13d: {  	v38 =	vld [tilespmem:s16+$0x3AA0]  }
0x13e: {  	v49 =	vld [tilespmem:s16+$0x1AF0]  }
0x13f: {  	v39 =	vld [tilespmem:s16+$0x3AC0]  }
0x140: {  	v42 =	vld.msk [tilespmem:s31+$0x0 ss:$0x0], $0xffff  }
0x141: {  	v44 =	vld.msk [tilespmem:s9+$0x0 ss:$0x0], $0xffff  }
0x142: {  	v45 =	vld [tilespmem:s16+$0x36E0]  }
0x143: {  	v53 =	vld [tilespmem:s16+$0x3AF0]  }
0x144: {  	v12 =	vld.msk [tilespmem:s12+$0x0 ss:$0x0], $0xffff  }
0x145: {  	v54 =	vld [tilespmem:s16+$0x1AD0]  }
0x146: {  	v9 =	vld.msk [tilespmem:s0+$0x0 ss:$0x0], $0xffff;
	v56 =	vmul.f32 v29, v42;
	v39 =	vmul.f32 v39, v42  }
0x147: {  	v57 =	vld [tilespmem:s16+$0x1AC0];
	v36 =	vmul.f32 v36, v44;
	v46 =	vmul.f32 v45, v42  }
0x148: {  	v60 =	vld [tilespmem:s16+$0x1AB0];
	v58 =	vmul.f32 v28, v44;
	v61 =	vmul.f32 v53, v42  }
0x149: {  	v62 =	vld [tilespmem:s16+$0x5AF0];
	v29 =	vmul.f32 v27, v44;
	v45 =	vmul.f32 v33, v42  }
0x14a: {  	v55 =	vld [tilespmem:s16+$0x16E0];
	v28 =	vmul.f32 v38, v42;
	v38 =	vmul.f32 v54, v44  }
0x14b: {  	v48 =	vmul.f32 v48, v44;
	v53 =	vld [tilespmem:s16+$0x1A80];
	v63 =	vmul.f32 v49, v44  }
0x14c: {  	s17 =	sshll.u32 s14, $0x1;
	v59 =	vmul.f32 v31, v42;
	v27 =	vld [tilespmem:s16+$0x56A0];
	v31 =	vmul.f32 v34, v44  }
0x14d: {  	s18 =	sadd.s32 $0x1, s31;
	s19 =	simm.s32 $0x80;
	s20 =	sadd.s32 $0x1, s9;
	v34 =	vmul.f32 v60, v44;
	v54 =	vld [tilespmem:s16+$0x3AD0];
	v35 =	vmul.f32 v35, v44;
	v49 =	vadd.f32 v56, v58  }
0x14e: {  	s21 =	sadd.s32 $0x1, s12;
	s22 =	simm.s32 $0x100;
	s6 =	sadd.s32 $0x1, s0;
	v56 =	vmul.f32 v57, v44;
	v33 =	vadd.f32 v61, v63;
	v57 =	vld [tilespmem:s16+$0x3AB0];
	v58 =	vmul.f32 v62, v12  }
.LBB2_5:
0x14f: {  	s24 =	smov.u32 s22  }
0x150: {  	s23 =	sand.u32 $0x1800, s22;
	s25 =	sand.u32 $0x380, s19;
	v59 =	vadd.f32 v59, v29;
	v55 =	vmul.f32 v55, v44;
	v60 =	vld [tilespmem:s16+$0x36F0];
	v52 =	vmul.f32 v52, v12;
	s24 =	sadd.s32 $0x100, s22  }
0x151: {  	p1 =	sne.s32 s22, $0x1F00;
	v51 =	vmul.f32 v51, v42;
	s23 =	sor.u32 s25, s23;
	v53 =	vmul.f32 v53, v44;
	v61 =	vld [tilespmem:s16+$0x5AB0]  }
0x152: {  	v63 =	vmul.f32 v50, v44;
	v56 =	vadd.f32 v39, v56;
	v62 =	vmul.f32 v27, v12;
	v29 =	vld [tilespmem:s23+$0x1680]  }
0x153: {  	v2 =	vmul.f32 v8, v44;
	v50 =	vadd.f32 v58, v33;
	v8 =	vmul.f32 v54, v42;
	v27 =	vld [tilespmem:s23+$0x3680]  }
0x154: {  	v47 =	vmul.f32 v47, v44;
	v54 =	vmul.f32 v57, v42;
	v33 =	vld [tilespmem:s23+$0x1690]  }
0x155: {  	v13 =	vmul.f32 v13, v12;
	v15 =	vmul.f32 v15, v42;
	v57 =	vadd.f32 v8, v38;
	v39 =	vld [tilespmem:s23+$0x3690]  }
0x156: {  	v11 =	vmul.f32 v11, v42;
	v54 =	vadd.f32 v54, v34;
	v8 =	vld [tilespmem:s23+$0x16A0];
	v58 =	vmul.f32 v61, v12  }
0x157: {  	v43 =	vmul.f32 v43, v9;
	v60 =	vmul.f32 v60, v42;
	v61 =	vadd.f32 v15, v63;
	v38 =	vld [tilespmem:s23+$0x36A0]  }
0x158: {  	v41 =	vmul.f32 v41, v42;
	v63 =	vadd.f32 v11, v35;
	v11 =	vmul.f32 v40, v42;
	v34 =	vld [tilespmem:s23+$0x16B0]  }
0x159: {  	v37 =	vmul.f32 v37, v9;
	v30 =	vmul.f32 v30, v44;
	v55 =	vadd.f32 v46, v55;
	v40 =	vld [tilespmem:s23+$0x36B0]  }
0x15a: {  	v32 =	vmul.f32 v32, v12;
	v42 =	vmul.f32 v7, v42;
	v44 =	vadd.f32 v11, v53;
	v35 =	vld [tilespmem:s23+$0x16C0]  }
0x15b: {  	v26 =	vmul.f32 v26, v9;
	v25 =	vmul.f32 v25, v12;
	v48 =	vadd.f32 v60, v48;
	v11 =	vld [tilespmem:s23+$0x36C0]  }
0x15c: {  	v24 =	vmul.f32 v24, v9;
	v23 =	vmul.f32 v23, v9;
	v49 =	vadd.f32 v13, v49;
	v46 =	vld [tilespmem:s23+$0x16D0]  }
0x15d: {  	v22 =	vmul.f32 v22, v9;
	v21 =	vmul.f32 v21, v12;
	v2 =	vadd.f32 v45, v2;
	v13 =	vld [tilespmem:s23+$0x5690]  }
0x15e: {  	v20 =	vmul.f32 v20, v9;
	v18 =	vmul.f32 v18, v12;
	v36 =	vadd.f32 v41, v36;
	v15 =	vld [tilespmem:s23+$0x3A90];
	v7 =	vmovc v40  }
0x15f: {  	v14 =	vmul.f32 v14, v9;
	v17 =	vmul.f32 v17, v12;
	v41 =	vadd.f32 v58, v54;
	v40 =	vld [tilespmem:s16+$0x56D0]  }
0x160: {  	v19 =	vmul.f32 v19, v9;
	v32 =	vadd.f32 v32, v59;
	v52 =	vadd.f32 v52, v56;
	v45 =	vld [tilespmem:s16+$0x76B0]  }
0x161: {  	v16 =	vmul.f32 v16, v9;
	v25 =	vadd.f32 v25, v61;
	v23 =	vadd.f32 v23, v41;
	v53 =	vld [tilespmem:s16+$0x5AA0]  }
0x162: {  	v10 =	vmul.f32 v10, v9;
	v19 =	vadd.f32 v19, v32;
	v17 =	vadd.f32 v17, v48;
	v32 =	vld [tilespmem:s16+$0x56E0]  }
0x163: {  	v6 =	vmul.f32 v6, v12;
	v2 =	vadd.f32 v62, v2;
	v31 =	vadd.f32 v42, v31;
	v41 =	vld [tilespmem:s16+$0x7AA0]  }
0x164: {  	v16 =	vadd.f32 v16, v49;
	v10 =	vadd.f32 v10, v17;
	[tilespmem:s16+$0x11680] =	vst v19;
	v19 =	vmul.f32 v40, v12;
	v17 =	vld [tilespmem:s16+$0x7AC0]  }
0x165: {  	v21 =	vadd.f32 v21, v57;
	v6 =	vadd.f32 v6, v31;
	v31 =	vmul.f32 v45, v9;
	v40 =	vld [tilespmem:s16+$0x5A80]  }
0x166: {  	[tilespmem:s16+$0x11690] =	vst v16;
	v16 =	vadd.f32 v19, v36;
	v19 =	vadd.f32 v28, v30;
	v28 =	vmul.f32 v53, v12;
	v30 =	vld [tilespmem:s16+$0x7AF0]  }
0x167: {  	v22 =	vadd.f32 v22, v25;
	v31 =	vadd.f32 v31, v6;
	v6 =	vmul.f32 v32, v12;
	[tilespmem:s16+$0x11AB0] =	vst v23;
	v23 =	vld [tilespmem:s16+$0x5AE0]  }
0x168: {  	v21 =	vadd.f32 v43, v21;
	[tilespmem:s16+$0x116F0] =	vst v10;
	v10 =	vadd.f32 v28, v19;
	v19 =	vmul.f32 v41, v9  }
0x169: {  	v16 =	vadd.f32 v37, v16;
	v6 =	vadd.f32 v6, v55;
	[tilespmem:s16+$0x11A90] =	vst v22;
	v17 =	vmul.f32 v17, v9;
	v22 =	vld [tilespmem:s16+$0x7AE0]  }
0x16a: {  	v18 =	vadd.f32 v18, v63;
	v25 =	vmul.f32 v40, v12;
	v10 =	vadd.f32 v19, v10;
	[tilespmem:s16+$0x11AD0] =	vst v21  }
0x16b: {  	[tilespmem:s16+$0x116D0] =	vst v16;
	v21 =	vadd.f32 v26, v6;
	v16 =	vadd.f32 v17, v52;
	v17 =	vmul.f32 v30, v9  }
0x16c: {  	v14 =	vadd.f32 v14, v18;
	v18 =	vadd.f32 v51, v47;
	v6 =	vld [tilespmem:s23+$0x56B0];
	[tilespmem:s16+$0x11AA0] =	vst v10;
	v12 =	vmul.f32 v23, v12  }
0x16d: {  	v23 =	vadd.f32 v25, v44;
	v10 =	vld [tilespmem:s23+$0x76F0];
	[tilespmem:s16+$0x11AC0] =	vst v16;
	v17 =	vadd.f32 v17, v50  }
0x16e: {  	v2 =	vadd.f32 v20, v2;
	v16 =	vld [tilespmem:s23+$0x7690];
	[tilespmem:s16+$0x116C0] =	vst v14;
	v12 =	vadd.f32 v12, v18;
	v9 =	vmul.f32 v22, v9  }
0x16f: {  	v20 =	vadd.f32 v24, v23;
	v19 =	vld [tilespmem:s23+$0x7680];
	[tilespmem:s16+$0x11AF0] =	vst v17  }
0x170: {  	v17 =	vld [tilespmem:s23+$0x56F0];
	[tilespmem:s16+$0x116A0] =	vst v2;
	v2 =	vadd.f32 v9, v12  }
0x171: {  	v14 =	vld [tilespmem:s23+$0x76C0];
	[tilespmem:s16+$0x116E0] =	vst v21  }
0x172: {  	v18 =	vld [tilespmem:s23+$0x56C0];
	[tilespmem:s16+$0x11A80] =	vst v20  }
0x173: {  	v20 =	vld [tilespmem:s23+$0x76A0];
	[tilespmem:s16+$0x11AE0] =	vst v2  }
0x174: {  	v21 =	vld [tilespmem:s23+$0x5AD0];
	[tilespmem:s16+$0x116B0] =	vst v31;
	s16 =	smov.u32 s23  }
0x175: {  	v22 =	vld [tilespmem:s16+$0x7A90]  }
0x176: {  	v23 =	vld [tilespmem:s16+$0x7AB0]  }
0x177: {  	v24 =	vld [tilespmem:s16+$0x7A80]  }
0x178: {  	v25 =	vld [tilespmem:s16+$0x5A90]  }
0x179: {  	v26 =	vld [tilespmem:s16+$0x76E0]  }
0x17a: {  	v32 =	vld [tilespmem:s16+$0x5680]  }
0x17b: {  	v30 =	vld [tilespmem:s16+$0x1AA0]  }
0x17c: {  	v37 =	vld [tilespmem:s16+$0x76D0]  }
0x17d: {  	v40 =	vld [tilespmem:s16+$0x3A80]  }
0x17e: {  	v41 =	vld [tilespmem:s16+$0x36D0]  }
0x17f: {  	v43 =	vld [tilespmem:s16+$0x7AD0]  }
0x180: {  	v47 =	vld [tilespmem:s16+$0x1AE0]  }
0x181: {  	v50 =	vld [tilespmem:s16+$0x1A90]  }
0x182: {  	v51 =	vld [tilespmem:s16+$0x3AE0]  }
0x183: {  	v52 =	vld [tilespmem:s16+$0x5AC0]  }
0x184: {  	v2 =	vld [tilespmem:s16+$0x16F0]  }
0x185: {  	v28 =	vld [tilespmem:s16+$0x3AA0]  }
0x186: {  	v31 =	vld [tilespmem:s16+$0x1AF0]  }
0x187: {  	v36 =	vld [tilespmem:s16+$0x3AC0]  }
0x188: {  	v42 =	vld.msk [tilespmem:s18+$0x0 ss:$0x0], $0xffff  }
0x189: {  	v44 =	vld.msk [tilespmem:s20+$0x0 ss:$0x0], $0xffff  }
0x18a: {  	v45 =	vld [tilespmem:s16+$0x36E0]  }
0x18b: {  	v48 =	vld [tilespmem:s16+$0x3AF0]  }
0x18c: {  	v12 =	vld.msk [tilespmem:s21+$0x0 ss:$0x0], $0xffff  }
0x18d: {  	v53 =	vld [tilespmem:s16+$0x1AD0]  }
0x18e: {  	v49 =	vmul.f32 v39, v42;
	v39 =	vmul.f32 v36, v42;
	v9 =	vld.msk [tilespmem:s6+$0x0 ss:$0x0], $0xffff  }
0x18f: {  	v36 =	vmul.f32 v46, v44;
	v46 =	vmul.f32 v45, v42;
	v54 =	vld [tilespmem:s16+$0x1AC0]  }
0x190: {  	v33 =	vmul.f32 v33, v44;
	v56 =	vld [tilespmem:s16+$0x1AB0];
	v57 =	vmul.f32 v48, v42  }
0x191: {  	v29 =	vmul.f32 v29, v44;
	v45 =	vmul.f32 v38, v42;
	v58 =	vld [tilespmem:s16+$0x5AF0]  }
.Ltmp1:
0x192: {  	v28 =	vmul.f32 v28, v42;
	v49 =	vadd.f32 v49, v33;
	v55 =	vld [tilespmem:s16+$0x16E0];
	v38 =	vmul.f32 v53, v44;
	(pc) =	sbr.rel @p1 .LBB2_5-.Ltmp1, $4  }
0x193: {  	v48 =	vmul.f32 v2, v44;
	v2 =	vmul.f32 v31, v44;
	v53 =	vld [tilespmem:s16+$0x1A80]  }
0x194: {  	v59 =	vmul.f32 v27, v42;
	v31 =	vmul.f32 v34, v44;
	v27 =	vld [tilespmem:s16+$0x56A0]  }
0x195: {  	s19 =	sadd.s32 $0x80, s19;
	s18 =	sadd.s32 $0x1, s18;
	s6 =	sadd.s32 $0x1, s6;
	v33 =	vadd.f32 v57, v2;
	v34 =	vmul.f32 v56, v44;
	v56 =	vmul.f32 v54, v44;
	v54 =	vld [tilespmem:s16+$0x3AD0]  }
0x196: {  	s22 =	smov.u32 s24;
	s20 =	sadd.s32 $0x1, s20;
	s21 =	sadd.s32 $0x1, s21;
	v35 =	vmul.f32 v35, v44;
	v57 =	vld [tilespmem:s16+$0x3AB0];
	v58 =	vmul.f32 v58, v12  }
0x197: {  	v2 =	vmul.f32 v55, v44;
	v52 =	vmul.f32 v52, v12  }
0x198: {  	v51 =	vmul.f32 v51, v42;
	v50 =	vmul.f32 v50, v44  }
0x199: {  	v8 =	vmul.f32 v8, v44;
	v47 =	vmul.f32 v47, v44  }
0x19a: {  	v13 =	vmul.f32 v13, v12;
	v15 =	vmul.f32 v15, v42  }
0x19b: {  	v11 =	vmul.f32 v11, v42;
	v43 =	vmul.f32 v43, v9  }
0x19c: {  	v41 =	vmul.f32 v41, v42;
	v32 =	vmul.f32 v32, v12  }
0x19d: {  	v37 =	vmul.f32 v37, v9;
	v19 =	vmul.f32 v19, v9  }
0x19e: {  	v30 =	vmul.f32 v30, v44;
	v7 =	vmul.f32 v7, v42  }
0x19f: {  	v25 =	vmul.f32 v25, v12;
	v16 =	vmul.f32 v16, v9  }
0x1a0: {  	v29 =	vadd.f32 v59, v29;
	v23 =	vmul.f32 v23, v9;
	v22 =	vmul.f32 v22, v9  }
0x1a1: {  	v39 =	vadd.f32 v39, v56;
	v17 =	vmul.f32 v17, v12;
	v21 =	vmul.f32 v21, v12  }
0x1a2: {  	v20 =	vmul.f32 v20, v9;
	v33 =	vadd.f32 v58, v33;
	v15 =	vadd.f32 v15, v50  }
0x1a3: {  	v55 =	vld [tilespmem:s16+$0x5AB0];
	v10 =	vmul.f32 v10, v9;
	v11 =	vadd.f32 v11, v35;
	v2 =	vadd.f32 v46, v2  }
0x1a4: {  	v60 =	vld [tilespmem:s16+$0x36F0];
	v14 =	vmul.f32 v14, v9;
	v29 =	vadd.f32 v32, v29;
	v13 =	vadd.f32 v13, v49  }
0x1a5: {  	v59 =	vld [tilespmem:s16+$0x7AC0];
	v27 =	vmul.f32 v27, v12;
	v8 =	vadd.f32 v45, v8;
	v46 =	vadd.f32 v52, v39  }
0x1a6: {  	v7 =	vadd.f32 v7, v31;
	v54 =	vmul.f32 v54, v42;
	v19 =	vadd.f32 v19, v29  }
0x1a7: {  	v50 =	vld [tilespmem:s16+$0x5AA0];
	v63 =	vmul.f32 v57, v42;
	v13 =	vadd.f32 v16, v13;
	v15 =	vadd.f32 v25, v15  }
0x1a8: {  	v53 =	vmul.f32 v53, v44;
	v8 =	vadd.f32 v27, v8;
	v38 =	vadd.f32 v54, v38  }
0x1a9: {  	v56 =	vld [tilespmem:s16+$0x7AA0];
	v61 =	vmul.f32 v55, v12;
	v62 =	vmul.f32 v60, v42;
	v34 =	vadd.f32 v63, v34  }
0x1aa: {  	v60 =	vld [tilespmem:s16+$0x5A80];
	v16 =	vmul.f32 v59, v9;
	v15 =	vadd.f32 v22, v15;
	v8 =	vadd.f32 v20, v8  }
0x1ab: {  	v63 =	vmul.f32 v40, v42;
	v40 =	vld [tilespmem:s16+$0x56D0];
	v57 =	vadd.f32 v62, v48;
	v62 =	vadd.f32 v41, v36  }
0x1ac: {  	[tilespmem:s16+$0x11680] =	vst v19;
	v41 =	vadd.f32 v28, v30;
	v42 =	vmul.f32 v50, v12;
	v54 =	vadd.f32 v16, v46  }
0x1ad: {  	v45 =	vld [tilespmem:s16+$0x5AE0];
	[tilespmem:s16+$0x11690] =	vst v13;
	v35 =	vadd.f32 v63, v53;
	v58 =	vadd.f32 v61, v34;
	v61 =	vmul.f32 v18, v12  }
0x1ae: {  	v49 =	vmul.f32 v56, v9;
	v53 =	vld [tilespmem:s16+$0x56E0];
	[tilespmem:s16+$0x11A90] =	vst v15;
	v17 =	vadd.f32 v17, v57;
	v48 =	vadd.f32 v42, v41  }
0x1af: {  	v63 =	vld [tilespmem:s16+$0x7AF0];
	[tilespmem:s16+$0x116A0] =	vst v8;
	v19 =	vadd.f32 v23, v58;
	v11 =	vadd.f32 v61, v11;
	v56 =	vmul.f32 v60, v12  }
0x1b0: {  	[tilespmem:s16+$0x11AC0] =	vst v54;
	v36 =	vmul.f32 v40, v12;
	v10 =	vadd.f32 v10, v17;
	v40 =	vadd.f32 v21, v38  }
0x1b1: {  	v26 =	vmul.f32 v26, v9;
	v52 =	vld [tilespmem:s16+$0x7AE0];
	v57 =	vadd.f32 v51, v47;
	[tilespmem:s16+$0x11AB0] =	vst v19;
	v11 =	vadd.f32 v14, v11  }
0x1b2: {  	v24 =	vmul.f32 v24, v9;
	v32 =	vld [tilespmem:s16+$0x76B0];
	v60 =	vadd.f32 v56, v35;
	[tilespmem:s16+$0x116F0] =	vst v10;
	v17 =	vadd.f32 v43, v40  }
0x1b3: {  	v18 =	vadd.f32 v36, v62;
	v53 =	vmul.f32 v53, v12;
	v10 =	vadd.f32 v49, v48;
	[tilespmem:s16+$0x116C0] =	vst v11  }
0x1b4: {  	v58 =	vmul.f32 v45, v12;
	v55 =	vmul.f32 v63, v9;
	v62 =	vadd.f32 v24, v60;
	[tilespmem:s16+$0x11AD0] =	vst v17  }
0x1b5: {  	v6 =	vmul.f32 v6, v12;
	v50 =	vadd.f32 v37, v18;
	v2 =	vadd.f32 v53, v2;
	[tilespmem:s16+$0x11AA0] =	vst v10  }
0x1b6: {  	v61 =	vmul.f32 v52, v9;
	v59 =	vadd.f32 v55, v33;
	v10 =	vadd.f32 v58, v57;
	[tilespmem:s16+$0x11A80] =	vst v62  }
0x1b7: {  	v6 =	vadd.f32 v6, v7;
	v7 =	vmul.f32 v32, v9;
	[tilespmem:s16+$0x116D0] =	vst v50;
	v2 =	vadd.f32 v26, v2  }
0x1b8: {  	s6 =	sshll.u32 s14, $0xE;
	[tilespmem:s16+$0x11AF0] =	vst v59;
	v63 =	vadd.f32 v61, v10  }
0x1b9: {  	s6 =	sadd.s32 s8, s6;
	[tilespmem:s16+$0x116E0] =	vst v2;
	v2 =	vadd.f32 v7, v6  }
0x1ba: {  	s6 =	sshrl.u32 s6, $0x3;
	[tilespmem:s16+$0x11AE0] =	vst v63  }
0x1bb: {  	s21 =	simm.s32 $0x11680;
	s22 =	smin.u32 s17, $0xD;
	s6 =	sadd.s32 s3, s6;
	[tilespmem:s16+$0x116B0] =	vst v2  }
0x1bc: {  	[hbm4b:s6+s4] =	stream.linear.scatter [tilespmem:s21], [sflag:$0x2], $0x2000, $0x38;
	[tilespmem:$0x15680] =	vst v63  }
0x1bd: {  	s6 =	sshll.u32 s22, $0x5  }
0x1be: {  	v2 =	vld [tilespmem:s6+$0x4C0];
	_ =	sdelay $0x2  }
0x1bf: {  	v42 =	vld [tilespmem:$0x1FFF0];
	_ =	sdelay $0x1  }
0x1c0: {  	v6 =	vshll.u32 v2, $0x1  }
0x1c1: {  	v2 =	vand.u32 $0x7, v2;
	v6 =	vand.u32 $0xFFFFFFF0, v6  }
0x1c2: {  	v2 =	vor.u32 v2, v6  }
0x1c3: {  	v6 =	vperm.xlane v2, v42;
	_ =	sdelay $0x1  }
0x1c4: {  	v2 =	vperm.xlane v2, v5;
	v6 =	vadd.s32 v4, v6;
	_ =	sdelay $0x1  }
0x1c5: {  	v2 =	vadd.s32 v4, v2;
	_ =	sdelay $0x1  }
0x1c6: {  	s23 =	simm.s32 $0x1680  }
0x1c7: {  	[tilespmem:s23], [sflag:$0x1] =	stream.indirect_vreg.gather [hbm4b:s2+s4], $0x80, v6, vm0, $0xb8;
	[tilespmem:$0x15680] =	vst v63  }
0x1c8: {  	s24 =	simm.s32 $0x1E80  }
0x1c9: {  	[tilespmem:s24], [sflag:$0x1] =	stream.indirect_vreg.gather [hbm4b:s2+s4], $0x80, v2, vm0, $0xb8;
	[tilespmem:$0x15680] =	vst v63  }
0x1ca: {  	v2 =	vld [tilespmem:s6+$0x4D0];
	_ =	sdelay $0x4  }
0x1cb: {  	v6 =	vshll.u32 v2, $0x1  }
0x1cc: {  	v2 =	vand.u32 $0x7, v2;
	v6 =	vand.u32 $0xFFFFFFF0, v6  }
0x1cd: {  	v2 =	vor.u32 v2, v6  }
0x1ce: {  	v6 =	vperm.xlane v2, v42;
	_ =	sdelay $0x1  }
0x1cf: {  	v2 =	vperm.xlane v2, v5;
	v6 =	vadd.s32 v4, v6;
	_ =	sdelay $0x1  }
0x1d0: {  	v2 =	vadd.s32 v4, v2;
	_ =	sdelay $0x1  }
0x1d1: {  	s25 =	simm.s32 $0x2680  }
0x1d2: {  	[tilespmem:s25], [sflag:$0x1] =	stream.indirect_vreg.gather [hbm4b:s2+s4], $0x80, v6, vm0, $0xb8;
	[tilespmem:$0x15680] =	vst v63  }
0x1d3: {  	s17 =	simm.s32 $0x2E80  }
0x1d4: {  	[tilespmem:s17], [sflag:$0x1] =	stream.indirect_vreg.gather [hbm4b:s2+s4], $0x80, v2, vm0, $0xb8;
	[tilespmem:$0x15680] =	vst v63  }
0x1d5: {  	v2 =	vld [tilespmem:s6+$0x8C0];
	_ =	sdelay $0x4  }
0x1d6: {  	v6 =	vshll.u32 v2, $0x1  }
0x1d7: {  	v2 =	vand.u32 $0x7, v2;
	v6 =	vand.u32 $0xFFFFFFF0, v6  }
0x1d8: {  	v2 =	vor.u32 v2, v6  }
0x1d9: {  	v6 =	vperm.xlane v2, v42;
	_ =	sdelay $0x1  }
0x1da: {  	v2 =	vperm.xlane v2, v5;
	v6 =	vadd.s32 v4, v6;
	_ =	sdelay $0x1  }
0x1db: {  	v2 =	vadd.s32 v4, v2;
	_ =	sdelay $0x1  }
0x1dc: {  	s18 =	simm.s32 $0x3680  }
0x1dd: {  	[tilespmem:s18], [sflag:$0x1] =	stream.indirect_vreg.gather [hbm4b:s2+s4], $0x80, v6, vm0, $0xb8;
	[tilespmem:$0x15680] =	vst v63  }
0x1de: {  	s19 =	simm.s32 $0x3E80  }
0x1df: {  	[tilespmem:s19], [sflag:$0x1] =	stream.indirect_vreg.gather [hbm4b:s2+s4], $0x80, v2, vm0, $0xb8;
	[tilespmem:$0x15680] =	vst v63  }
0x1e0: {  	v2 =	vld [tilespmem:s6+$0x8D0];
	_ =	sdelay $0x4  }
0x1e1: {  	v6 =	vshll.u32 v2, $0x1  }
0x1e2: {  	v2 =	vand.u32 $0x7, v2;
	v6 =	vand.u32 $0xFFFFFFF0, v6  }
0x1e3: {  	v2 =	vor.u32 v2, v6  }
0x1e4: {  	v6 =	vperm.xlane v2, v42;
	_ =	sdelay $0x1  }
0x1e5: {  	v2 =	vperm.xlane v2, v5;
	v6 =	vadd.s32 v4, v6;
	_ =	sdelay $0x1  }
0x1e6: {  	v2 =	vadd.s32 v4, v2;
	_ =	sdelay $0x1  }
0x1e7: {  	s20 =	simm.s32 $0x4680  }
0x1e8: {  	[tilespmem:s20], [sflag:$0x1] =	stream.indirect_vreg.gather [hbm4b:s2+s4], $0x80, v6, vm0, $0xb8;
	[tilespmem:$0x15680] =	vst v63  }
0x1e9: {  	s21 =	simm.s32 $0x4E80  }
0x1ea: {  	[tilespmem:s21], [sflag:$0x1] =	stream.indirect_vreg.gather [hbm4b:s2+s4], $0x80, v2, vm0, $0xb8;
	[tilespmem:$0x15680] =	vst v63  }
0x1eb: {  	v2 =	vld [tilespmem:s6+$0x6C0];
	_ =	sdelay $0x4  }
0x1ec: {  	v6 =	vshll.u32 v2, $0x1  }
0x1ed: {  	v2 =	vand.u32 $0x7, v2;
	v6 =	vand.u32 $0xFFFFFFF0, v6  }
0x1ee: {  	v2 =	vor.u32 v2, v6  }
0x1ef: {  	v6 =	vperm.xlane v2, v42;
	_ =	sdelay $0x1  }
0x1f0: {  	v2 =	vperm.xlane v2, v5;
	v6 =	vadd.s32 v4, v6;
	_ =	sdelay $0x1  }
0x1f1: {  	v2 =	vadd.s32 v4, v2;
	_ =	sdelay $0x1  }
0x1f2: {  	s22 =	simm.s32 $0x5680  }
0x1f3: {  	[tilespmem:s22], [sflag:$0x1] =	stream.indirect_vreg.gather [hbm4b:s2+s4], $0x80, v6, vm0, $0xb8;
	[tilespmem:$0x15680] =	vst v63  }
0x1f4: {  	s23 =	simm.s32 $0x5E80  }
0x1f5: {  	[tilespmem:s23], [sflag:$0x1] =	stream.indirect_vreg.gather [hbm4b:s2+s4], $0x80, v2, vm0, $0xb8;
	[tilespmem:$0x15680] =	vst v63  }
0x1f6: {  	v2 =	vld [tilespmem:s6+$0x6D0];
	_ =	sdelay $0x4  }
0x1f7: {  	v6 =	vshll.u32 v2, $0x1  }
0x1f8: {  	v2 =	vand.u32 $0x7, v2;
	v6 =	vand.u32 $0xFFFFFFF0, v6  }
0x1f9: {  	v2 =	vor.u32 v2, v6  }
0x1fa: {  	v6 =	vperm.xlane v2, v42;
	_ =	sdelay $0x1  }
0x1fb: {  	v2 =	vperm.xlane v2, v5;
	v6 =	vadd.s32 v4, v6;
	_ =	sdelay $0x1  }
0x1fc: {  	v2 =	vadd.s32 v4, v2;
	_ =	sdelay $0x1  }
0x1fd: {  	s24 =	simm.s32 $0x6680  }
0x1fe: {  	[tilespmem:s24], [sflag:$0x1] =	stream.indirect_vreg.gather [hbm4b:s2+s4], $0x80, v6, vm0, $0xb8;
	[tilespmem:$0x15680] =	vst v63  }
0x1ff: {  	s25 =	simm.s32 $0x6E80  }
0x200: {  	[tilespmem:s25], [sflag:$0x1] =	stream.indirect_vreg.gather [hbm4b:s2+s4], $0x80, v2, vm0, $0xb8;
	[tilespmem:$0x15680] =	vst v63  }
0x201: {  	v2 =	vld [tilespmem:s6+$0xAC0];
	_ =	sdelay $0x4  }
0x202: {  	v6 =	vshll.u32 v2, $0x1  }
0x203: {  	v2 =	vand.u32 $0x7, v2;
	v6 =	vand.u32 $0xFFFFFFF0, v6  }
0x204: {  	v2 =	vor.u32 v2, v6  }
0x205: {  	v6 =	vperm.xlane v2, v42;
	_ =	sdelay $0x1  }
0x206: {  	v2 =	vperm.xlane v2, v5;
	v6 =	vadd.s32 v4, v6;
	_ =	sdelay $0x1  }
0x207: {  	v2 =	vadd.s32 v4, v2;
	_ =	sdelay $0x2  }
0x208: {  	[tilespmem:s26], [sflag:$0x1] =	stream.indirect_vreg.gather [hbm4b:s2+s4], $0x80, v6, vm0, $0xb8;
	[tilespmem:$0x15680] =	vst v63  }
0x209: {  	_ = 	snop  }
0x20a: {  	[tilespmem:s28], [sflag:$0x1] =	stream.indirect_vreg.gather [hbm4b:s2+s4], $0x80, v2, vm0, $0xb8;
	[tilespmem:$0x15680] =	vst v63  }
0x20b: {  	v2 =	vld [tilespmem:s6+$0xAD0];
	_ =	sdelay $0x4  }
0x20c: {  	v6 =	vshll.u32 v2, $0x1  }
0x20d: {  	v2 =	vand.u32 $0x7, v2;
	v6 =	vand.u32 $0xFFFFFFF0, v6  }
0x20e: {  	v2 =	vor.u32 v2, v6  }
0x20f: {  	v6 =	vperm.xlane v2, v42;
	_ =	sdelay $0x1  }
0x210: {  	v2 =	vperm.xlane v2, v5;
	v6 =	vadd.s32 v4, v6;
	_ =	sdelay $0x1  }
0x211: {  	v2 =	vadd.s32 v4, v2;
	_ =	sdelay $0x2  }
0x212: {  	[tilespmem:s29], [sflag:$0x1] =	stream.indirect_vreg.gather [hbm4b:s2+s4], $0x80, v6, vm0, $0xb8;
	[tilespmem:$0x15680] =	vst v63  }
0x213: {  	_ = 	snop  }
0x214: {  	[tilespmem:s30], [sflag:$0x1] =	stream.indirect_vreg.gather [hbm4b:s2+s4], $0x80, v2, vm0, $0xb8;
	[tilespmem:$0x15680] =	vst v63  }
0x215: {  	_ =	swait.ge [sflag:s11], $0x8000  }
0x216: {  	[sflag:s11] =	ssyncset.done $0x0  }
0x217: {  	s6 =	simm.s32 @!p0 $0x2;
	[sflag:s11] =	ssyncadd.s32 $0xFFFF8000  }
0x218: {  	_ =	swait.ge @!p0 [sflag:s6], $0x2000  }
0x219: {  	s16 =	simm.s32 $0x0;
	[sflag:s6] =	ssyncset.done @!p0 $0x0  }
0x21a: {  	s17 =	simm.s32 $0x0;
	[sflag:s6] =	ssyncadd.s32 @!p0 $0xFFFFE000;
	s6 =	simm.s32 $0x0  }
.LBB2_7:
0x21b: {  	s18 =	sand.u32 $0x1800, s6;
	s19 =	sand.u32 $0x380, s16  }
0x21c: {  	s20 =	sshra.s32 s17, $0x2;
	s18 =	sor.u32 s19, s18  }
0x21d: {  	s22 =	sadd.s32 s20, s5;
	v2 =	vld [tilespmem:s18+$0x9680]  }
0x21e: {  	v8 =	vld.msk [tilespmem:s22+$0x0 ss:$0x0], $0xffff  }
0x21f: {  	s23 =	sadd.s32 s20, s13;
	v10 =	vld [tilespmem:s18+$0xB680]  }
0x220: {  	v9 =	vld.msk [tilespmem:s23+$0x0 ss:$0x0], $0xffff  }
0x221: {  	s24 =	sadd.s32 s20, s10;
	v11 =	vld [tilespmem:s18+$0xD680]  }
0x222: {  	v7 =	vld.msk [tilespmem:s24+$0x0 ss:$0x0], $0xffff  }
0x223: {  	s25 =	sadd.s32 s20, s1;
	v12 =	vld [tilespmem:s18+$0xF680]  }
0x224: {  	v6 =	vld.msk [tilespmem:s25+$0x0 ss:$0x0], $0xffff  }
0x225: {  	v13 =	vld [tilespmem:s18+$0x9690]  }
0x226: {  	v14 =	vld [tilespmem:s18+$0xB690]  }
0x227: {  	v15 =	vld [tilespmem:s18+$0xD690]  }
0x228: {  	v16 =	vld [tilespmem:s18+$0xF690]  }
0x229: {  	v17 =	vld [tilespmem:s18+$0x96A0]  }
0x22a: {  	v18 =	vld [tilespmem:s18+$0xB6A0]  }
0x22b: {  	v19 =	vld [tilespmem:s18+$0xD6A0]  }
0x22c: {  	v20 =	vld [tilespmem:s18+$0xF6A0]  }
0x22d: {  	v21 =	vld [tilespmem:s18+$0x96B0]  }
0x22e: {  	v22 =	vld [tilespmem:s18+$0xB6B0]  }
0x22f: {  	v23 =	vld [tilespmem:s18+$0xD6B0]  }
0x230: {  	v24 =	vld [tilespmem:s18+$0xF6B0]  }
0x231: {  	v25 =	vld [tilespmem:s18+$0x96C0]  }
0x232: {  	v26 =	vld [tilespmem:s18+$0xB6C0]  }
0x233: {  	v27 =	vld [tilespmem:s18+$0xD6C0]  }
0x234: {  	v28 =	vld [tilespmem:s18+$0xF6C0]  }
0x235: {  	v29 =	vld [tilespmem:s18+$0x96D0]  }
0x236: {  	v30 =	vld [tilespmem:s18+$0xB6D0]  }
0x237: {  	v31 =	vld [tilespmem:s18+$0xD6D0]  }
0x238: {  	v32 =	vld [tilespmem:s18+$0xF6D0]  }
0x239: {  	v33 =	vld [tilespmem:s18+$0x96E0]  }
0x23a: {  	v34 =	vld [tilespmem:s18+$0xB6E0]  }
0x23b: {  	v35 =	vld [tilespmem:s18+$0xD6E0]  }
0x23c: {  	v36 =	vld [tilespmem:s18+$0xF6E0]  }
0x23d: {  	v37 =	vld [tilespmem:s18+$0x96F0];
	v2 =	vmul.f32 v2, v8  }
0x23e: {  	v38 =	vld [tilespmem:s18+$0xB6F0];
	v10 =	vmul.f32 v10, v9;
	v13 =	vmul.f32 v13, v8  }
0x23f: {  	v39 =	vld [tilespmem:s18+$0xD6F0];
	v14 =	vmul.f32 v14, v9;
	v44 =	vmul.f32 v11, v7  }
0x240: {  	v40 =	vld [tilespmem:s18+$0xF6F0];
	v45 =	vmul.f32 v15, v7;
	v46 =	vmul.f32 v17, v8  }
0x241: {  	v41 =	vld [tilespmem:s18+$0x9A80];
	v47 =	vmul.f32 v18, v9;
	v48 =	vmul.f32 v21, v8  }
0x242: {  	v43 =	vld [tilespmem:s18+$0xBAB0];
	v49 =	vmul.f32 v22, v9;
	v12 =	vmul.f32 v12, v6  }
0x243: {  	v11 =	vld [tilespmem:s18+$0xBA80];
	v50 =	vmul.f32 v19, v7;
	v16 =	vmul.f32 v16, v6  }
0x244: {  	v15 =	vld [tilespmem:s18+$0xDA80];
	v51 =	vmul.f32 v23, v7;
	v52 =	vmul.f32 v20, v6  }
0x245: {  	v18 =	vld [tilespmem:s18+$0xFA80];
	v53 =	vmul.f32 v24, v6;
	v54 =	vmul.f32 v25, v8  }
0x246: {  	v22 =	vld [tilespmem:s18+$0x9A90];
	v55 =	vmul.f32 v26, v9;
	v56 =	vmul.f32 v29, v8  }
0x247: {  	v19 =	vld [tilespmem:s18+$0xBA90];
	v57 =	vmul.f32 v30, v9;
	v58 =	vmul.f32 v27, v7  }
0x248: {  	v23 =	vld [tilespmem:s18+$0xDA90];
	v59 =	vmul.f32 v28, v6;
	v60 =	vmul.f32 v31, v7  }
0x249: {  	v17 =	vld [tilespmem:s18+$0xFA90];
	v62 =	vmul.f32 v33, v8;
	v63 =	vmul.f32 v34, v9;
	v2 =	vadd.f32 v10, v2  }
0x24a: {  	v20 =	vld [tilespmem:s18+$0x9AA0];
	v61 =	vmul.f32 v32, v6;
	v13 =	vadd.f32 v14, v13;
	v10 =	vadd.f32 v47, v46  }
0x24b: {  	v24 =	vld [tilespmem:s18+$0xBAA0];
	v36 =	vmul.f32 v36, v6;
	v14 =	vadd.f32 v49, v48;
	v21 =	vadd.f32 v63, v62  }
0x24c: {  	v30 =	vld [tilespmem:s18+$0x9AB0];
	v47 =	vmul.f32 v35, v7;
	v49 =	vmul.f32 v39, v7;
	v2 =	vadd.f32 v44, v2  }
0x24d: {  	v26 =	vld [tilespmem:s18+$0xDAA0];
	v13 =	vadd.f32 v45, v13;
	v44 =	vmul.f32 v37, v8;
	v45 =	vmul.f32 v38, v9  }
0x24e: {  	v28 =	vld [tilespmem:s18+$0xFAA0];
	v14 =	vadd.f32 v51, v14;
	v51 =	vmul.f32 v41, v8;
	v11 =	vmul.f32 v11, v9  }
0x24f: {  	v46 =	vld [tilespmem:s18+$0xDAB0];
	v10 =	vadd.f32 v50, v10;
	v22 =	vmul.f32 v22, v8;
	v19 =	vmul.f32 v19, v9  }
0x250: {  	v48 =	vld [tilespmem:s18+$0xFAB0];
	v21 =	vadd.f32 v47, v21;
	v15 =	vmul.f32 v15, v7;
	v17 =	vmul.f32 v17, v6  }
0x251: {  	v62 =	vld [tilespmem:s18+$0xFAD0];
	v63 =	vmul.f32 v30, v8;
	v2 =	vadd.f32 v12, v2;
	v13 =	vadd.f32 v16, v13  }
0x252: {  	v50 =	vld [tilespmem:s18+$0x9AC0];
	v38 =	vmul.f32 v26, v7;
	v10 =	vadd.f32 v52, v10;
	v14 =	vadd.f32 v53, v14  }
0x253: {  	v37 =	vld [tilespmem:s18+$0x9AE0];
	v39 =	vmul.f32 v28, v6;
	v12 =	vadd.f32 v55, v54;
	v16 =	vadd.f32 v57, v56  }
0x254: {  	v25 =	vadd.f32 v45, v44;
	v52 =	vld [tilespmem:s18+$0xBAC0];
	v54 =	vmul.f32 v40, v6;
	v55 =	vmul.f32 v23, v7  }
0x255: {  	v53 =	vld [tilespmem:s18+$0xDAC0];
	v21 =	vadd.f32 v36, v21;
	v57 =	vmul.f32 v18, v6;
	v36 =	vmul.f32 v43, v9  }
0x256: {  	v56 =	vld [tilespmem:s18+$0x9AD0];
	v11 =	vadd.f32 v11, v51;
	v19 =	vadd.f32 v19, v22;
	v43 =	vmul.f32 v46, v7  }
0x257: {  	v40 =	vld [tilespmem:s18+$0xBAE0];
	v44 =	vmul.f32 v48, v6;
	v12 =	vadd.f32 v58, v12;
	v16 =	vadd.f32 v60, v16  }
0x258: {  	v45 =	vld [tilespmem:s18+$0x9AF0];
	v25 =	vadd.f32 v49, v25;
	v60 =	vmul.f32 v20, v8;
	v41 =	vadd.f32 v36, v63  }
0x259: {  	v48 =	vld [tilespmem:s18+$0xBAF0];
	v11 =	vadd.f32 v15, v11;
	v19 =	vadd.f32 v55, v19;
	v46 =	vmul.f32 v50, v8  }
0x25a: {  	v58 =	vld [tilespmem:s18+$0xBAD0];
	[tilespmem:s18+$0x13680] =	vst v2;
	v55 =	vmul.f32 v37, v8;
	v12 =	vadd.f32 v59, v12;
	v16 =	vadd.f32 v61, v16  }
0x25b: {  	[tilespmem:s18+$0x13690] =	vst v13;
	v50 =	vld [tilespmem:s18+$0xDAE0];
	v25 =	vadd.f32 v54, v25;
	v61 =	vmul.f32 v24, v9;
	v13 =	vadd.f32 v43, v41  }
0x25c: {  	[tilespmem:s18+$0x136A0] =	vst v10;
	v59 =	vld [tilespmem:s18+$0xDAD0];
	v11 =	vadd.f32 v57, v11;
	v47 =	vmul.f32 v52, v9;
	v49 =	vmul.f32 v56, v8  }
0x25d: {  	v27 =	vld [tilespmem:s18+$0xFAC0];
	[tilespmem:s18+$0x136B0] =	vst v14;
	v17 =	vadd.f32 v17, v19;
	v51 =	vmul.f32 v53, v7;
	v56 =	vmul.f32 v40, v9  }
0x25e: {  	[tilespmem:s18+$0x136E0] =	vst v21;
	v52 =	vld [tilespmem:s18+$0xDAF0];
	v8 =	vmul.f32 v45, v8;
	v2 =	vadd.f32 v61, v60;
	v13 =	vadd.f32 v44, v13  }
0x25f: {  	v54 =	vld [tilespmem:s18+$0xFAE0];
	[tilespmem:s18+$0x136C0] =	vst v12;
	v61 =	vmul.f32 v62, v6;
	v18 =	vmul.f32 v58, v9;
	v10 =	vadd.f32 v47, v46  }
0x260: {  	v57 =	vld [tilespmem:s18+$0xFAF0];
	[tilespmem:s18+$0x136D0] =	vst v16;
	v9 =	vmul.f32 v48, v9;
	v58 =	vadd.f32 v56, v55;
	v2 =	vadd.f32 v38, v2  }
0x261: {  	[tilespmem:s18+$0x136F0] =	vst v25;
	v60 =	vmul.f32 v50, v7;
	v14 =	vadd.f32 v18, v49;
	v53 =	vmul.f32 v59, v7  }
0x262: {  	[tilespmem:s18+$0x13A80] =	vst v11;
	v10 =	vadd.f32 v51, v10;
	v59 =	vmul.f32 v27, v6;
	v2 =	vadd.f32 v39, v2  }
0x263: {  	[tilespmem:s18+$0x13A90] =	vst v17;
	v8 =	vadd.f32 v9, v8;
	v7 =	vmul.f32 v52, v7;
	v14 =	vadd.f32 v53, v14  }
0x264: {  	p0 =	sne.s32 s17, $0x7C;
	v63 =	vmul.f32 v54, v6;
	v62 =	vadd.f32 v60, v58;
	[tilespmem:s18+$0x13AA0] =	vst v2;
	v2 =	vadd.f32 v59, v10  }
.Ltmp2:
0x265: {  	[tilespmem:s18+$0x13AB0] =	vst v13;
	v6 =	vmul.f32 v57, v6;
	v7 =	vadd.f32 v7, v8;
	v9 =	vadd.f32 v61, v14;
	(pc) =	sbr.rel @p0 .LBB2_7-.Ltmp2, $4  }
0x266: {  	[tilespmem:s18+$0x13AC0] =	vst v2;
	v2 =	vadd.f32 v63, v62  }
0x267: {  	v6 =	vadd.f32 v6, v7;
	[tilespmem:s18+$0x13AD0] =	vst v9  }
0x268: {  	[tilespmem:s18+$0x13AE0] =	vst v2  }
0x269: {  	s16 =	sadd.s32 $0x80, s16;
	s6 =	sadd.s32 $0x100, s6;
	s17 =	sadd.s32 $0x4, s17;
	[tilespmem:s18+$0x13AF0] =	vst v6  }
0x26a: {  	s14 =	sadd.s32 $0x1, s14  }
0x26b: {  	s6 =	sshll.u32 s15, $0xD;
	s25 =	simm.s32 $0x13680;
	p0 =	sne.s32 s14, $0x8  }
.Ltmp3:
0x26c: {  	s9 =	sadd.s32 $0x40, s9;
	s12 =	sadd.s32 $0x40, s12;
	(pc) =	sbr.rel @p0 .LBB2_4-.Ltmp3, $4  }
0x26d: {  	s31 =	sadd.s32 $0x40, s31;
	s0 =	sadd.s32 $0x40, s0;
	s6 =	sadd.s32 s8, s6  }
0x26e: {  	s1 =	sadd.s32 $0x40, s1;
	s13 =	sadd.s32 $0x40, s13;
	s6 =	sshrl.u32 s6, $0x3  }
0x26f: {  	s10 =	sadd.s32 $0x40, s10;
	s5 =	sadd.s32 $0x40, s5;
	s6 =	sadd.s32 s3, s6  }
0x270: {  	[hbm4b:s6+s4] =	stream.linear.scatter [tilespmem:s25], [sflag:$0x2], $0x2000, $0x38;
	[tilespmem:$0x15680] =	vst v63  }
0x271: {  	_ =	swait.ge [sflag:s11], $0x8000  }
0x272: {  	[sflag:s11] =	ssyncset.done $0x0  }
0x273: {  	s1 =	simm.s32 $0x2;
	[sflag:s11] =	ssyncadd.s32 $0xFFFF8000  }
0x274: {  	_ =	swait.ge [sflag:s1], $0x2000  }
0x275: {  	[sflag:s1] =	ssyncset.done $0x0  }
0x276: {  	[sflag:s1] =	ssyncadd.s32 $0xFFFFE000  }
0x277: {  	_ =	swait.ge [sflag:s1], $0x2000  }
0x278: {  	s5 =	rddreg [dreg:$0x8]  }
0x279: {  	s0 =	rddreg [dreg:$0x7];
	s5 =	sadd.s32 $0x1, s5  }
0x27a: {  	p0 =	sne.s32 s5, s0  }
.Ltmp4:
0x27b: {  	_ = 	snop;
	(pc) =	sbr.rel @p0 .LBB2_1-.Ltmp4, $3  }
0x27c: {  	_ =	sdelay $0x1  }
0x27d: {  	[sflag:s1] =	ssyncset.done $0x0  }
0x27e: {  	[sflag:s1] =	ssyncadd.s32 $0xFFFFE000  }
0x27f: {  	_ =	sfence.sel $0x180000  }
0x280: {  	[bflag:$0x0] =	sbarrier.arrive $0xFFFF  }
0x281: {  	_ =	strace $0x90000047  }
0x282: {  	s0 =	stileid.u32;
	[bflag:$0x2] =	sbarrier.arrive $0xFFFF  }
0x283: {  	p0 =	sne.s32 s0, $0x0;
	s0 =	rddreg [dreg:$0x3]  }
0x284: {  	s0 =	sadd.s32 @!p0 $0x100000, s0  }
0x285: {  	[sflag:s0] =	ssyncadd.tile.s32 @!p0 $0x1;
	_ =	shalt  }
.Lfunc_end2:
_tile_overlayer_lowered:
.L_overlay_start_2:
0x286: {  	(tag) =	ssettag $0x2  }
0x287: {  	s0 =	rddreg [dreg:$0x0];
	s2 =	stileid.u32  }
0x288: {  	s1 =	rddreg [dreg:$0x1];
	p0 =	sne.s32 s2, $0x0  }
0x289: {  	s3 =	rddreg [dreg:$0x2];
	[bflag:$0x3] =	sbarrier.arrive $0xFFFF;
	s2 =	simm.s32 @!p0 $0x1C03  }
0x28a: {  	[timem:s3], [sflag:s2] =	dma.local @!p0 [hbm:s0], s1  }
0x28b: {  	s0 =	simm.s32 @!p0 $0x3  }
0x28c: {  	_ =	swait.ge @!p0 [sflag:s0], s1  }
0x28d: {  	s1 =	ssub.s32 @!p0 $0x0, s1;
	[sflag:s0] =	ssyncset.done @!p0 $0x0  }
0x28e: {  	[sflag:s0] =	ssyncadd.s32 @!p0 s1  }
0x28f: {  	[bflag:$0x3] =	sbarrier.arrive $0xFFFF  }
0x290: {  	_ =	shalt  }

</sc_bundles>
